<compile_context>
chip_gen: v7x
topology: tpu7x:2x2x1
jax: 0.10.2.dev20260603
libtpu: 0.0.44.dev20260713+nightly
codegen_flags: <defaults>
</compile_context>

<pallas_src>
import functools
import math

import jax
import jax.numpy as jnp
from jax import lax
from jax.experimental import pallas as pl
from jax.experimental.pallas import tpu as pltpu
from jax.experimental.pallas import tpu_sc as plsc

NC = 2
NS = 16
NW = NC * NS
L = 16

_MESH = plsc.VectorSubcoreMesh(core_axis_name="c", subcore_axis_name="s")


def _sc_gcn(n_pad, n_vec, nb, d, sb, eb, nbuf):
    rows_per_tile = n_pad // NS
    vec_per_tile = n_vec // NS
    fgroups = d // L
    n_stages = nb // sb

    @functools.partial(
        pl.kernel,
        out_type=[
            jax.ShapeDtypeStruct((n_pad, d), jnp.float32),
            jax.ShapeDtypeStruct((n_pad, d), jnp.float32),
        ],
        mesh=_MESH,
        compiler_params=pltpu.CompilerParams(needs_layout_passes=False),
        scratch_types=[
            pltpu.VMEM((sb, eb), jnp.int32),
            pltpu.VMEM((sb, eb), jnp.int32),
            pltpu.VMEM((sb, eb), jnp.float32),
            pltpu.VMEM((n_vec,), jnp.float32),
            pltpu.VMEM_SHARED((n_vec,), jnp.float32),
            pltpu.VMEM_SHARED((n_pad, d), jnp.float32),
        ]
        + [pltpu.VMEM((eb, d), jnp.float32) for _ in range(nbuf)]
        + [pltpu.SemaphoreType.DMA for _ in range(2 * nbuf)],
    )
    def gcn_sc(row_g, col_g, w_g, h_hbm, out0, out1,
               rowbuf, colbuf, wbuf, dinv_loc,
               deg_sh, acc, *bufs_sems):
        bufs = bufs_sems[:nbuf]
        gsems = bufs_sems[nbuf:2 * nbuf]
        ssems = bufs_sems[2 * nbuf:]
        cid = lax.axis_index("c")
        sid = lax.axis_index("s")
        wid = sid * NC + cid
        row_base = sid * rows_per_tile
        vec_base = sid * vec_per_tile
        rslice = pl.ds(row_base, rows_per_tile)
        zv = jnp.zeros((L,), jnp.float32)
        rows = bufs[0]

        def zbody(e, c):
            for f in range(fgroups):
                rows[e, pl.ds(f * L, L)] = zv
            return c
        lax.fori_loop(0, eb, zbody, 0)
        nz = rows_per_tile // eb
        for k in range(nz):
            pltpu.sync_copy(rows, acc.at[pl.ds(row_base + k * eb, eb)])
        rem = rows_per_tile % eb
        if rem:
            pltpu.sync_copy(rows.at[pl.ds(0, rem)],
                            acc.at[pl.ds(row_base + nz * eb, rem)])
        for k in range(vec_per_tile // eb):
            pltpu.sync_copy(rows.at[0, pl.ds(0, eb)],
                            deg_sh.at[pl.ds(vec_base + k * eb, eb)])
        vrem = vec_per_tile % eb
        if vrem:
            pltpu.sync_copy(
                rows.at[0, pl.ds(0, vrem)],
                deg_sh.at[pl.ds(vec_base + (vec_per_tile // eb) * eb,
                                vrem)])
        plsc.subcore_barrier()

        def dstage(stq, c):
            chunk = 2 * sid * n_stages + stq
            pltpu.sync_copy(col_g.at[chunk], colbuf)
            pltpu.sync_copy(w_g.at[chunk], wbuf)

            def dbody(j, c2):
                pltpu.sync_copy(wbuf.at[j], deg_sh.at[colbuf.at[j]],
                                add=True)
                return c2
            lax.fori_loop(0, sb, dbody, 0)
            return c
        lax.fori_loop(0, 2 * n_stages, dstage, 0)
        plsc.subcore_barrier()

        slicebuf = dinv_loc.at[pl.ds(0, vec_per_tile)]
        pltpu.sync_copy(deg_sh.at[pl.ds(vec_base, vec_per_tile)], slicebuf)

        def nbody(t, c):
            sl = pl.ds(t * L, L)
            xv = jnp.maximum(slicebuf[sl], 1e-12)
            s = jnp.maximum(xv, 1.0)
            for _ in range(15):
                s = 0.5 * (s + xv / s)
            slicebuf[sl] = s / xv
            return c
        lax.fori_loop(0, vec_per_tile // L, nbody, 0)
        pltpu.sync_copy(slicebuf, deg_sh.at[pl.ds(vec_base, vec_per_tile)])
        plsc.subcore_barrier()
        pltpu.sync_copy(deg_sh, dinv_loc)

        def scale_rows(buf, j):
            jv = jnp.broadcast_to(j, (L,)).astype(jnp.int32)

            def ebody(e, c3):
                ei = jnp.broadcast_to(e, (L,)).astype(jnp.int32)
                s = plsc.load_gather(wbuf, [jv, ei])
                for f in range(fgroups):
                    fs = pl.ds(f * L, L)
                    buf[e, fs] = buf[e, fs] * s
                return c3
            lax.fori_loop(0, eb, ebody, 0, unroll=4)

        def stage_body(st, c):
            chunk = wid * n_stages + st
            pltpu.sync_copy(row_g.at[chunk], rowbuf)
            pltpu.sync_copy(col_g.at[chunk], colbuf)
            pltpu.sync_copy(w_g.at[chunk], wbuf)

            for t in range(sb * eb // L):
                jj, gg = divmod(t, eb // L)
                sl = pl.ds(gg * L, L)
                rv = rowbuf[jj, sl]
                cv = colbuf[jj, sl]
                dr = plsc.load_gather(dinv_loc, [rv])
                dc = plsc.load_gather(dinv_loc, [cv])
                wbuf[jj, sl] = wbuf[jj, sl] * dr * dc

            lead = nbuf - 2
            gath = [None] * nbuf
            scat = [None] * nbuf
            for j in range(min(lead, sb)):
                gath[j] = pltpu.async_copy(
                    h_hbm.at[rowbuf.at[j]], bufs[j], gsems[j])
            for j in range(sb):
                p = j % nbuf
                jn = j + lead
                if jn < sb:
                    q = jn % nbuf
                    if scat[q] is not None:
                        scat[q].wait()
                    gath[q] = pltpu.async_copy(
                        h_hbm.at[rowbuf.at[jn]], bufs[q], gsems[q])
                gath[p].wait()
                scale_rows(bufs[p], j)
                scat[p] = pltpu.async_copy(
                    bufs[p], acc.at[colbuf.at[j]], ssems[p], add=True)
            for des in scat:
                if des is not None:
                    des.wait()
            return c
        lax.fori_loop(0, n_stages, stage_body, 0)
        plsc.subcore_barrier()

        @pl.when(cid == 0)
        def _():
            pltpu.sync_copy(acc.at[rslice], out0.at[rslice])

        @pl.when(cid == 1)
        def _():
            pltpu.sync_copy(acc.at[rslice], out1.at[rslice])

    return gcn_sc


def _tc_matmul(x_pad, W):
    n_pad, d_in = x_pad.shape
    d_out = W.shape[1]
    blk = 632
    return pl.pallas_call(
        lambda x_ref, w_ref, h_ref: h_ref.__setitem__(
            ..., jnp.dot(x_ref[...], w_ref[...],
                         preferred_element_type=jnp.float32)),
        grid=(n_pad // blk,),
        in_specs=[pl.BlockSpec((blk, d_in), lambda i: (i, 0)),
                  pl.BlockSpec((d_in, d_out), lambda i: (0, 0))],
        out_specs=pl.BlockSpec((blk, d_out), lambda i: (i, 0)),
        out_shape=jax.ShapeDtypeStruct((n_pad, d_out), jnp.float32),
    )(x_pad, W)


def _tc_combine(p0, p1, b2d, n, d):
    blk = 80
    return pl.pallas_call(
        lambda a_ref, b_ref, c_ref, o_ref: o_ref.__setitem__(
            ..., a_ref[...] + b_ref[...] + c_ref[...]),
        grid=(n // blk,),
        in_specs=[pl.BlockSpec((blk, d), lambda i: (i, 0)),
                  pl.BlockSpec((blk, d), lambda i: (i, 0)),
                  pl.BlockSpec((1, d), lambda i: (0, 0))],
        out_specs=pl.BlockSpec((blk, d), lambda i: (i, 0)),
        out_shape=jax.ShapeDtypeStruct((n, d), jnp.float32),
    )(p0, p1, b2d)


def kernel(x, edge_index, edge_weight, W, b):
    n, d_in = x.shape
    d = W.shape[1]
    e = edge_index.shape[1]

    eb = 96
    nbuf = 3
    sb_pref = 3
    tile_q = math.lcm(sb_pref * eb, eb)
    e_full = e + n
    per_chunk = -(-e_full // (NW * tile_q)) * tile_q
    e_pad = per_chunk * NW
    nb = per_chunk // eb
    pad = e_pad - e_full

    idx_dtype = edge_index.dtype
    loop_idx = jnp.arange(n, dtype=idx_dtype)
    zpad_i = jnp.zeros((pad,), dtype=idx_dtype)
    row_full = jnp.concatenate([edge_index[0], loop_idx, zpad_i])
    col_full = jnp.concatenate([edge_index[1], loop_idx, zpad_i])
    w_full = jnp.concatenate([edge_weight, jnp.ones((n,), jnp.float32),
                              jnp.zeros((pad,), jnp.float32)])

    n_pad = -(-n // (NS * 8)) * (NS * 8)
    n_vec = -(-n // (NS * L)) * (NS * L)

    sb = next(s for s in (sb_pref, 3, 2, 1) if nb % s == 0)
    n_stages = nb // sb
    row_s = row_full.reshape(NW * n_stages, sb, eb).astype(jnp.int32)
    col_s = col_full.reshape(NW * n_stages, sb, eb).astype(jnp.int32)
    w_s = w_full.reshape(NW * n_stages, sb, eb)
    x_pad = jnp.pad(x, ((0, n_pad - n), (0, 0)))

    h = _tc_matmul(x_pad, W)
    p0, p1 = _sc_gcn(n_pad, n_vec, nb, d, sb, eb, nbuf)(
        row_s, col_s, w_s, h)
    out = _tc_combine(p0, p1, b.reshape(1, d), n, d)
    return out

# --- scband reference (transcript-rebuilt; emitter-appended) ---
"""Pipeline reference for scband-custom-net-25821343384147 (READ-ONLY COPY).

The authoritative reference and input builder live on the scoring server;
editing this copy changes nothing except your own understanding.
"""

import jax, jax.numpy as jnp
import numpy as np

N = 10000
E = 320000
D_IN = 128
D_OUT = 128


def setup_inputs(seed: int = 0) -> dict:
    key = jax.random.key(seed)
    k1, k2, k3, k4 = jax.random.split(key, 4)
    x = jax.random.normal(k1, (N, D_IN), dtype=jnp.float32)
    edge_index = jax.random.randint(k2, (2, E), 0, N, dtype=jnp.int32)
    edge_weight = jax.random.uniform(k3, (E,), dtype=jnp.float32)
    # GCNConv learned params: lin weight (no bias in lin) + conv bias
    W = jax.random.normal(k4, (D_IN, D_OUT), dtype=jnp.float32) * (1.0 / np.sqrt(D_IN))
    b = jnp.zeros((D_OUT,), dtype=jnp.float32)
    return {"x": x, "edge_index": edge_index, "edge_weight": edge_weight, "W": W, "b": b}


def reference(x, edge_index, edge_weight, W, b):
    # CustomNet(layer_type='GCN', ds_dim=0, dropout=0, is_trunk=False) forward:
    # out = GCNConv(in_dim, out_dim)(x, edge_index, edge_weight)
    # GCNConv: h = x @ W; gcn_norm adds self-loops (weight 1) and applies
    # symmetric normalization D^{-1/2} (A + I) D^{-1/2}; aggregate sum; add bias.
    row = edge_index[0]
    col = edge_index[1]
    loop_idx = jnp.arange(N, dtype=edge_index.dtype)
    row_full = jnp.concatenate([row, loop_idx])
    col_full = jnp.concatenate([col, loop_idx])
    w_full = jnp.concatenate([edge_weight, jnp.ones((N,), dtype=edge_weight.dtype)])
    deg = jax.ops.segment_sum(w_full, col_full, num_segments=N)
    dinv = jnp.where(deg > 0, jax.lax.rsqrt(jnp.maximum(deg, 1e-12)), 0.0)
    norm = dinv[row_full] * w_full * dinv[col_full]
    h = x @ W
    msgs = h[row_full] * norm[:, None]
    out = jax.ops.segment_sum(msgs, col_full, num_segments=N) + b
    return out

if __name__ == "__main__":
    import jax
    _d = setup_inputs()
    print(jax.jit(kernel)(*tuple(_d.values())))

</pallas_src>

<mosaic_0001>
#map = affine_map<(d0, d1) -> (0, 0, 0)>
#map1 = affine_map<(d0, d1) -> (0, 0)>
module attributes {stable_mosaic.version = 14 : i64} {
  func.func @gcn_sc(%arg0: i32, %arg1: i32, %arg2: memref<1152x3x96xi32, #tpu.memory_space<hbm>>, %arg3: memref<1152x3x96xi32, #tpu.memory_space<hbm>>, %arg4: memref<1152x3x96xf32, #tpu.memory_space<hbm>>, %arg5: memref<10112x128xf32, #tpu.memory_space<hbm>>, %arg6: memref<10112x128xf32, #tpu.memory_space<hbm>>, %arg7: memref<10112x128xf32, #tpu.memory_space<hbm>>, %arg8: memref<3x96xi32, #tpu.memory_space<vmem>>, %arg9: memref<3x96xi32, #tpu.memory_space<vmem>>, %arg10: memref<3x96xf32, #tpu.memory_space<vmem>>, %arg11: memref<10240xf32, #tpu.memory_space<vmem>>, %arg12: memref<10240xf32, #tpu.memory_space<vmem_shared>>, %arg13: memref<10112x128xf32, #tpu.memory_space<vmem_shared>>, %arg14: memref<96x128xf32, #tpu.memory_space<vmem>>, %arg15: memref<96x128xf32, #tpu.memory_space<vmem>>, %arg16: memref<96x128xf32, #tpu.memory_space<vmem>>, %arg17: memref<!tpu.dma_semaphore, #tpu.memory_space<semaphore_mem>>, %arg18: memref<!tpu.dma_semaphore, #tpu.memory_space<semaphore_mem>>, %arg19: memref<!tpu.dma_semaphore, #tpu.memory_space<semaphore_mem>>, %arg20: memref<!tpu.dma_semaphore, #tpu.memory_space<semaphore_mem>>, %arg21: memref<!tpu.dma_semaphore, #tpu.memory_space<semaphore_mem>>, %arg22: memref<!tpu.dma_semaphore, #tpu.memory_space<semaphore_mem>>) attributes {dimension_semantics = [#tpu.dimension_semantics<core_parallel>, #tpu.dimension_semantics<subcore_parallel>], iteration_bounds = array<i64: 2, 16>, scalar_prefetch = 0 : i64, scratch_operands = 15 : i64, tpu.core_type = #tpu.core_type<sc_vector_subcore>, window_params = [{transform_indices = #map}, {transform_indices = #map}, {transform_indices = #map}, {transform_indices = #map1}, {transform_indices = #map1}, {transform_indices = #map1}]} {
    %mul3A = arith.constant 2 : i32
    %mul3A_0 = arith.muli %arg1, %mul3A : i32
    %add3A = arith.addi %mul3A_0, %arg0 : i32
    %mul3A_1 = arith.constant 632 : i32
    %mul3A_2 = arith.muli %arg1, %mul3A_1 : i32
    %mul3A_3 = arith.constant 640 : i32
    %mul3A_4 = arith.muli %arg1, %mul3A_3 : i32
    %broadcast_in_dim3A = arith.constant 0.000000e+00 : f32
    %broadcast_in_dim3A_5 = vector.broadcast %broadcast_in_dim3A : f32 to vector<16xf32>
    %scan3A = arith.constant 0 : i32
    %scan3A_6 = arith.constant 0 : i32
    %scan3A_7 = arith.constant 96 : i32
    %scan3A_8 = arith.addi %scan3A_6, %scan3A_7 : i32
    %scan3A_9 = arith.constant 1 : i32
    scf.for %scan3A_73 = %scan3A_6 to %scan3A_8 step %scan3A_9  : i32 {
      %swap3A = arith.index_cast %scan3A_73 : i32 to index
      %swap3A_74 = arith.constant 0 : index
      %swap3A_75 = tpu.vector_load %arg14[%swap3A, %swap3A_74] {strides = array<i32>} : memref<96x128xf32, #tpu.memory_space<vmem>>, vector<16xf32>,
      tpu.vector_store %arg14[%swap3A, %swap3A_74], %broadcast_in_dim3A_5 {strides = array<i32>} : memref<96x128xf32, #tpu.memory_space<vmem>>, vector<16xf32>,
      %swap3A_76 = arith.index_cast %scan3A_73 : i32 to index
      %swap3A_77 = arith.constant 16 : index
      %swap3A_78 = tpu.vector_load %arg14[%swap3A_76, %swap3A_77] {strides = array<i32>} : memref<96x128xf32, #tpu.memory_space<vmem>>, vector<16xf32>,
      tpu.vector_store %arg14[%swap3A_76, %swap3A_77], %broadcast_in_dim3A_5 {strides = array<i32>} : memref<96x128xf32, #tpu.memory_space<vmem>>, vector<16xf32>,
      %swap3A_79 = arith.index_cast %scan3A_73 : i32 to index
      %swap3A_80 = arith.constant 32 : index
      %swap3A_81 = tpu.vector_load %arg14[%swap3A_79, %swap3A_80] {strides = array<i32>} : memref<96x128xf32, #tpu.memory_space<vmem>>, vector<16xf32>,
      tpu.vector_store %arg14[%swap3A_79, %swap3A_80], %broadcast_in_dim3A_5 {strides = array<i32>} : memref<96x128xf32, #tpu.memory_space<vmem>>, vector<16xf32>,
      %swap3A_82 = arith.index_cast %scan3A_73 : i32 to index
      %swap3A_83 = arith.constant 48 : index
      %swap3A_84 = tpu.vector_load %arg14[%swap3A_82, %swap3A_83] {strides = array<i32>} : memref<96x128xf32, #tpu.memory_space<vmem>>, vector<16xf32>,
      tpu.vector_store %arg14[%swap3A_82, %swap3A_83], %broadcast_in_dim3A_5 {strides = array<i32>} : memref<96x128xf32, #tpu.memory_space<vmem>>, vector<16xf32>,
      %swap3A_85 = arith.index_cast %scan3A_73 : i32 to index
      %swap3A_86 = arith.constant 64 : index
      %swap3A_87 = tpu.vector_load %arg14[%swap3A_85, %swap3A_86] {strides = array<i32>} : memref<96x128xf32, #tpu.memory_space<vmem>>, vector<16xf32>,
      tpu.vector_store %arg14[%swap3A_85, %swap3A_86], %broadcast_in_dim3A_5 {strides = array<i32>} : memref<96x128xf32, #tpu.memory_space<vmem>>, vector<16xf32>,
      %swap3A_88 = arith.index_cast %scan3A_73 : i32 to index
      %swap3A_89 = arith.constant 80 : index
      %swap3A_90 = tpu.vector_load %arg14[%swap3A_88, %swap3A_89] {strides = array<i32>} : memref<96x128xf32, #tpu.memory_space<vmem>>, vector<16xf32>,
      tpu.vector_store %arg14[%swap3A_88, %swap3A_89], %broadcast_in_dim3A_5 {strides = array<i32>} : memref<96x128xf32, #tpu.memory_space<vmem>>, vector<16xf32>,
      %swap3A_91 = arith.index_cast %scan3A_73 : i32 to index
      %swap3A_92 = arith.constant 96 : index
      %swap3A_93 = tpu.vector_load %arg14[%swap3A_91, %swap3A_92] {strides = array<i32>} : memref<96x128xf32, #tpu.memory_space<vmem>>, vector<16xf32>,
      tpu.vector_store %arg14[%swap3A_91, %swap3A_92], %broadcast_in_dim3A_5 {strides = array<i32>} : memref<96x128xf32, #tpu.memory_space<vmem>>, vector<16xf32>,
      %swap3A_94 = arith.index_cast %scan3A_73 : i32 to index
      %swap3A_95 = arith.constant 112 : index
      %swap3A_96 = tpu.vector_load %arg14[%swap3A_94, %swap3A_95] {strides = array<i32>} : memref<96x128xf32, #tpu.memory_space<vmem>>, vector<16xf32>,
      tpu.vector_store %arg14[%swap3A_94, %swap3A_95], %broadcast_in_dim3A_5 {strides = array<i32>} : memref<96x128xf32, #tpu.memory_space<vmem>>, vector<16xf32>,
    }
    %scan3A_10 = arith.constant 96 : i32
    %add3A_11 = arith.constant 0 : i32
    %add3A_12 = arith.addi %mul3A_2, %add3A_11 : i32
    "tpu.region"() ({
      %run_scoped3A_73 = tpu.sem_alloc : memref<!tpu.dma_semaphore, #tpu.memory_space<semaphore_mem>>
      %dma_start3A = arith.constant 0 : i32
      %dma_start3A_74 = tpu.memref_slice %arg13[%add3A_12, %dma_start3A] : memref<10112x128xf32, #tpu.memory_space<vmem_shared>> -> memref<96x128xf32, #tpu.memory_space<vmem_shared>>
      %dma_start3A_75 = arith.constant 0 : i32
      %dma_start3A_76 = tpu.memref_slice %arg13[%add3A_12, %dma_start3A_75] : memref<10112x128xf32, #tpu.memory_space<vmem_shared>> -> memref<96x128xf32, #tpu.memory_space<vmem_shared>>
      tpu.enqueue_dma source(%arg14 : memref<96x128xf32, #tpu.memory_space<vmem>>) target(%dma_start3A_76 : memref<96x128xf32, #tpu.memory_space<vmem_shared>>) target_semaphore(%run_scoped3A_73 : memref<!tpu.dma_semaphore, #tpu.memory_space<semaphore_mem>>)
      %dma_wait3A = arith.constant 0 : i32
      %dma_wait3A_77 = tpu.memref_slice %arg13[%add3A_12, %dma_wait3A] : memref<10112x128xf32, #tpu.memory_space<vmem_shared>> -> memref<96x128xf32, #tpu.memory_space<vmem_shared>>
      %dma_wait3A_78 = arith.constant 0 : i32
      %dma_wait3A_79 = tpu.memref_slice %arg13[%add3A_12, %dma_wait3A_78] : memref<10112x128xf32, #tpu.memory_space<vmem_shared>> -> memref<96x128xf32, #tpu.memory_space<vmem_shared>>
      tpu.wait_dma2 semaphore(%run_scoped3A_73 : memref<!tpu.dma_semaphore, #tpu.memory_space<semaphore_mem>>) src(%arg14 : memref<96x128xf32, #tpu.memory_space<vmem>>) dst(%dma_wait3A_79 : memref<96x128xf32, #tpu.memory_space<vmem_shared>>)
      tpu.yield
    }) : () -> ()
    %add3A_13 = arith.constant 96 : i32
    %add3A_14 = arith.addi %mul3A_2, %add3A_13 : i32
    "tpu.region"() ({
      %run_scoped3A_73 = tpu.sem_alloc : memref<!tpu.dma_semaphore, #tpu.memory_space<semaphore_mem>>
      %dma_start3A = arith.constant 0 : i32
      %dma_start3A_74 = tpu.memref_slice %arg13[%add3A_14, %dma_start3A] : memref<10112x128xf32, #tpu.memory_space<vmem_shared>> -> memref<96x128xf32, #tpu.memory_space<vmem_shared>>
      %dma_start3A_75 = arith.constant 0 : i32
      %dma_start3A_76 = tpu.memref_slice %arg13[%add3A_14, %dma_start3A_75] : memref<10112x128xf32, #tpu.memory_space<vmem_shared>> -> memref<96x128xf32, #tpu.memory_space<vmem_shared>>
      tpu.enqueue_dma source(%arg14 : memref<96x128xf32, #tpu.memory_space<vmem>>) target(%dma_start3A_76 : memref<96x128xf32, #tpu.memory_space<vmem_shared>>) target_semaphore(%run_scoped3A_73 : memref<!tpu.dma_semaphore, #tpu.memory_space<semaphore_mem>>)
      %dma_wait3A = arith.constant 0 : i32
      %dma_wait3A_77 = tpu.memref_slice %arg13[%add3A_14, %dma_wait3A] : memref<10112x128xf32, #tpu.memory_space<vmem_shared>> -> memref<96x128xf32, #tpu.memory_space<vmem_shared>>
      %dma_wait3A_78 = arith.constant 0 : i32
      %dma_wait3A_79 = tpu.memref_slice %arg13[%add3A_14, %dma_wait3A_78] : memref<10112x128xf32, #tpu.memory_space<vmem_shared>> -> memref<96x128xf32, #tpu.memory_space<vmem_shared>>
      tpu.wait_dma2 semaphore(%run_scoped3A_73 : memref<!tpu.dma_semaphore, #tpu.memory_space<semaphore_mem>>) src(%arg14 : memref<96x128xf32, #tpu.memory_space<vmem>>) dst(%dma_wait3A_79 : memref<96x128xf32, #tpu.memory_space<vmem_shared>>)
      tpu.yield
    }) : () -> ()
    %add3A_15 = arith.constant 192 : i32
    %add3A_16 = arith.addi %mul3A_2, %add3A_15 : i32
    "tpu.region"() ({
      %run_scoped3A_73 = tpu.sem_alloc : memref<!tpu.dma_semaphore, #tpu.memory_space<semaphore_mem>>
      %dma_start3A = arith.constant 0 : i32
      %dma_start3A_74 = tpu.memref_slice %arg13[%add3A_16, %dma_start3A] : memref<10112x128xf32, #tpu.memory_space<vmem_shared>> -> memref<96x128xf32, #tpu.memory_space<vmem_shared>>
      %dma_start3A_75 = arith.constant 0 : i32
      %dma_start3A_76 = tpu.memref_slice %arg13[%add3A_16, %dma_start3A_75] : memref<10112x128xf32, #tpu.memory_space<vmem_shared>> -> memref<96x128xf32, #tpu.memory_space<vmem_shared>>
      tpu.enqueue_dma source(%arg14 : memref<96x128xf32, #tpu.memory_space<vmem>>) target(%dma_start3A_76 : memref<96x128xf32, #tpu.memory_space<vmem_shared>>) target_semaphore(%run_scoped3A_73 : memref<!tpu.dma_semaphore, #tpu.memory_space<semaphore_mem>>)
      %dma_wait3A = arith.constant 0 : i32
      %dma_wait3A_77 = tpu.memref_slice %arg13[%add3A_16, %dma_wait3A] : memref<10112x128xf32, #tpu.memory_space<vmem_shared>> -> memref<96x128xf32, #tpu.memory_space<vmem_shared>>
      %dma_wait3A_78 = arith.constant 0 : i32
      %dma_wait3A_79 = tpu.memref_slice %arg13[%add3A_16, %dma_wait3A_78] : memref<10112x128xf32, #tpu.memory_space<vmem_shared>> -> memref<96x128xf32, #tpu.memory_space<vmem_shared>>
      tpu.wait_dma2 semaphore(%run_scoped3A_73 : memref<!tpu.dma_semaphore, #tpu.memory_space<semaphore_mem>>) src(%arg14 : memref<96x128xf32, #tpu.memory_space<vmem>>) dst(%dma_wait3A_79 : memref<96x128xf32, #tpu.memory_space<vmem_shared>>)
      tpu.yield
    }) : () -> ()
    %add3A_17 = arith.constant 288 : i32
    %add3A_18 = arith.addi %mul3A_2, %add3A_17 : i32
    "tpu.region"() ({
      %run_scoped3A_73 = tpu.sem_alloc : memref<!tpu.dma_semaphore, #tpu.memory_space<semaphore_mem>>
      %dma_start3A = arith.constant 0 : i32
      %dma_start3A_74 = tpu.memref_slice %arg13[%add3A_18, %dma_start3A] : memref<10112x128xf32, #tpu.memory_space<vmem_shared>> -> memref<96x128xf32, #tpu.memory_space<vmem_shared>>
      %dma_start3A_75 = arith.constant 0 : i32
      %dma_start3A_76 = tpu.memref_slice %arg13[%add3A_18, %dma_start3A_75] : memref<10112x128xf32, #tpu.memory_space<vmem_shared>> -> memref<96x128xf32, #tpu.memory_space<vmem_shared>>
      tpu.enqueue_dma source(%arg14 : memref<96x128xf32, #tpu.memory_space<vmem>>) target(%dma_start3A_76 : memref<96x128xf32, #tpu.memory_space<vmem_shared>>) target_semaphore(%run_scoped3A_73 : memref<!tpu.dma_semaphore, #tpu.memory_space<semaphore_mem>>)
      %dma_wait3A = arith.constant 0 : i32
      %dma_wait3A_77 = tpu.memref_slice %arg13[%add3A_18, %dma_wait3A] : memref<10112x128xf32, #tpu.memory_space<vmem_shared>> -> memref<96x128xf32, #tpu.memory_space<vmem_shared>>
      %dma_wait3A_78 = arith.constant 0 : i32
      %dma_wait3A_79 = tpu.memref_slice %arg13[%add3A_18, %dma_wait3A_78] : memref<10112x128xf32, #tpu.memory_space<vmem_shared>> -> memref<96x128xf32, #tpu.memory_space<vmem_shared>>
      tpu.wait_dma2 semaphore(%run_scoped3A_73 : memref<!tpu.dma_semaphore, #tpu.memory_space<semaphore_mem>>) src(%arg14 : memref<96x128xf32, #tpu.memory_space<vmem>>) dst(%dma_wait3A_79 : memref<96x128xf32, #tpu.memory_space<vmem_shared>>)
      tpu.yield
    }) : () -> ()
    %add3A_19 = arith.constant 384 : i32
    %add3A_20 = arith.addi %mul3A_2, %add3A_19 : i32
    "tpu.region"() ({
      %run_scoped3A_73 = tpu.sem_alloc : memref<!tpu.dma_semaphore, #tpu.memory_space<semaphore_mem>>
      %dma_start3A = arith.constant 0 : i32
      %dma_start3A_74 = tpu.memref_slice %arg13[%add3A_20, %dma_start3A] : memref<10112x128xf32, #tpu.memory_space<vmem_shared>> -> memref<96x128xf32, #tpu.memory_space<vmem_shared>>
      %dma_start3A_75 = arith.constant 0 : i32
      %dma_start3A_76 = tpu.memref_slice %arg13[%add3A_20, %dma_start3A_75] : memref<10112x128xf32, #tpu.memory_space<vmem_shared>> -> memref<96x128xf32, #tpu.memory_space<vmem_shared>>
      tpu.enqueue_dma source(%arg14 : memref<96x128xf32, #tpu.memory_space<vmem>>) target(%dma_start3A_76 : memref<96x128xf32, #tpu.memory_space<vmem_shared>>) target_semaphore(%run_scoped3A_73 : memref<!tpu.dma_semaphore, #tpu.memory_space<semaphore_mem>>)
      %dma_wait3A = arith.constant 0 : i32
      %dma_wait3A_77 = tpu.memref_slice %arg13[%add3A_20, %dma_wait3A] : memref<10112x128xf32, #tpu.memory_space<vmem_shared>> -> memref<96x128xf32, #tpu.memory_space<vmem_shared>>
      %dma_wait3A_78 = arith.constant 0 : i32
      %dma_wait3A_79 = tpu.memref_slice %arg13[%add3A_20, %dma_wait3A_78] : memref<10112x128xf32, #tpu.memory_space<vmem_shared>> -> memref<96x128xf32, #tpu.memory_space<vmem_shared>>
      tpu.wait_dma2 semaphore(%run_scoped3A_73 : memref<!tpu.dma_semaphore, #tpu.memory_space<semaphore_mem>>) src(%arg14 : memref<96x128xf32, #tpu.memory_space<vmem>>) dst(%dma_wait3A_79 : memref<96x128xf32, #tpu.memory_space<vmem_shared>>)
      tpu.yield
    }) : () -> ()
    %add3A_21 = arith.constant 480 : i32
    %add3A_22 = arith.addi %mul3A_2, %add3A_21 : i32
    "tpu.region"() ({
      %run_scoped3A_73 = tpu.sem_alloc : memref<!tpu.dma_semaphore, #tpu.memory_space<semaphore_mem>>
      %dma_start3A = arith.constant 0 : i32
      %dma_start3A_74 = tpu.memref_slice %arg13[%add3A_22, %dma_start3A] : memref<10112x128xf32, #tpu.memory_space<vmem_shared>> -> memref<96x128xf32, #tpu.memory_space<vmem_shared>>
      %dma_start3A_75 = arith.constant 0 : i32
      %dma_start3A_76 = tpu.memref_slice %arg13[%add3A_22, %dma_start3A_75] : memref<10112x128xf32, #tpu.memory_space<vmem_shared>> -> memref<96x128xf32, #tpu.memory_space<vmem_shared>>
      tpu.enqueue_dma source(%arg14 : memref<96x128xf32, #tpu.memory_space<vmem>>) target(%dma_start3A_76 : memref<96x128xf32, #tpu.memory_space<vmem_shared>>) target_semaphore(%run_scoped3A_73 : memref<!tpu.dma_semaphore, #tpu.memory_space<semaphore_mem>>)
      %dma_wait3A = arith.constant 0 : i32
      %dma_wait3A_77 = tpu.memref_slice %arg13[%add3A_22, %dma_wait3A] : memref<10112x128xf32, #tpu.memory_space<vmem_shared>> -> memref<96x128xf32, #tpu.memory_space<vmem_shared>>
      %dma_wait3A_78 = arith.constant 0 : i32
      %dma_wait3A_79 = tpu.memref_slice %arg13[%add3A_22, %dma_wait3A_78] : memref<10112x128xf32, #tpu.memory_space<vmem_shared>> -> memref<96x128xf32, #tpu.memory_space<vmem_shared>>
      tpu.wait_dma2 semaphore(%run_scoped3A_73 : memref<!tpu.dma_semaphore, #tpu.memory_space<semaphore_mem>>) src(%arg14 : memref<96x128xf32, #tpu.memory_space<vmem>>) dst(%dma_wait3A_79 : memref<96x128xf32, #tpu.memory_space<vmem_shared>>)
      tpu.yield
    }) : () -> ()
    %add3A_23 = arith.constant 576 : i32
    %add3A_24 = arith.addi %mul3A_2, %add3A_23 : i32
    "tpu.region"() ({
      %run_scoped3A_73 = tpu.sem_alloc : memref<!tpu.dma_semaphore, #tpu.memory_space<semaphore_mem>>
      %dma_start3A = arith.constant 0 : i32
      %dma_start3A_74 = arith.constant 0 : i32
      %dma_start3A_75 = tpu.memref_slice %arg14[%dma_start3A, %dma_start3A_74] : memref<96x128xf32, #tpu.memory_space<vmem>> -> memref<56x128xf32, #tpu.memory_space<vmem>>
      %dma_start3A_76 = arith.constant 0 : i32
      %dma_start3A_77 = tpu.memref_slice %arg13[%add3A_24, %dma_start3A_76] : memref<10112x128xf32, #tpu.memory_space<vmem_shared>> -> memref<56x128xf32, #tpu.memory_space<vmem_shared>>
      %dma_start3A_78 = arith.constant 0 : i32
      %dma_start3A_79 = tpu.memref_slice %arg13[%add3A_24, %dma_start3A_78] : memref<10112x128xf32, #tpu.memory_space<vmem_shared>> -> memref<56x128xf32, #tpu.memory_space<vmem_shared>>
      %dma_start3A_80 = arith.constant 0 : i32
      %dma_start3A_81 = arith.constant 0 : i32
      %dma_start3A_82 = tpu.memref_slice %arg14[%dma_start3A_80, %dma_start3A_81] : memref<96x128xf32, #tpu.memory_space<vmem>> -> memref<56x128xf32, #tpu.memory_space<vmem>>
      tpu.enqueue_dma source(%dma_start3A_82 : memref<56x128xf32, #tpu.memory_space<vmem>>) target(%dma_start3A_79 : memref<56x128xf32, #tpu.memory_space<vmem_shared>>) target_semaphore(%run_scoped3A_73 : memref<!tpu.dma_semaphore, #tpu.memory_space<semaphore_mem>>)
      %dma_wait3A = arith.constant 0 : i32
      %dma_wait3A_83 = arith.constant 0 : i32
      %dma_wait3A_84 = tpu.memref_slice %arg14[%dma_wait3A, %dma_wait3A_83] : memref<96x128xf32, #tpu.memory_space<vmem>> -> memref<56x128xf32, #tpu.memory_space<vmem>>
      %dma_wait3A_85 = arith.constant 0 : i32
      %dma_wait3A_86 = tpu.memref_slice %arg13[%add3A_24, %dma_wait3A_85] : memref<10112x128xf32, #tpu.memory_space<vmem_shared>> -> memref<56x128xf32, #tpu.memory_space<vmem_shared>>
      %dma_wait3A_87 = arith.constant 0 : i32
      %dma_wait3A_88 = tpu.memref_slice %arg13[%add3A_24, %dma_wait3A_87] : memref<10112x128xf32, #tpu.memory_space<vmem_shared>> -> memref<56x128xf32, #tpu.memory_space<vmem_shared>>
      %dma_wait3A_89 = arith.constant 0 : i32
      %dma_wait3A_90 = arith.constant 0 : i32
      %dma_wait3A_91 = tpu.memref_slice %arg14[%dma_wait3A_89, %dma_wait3A_90] : memref<96x128xf32, #tpu.memory_space<vmem>> -> memref<56x128xf32, #tpu.memory_space<vmem>>
      tpu.wait_dma2 semaphore(%run_scoped3A_73 : memref<!tpu.dma_semaphore, #tpu.memory_space<semaphore_mem>>) src(%dma_wait3A_91 : memref<56x128xf32, #tpu.memory_space<vmem>>) dst(%dma_wait3A_88 : memref<56x128xf32, #tpu.memory_space<vmem_shared>>)
      tpu.yield
    }) : () -> ()
    %add3A_25 = arith.constant 0 : i32
    %add3A_26 = arith.addi %mul3A_4, %add3A_25 : i32
    %run_scoped3A = arith.constant 0 : i32
    "tpu.region"() ({
      %run_scoped3A_73 = tpu.sem_alloc : memref<!tpu.dma_semaphore, #tpu.memory_space<semaphore_mem>>
      %dma_start3A = arith.constant 0 : i32
      %dma_start3A_74 = tpu.memref_slice %arg14[%run_scoped3A, %dma_start3A] : memref<96x128xf32, #tpu.memory_space<vmem>> -> memref<1x96xf32, #tpu.memory_space<vmem>>
      %dma_start3A_75 = tpu.memref_squeeze %dma_start3A_74 : memref<1x96xf32, #tpu.memory_space<vmem>> -> memref<96xf32, #tpu.memory_space<vmem>>
      %dma_start3A_76 = tpu.memref_slice %arg12[%add3A_26] : memref<10240xf32, #tpu.memory_space<vmem_shared>> -> memref<96xf32, #tpu.memory_space<vmem_shared>>
      %dma_start3A_77 = tpu.memref_slice %arg12[%add3A_26] : memref<10240xf32, #tpu.memory_space<vmem_shared>> -> memref<96xf32, #tpu.memory_space<vmem_shared>>
      %dma_start3A_78 = arith.constant 0 : i32
      %dma_start3A_79 = tpu.memref_slice %arg14[%run_scoped3A, %dma_start3A_78] : memref<96x128xf32, #tpu.memory_space<vmem>> -> memref<1x96xf32, #tpu.memory_space<vmem>>
      %dma_start3A_80 = tpu.memref_squeeze %dma_start3A_79 : memref<1x96xf32, #tpu.memory_space<vmem>> -> memref<96xf32, #tpu.memory_space<vmem>>
      tpu.enqueue_dma source(%dma_start3A_80 : memref<96xf32, #tpu.memory_space<vmem>>) target(%dma_start3A_77 : memref<96xf32, #tpu.memory_space<vmem_shared>>) target_semaphore(%run_scoped3A_73 : memref<!tpu.dma_semaphore, #tpu.memory_space<semaphore_mem>>)
      %dma_wait3A = arith.constant 0 : i32
      %dma_wait3A_81 = tpu.memref_slice %arg14[%run_scoped3A, %dma_wait3A] : memref<96x128xf32, #tpu.memory_space<vmem>> -> memref<1x96xf32, #tpu.memory_space<vmem>>
      %dma_wait3A_82 = tpu.memref_squeeze %dma_wait3A_81 : memref<1x96xf32, #tpu.memory_space<vmem>> -> memref<96xf32, #tpu.memory_space<vmem>>
      %dma_wait3A_83 = tpu.memref_slice %arg12[%add3A_26] : memref<10240xf32, #tpu.memory_space<vmem_shared>> -> memref<96xf32, #tpu.memory_space<vmem_shared>>
      %dma_wait3A_84 = tpu.memref_slice %arg12[%add3A_26] : memref<10240xf32, #tpu.memory_space<vmem_shared>> -> memref<96xf32, #tpu.memory_space<vmem_shared>>
      %dma_wait3A_85 = arith.constant 0 : i32
      %dma_wait3A_86 = tpu.memref_slice %arg14[%run_scoped3A, %dma_wait3A_85] : memref<96x128xf32, #tpu.memory_space<vmem>> -> memref<1x96xf32, #tpu.memory_space<vmem>>
      %dma_wait3A_87 = tpu.memref_squeeze %dma_wait3A_86 : memref<1x96xf32, #tpu.memory_space<vmem>> -> memref<96xf32, #tpu.memory_space<vmem>>
      tpu.wait_dma2 semaphore(%run_scoped3A_73 : memref<!tpu.dma_semaphore, #tpu.memory_space<semaphore_mem>>) src(%dma_wait3A_87 : memref<96xf32, #tpu.memory_space<vmem>>) dst(%dma_wait3A_84 : memref<96xf32, #tpu.memory_space<vmem_shared>>)
      tpu.yield
    }) : () -> ()
    %add3A_27 = arith.constant 96 : i32
    %add3A_28 = arith.addi %mul3A_4, %add3A_27 : i32
    %run_scoped3A_29 = arith.constant 0 : i32
    "tpu.region"() ({
      %run_scoped3A_73 = tpu.sem_alloc : memref<!tpu.dma_semaphore, #tpu.memory_space<semaphore_mem>>
      %dma_start3A = arith.constant 0 : i32
      %dma_start3A_74 = tpu.memref_slice %arg14[%run_scoped3A_29, %dma_start3A] : memref<96x128xf32, #tpu.memory_space<vmem>> -> memref<1x96xf32, #tpu.memory_space<vmem>>
      %dma_start3A_75 = tpu.memref_squeeze %dma_start3A_74 : memref<1x96xf32, #tpu.memory_space<vmem>> -> memref<96xf32, #tpu.memory_space<vmem>>
      %dma_start3A_76 = tpu.memref_slice %arg12[%add3A_28] : memref<10240xf32, #tpu.memory_space<vmem_shared>> -> memref<96xf32, #tpu.memory_space<vmem_shared>>
      %dma_start3A_77 = tpu.memref_slice %arg12[%add3A_28] : memref<10240xf32, #tpu.memory_space<vmem_shared>> -> memref<96xf32, #tpu.memory_space<vmem_shared>>
      %dma_start3A_78 = arith.constant 0 : i32
      %dma_start3A_79 = tpu.memref_slice %arg14[%run_scoped3A_29, %dma_start3A_78] : memref<96x128xf32, #tpu.memory_space<vmem>> -> memref<1x96xf32, #tpu.memory_space<vmem>>
      %dma_start3A_80 = tpu.memref_squeeze %dma_start3A_79 : memref<1x96xf32, #tpu.memory_space<vmem>> -> memref<96xf32, #tpu.memory_space<vmem>>
      tpu.enqueue_dma source(%dma_start3A_80 : memref<96xf32, #tpu.memory_space<vmem>>) target(%dma_start3A_77 : memref<96xf32, #tpu.memory_space<vmem_shared>>) target_semaphore(%run_scoped3A_73 : memref<!tpu.dma_semaphore, #tpu.memory_space<semaphore_mem>>)
      %dma_wait3A = arith.constant 0 : i32
      %dma_wait3A_81 = tpu.memref_slice %arg14[%run_scoped3A_29, %dma_wait3A] : memref<96x128xf32, #tpu.memory_space<vmem>> -> memref<1x96xf32, #tpu.memory_space<vmem>>
      %dma_wait3A_82 = tpu.memref_squeeze %dma_wait3A_81 : memref<1x96xf32, #tpu.memory_space<vmem>> -> memref<96xf32, #tpu.memory_space<vmem>>
      %dma_wait3A_83 = tpu.memref_slice %arg12[%add3A_28] : memref<10240xf32, #tpu.memory_space<vmem_shared>> -> memref<96xf32, #tpu.memory_space<vmem_shared>>
      %dma_wait3A_84 = tpu.memref_slice %arg12[%add3A_28] : memref<10240xf32, #tpu.memory_space<vmem_shared>> -> memref<96xf32, #tpu.memory_space<vmem_shared>>
      %dma_wait3A_85 = arith.constant 0 : i32
      %dma_wait3A_86 = tpu.memref_slice %arg14[%run_scoped3A_29, %dma_wait3A_85] : memref<96x128xf32, #tpu.memory_space<vmem>> -> memref<1x96xf32, #tpu.memory_space<vmem>>
      %dma_wait3A_87 = tpu.memref_squeeze %dma_wait3A_86 : memref<1x96xf32, #tpu.memory_space<vmem>> -> memref<96xf32, #tpu.memory_space<vmem>>
      tpu.wait_dma2 semaphore(%run_scoped3A_73 : memref<!tpu.dma_semaphore, #tpu.memory_space<semaphore_mem>>) src(%dma_wait3A_87 : memref<96xf32, #tpu.memory_space<vmem>>) dst(%dma_wait3A_84 : memref<96xf32, #tpu.memory_space<vmem_shared>>)
      tpu.yield
    }) : () -> ()
    %add3A_30 = arith.constant 192 : i32
    %add3A_31 = arith.addi %mul3A_4, %add3A_30 : i32
    %run_scoped3A_32 = arith.constant 0 : i32
    "tpu.region"() ({
      %run_scoped3A_73 = tpu.sem_alloc : memref<!tpu.dma_semaphore, #tpu.memory_space<semaphore_mem>>
      %dma_start3A = arith.constant 0 : i32
      %dma_start3A_74 = tpu.memref_slice %arg14[%run_scoped3A_32, %dma_start3A] : memref<96x128xf32, #tpu.memory_space<vmem>> -> memref<1x96xf32, #tpu.memory_space<vmem>>
      %dma_start3A_75 = tpu.memref_squeeze %dma_start3A_74 : memref<1x96xf32, #tpu.memory_space<vmem>> -> memref<96xf32, #tpu.memory_space<vmem>>
      %dma_start3A_76 = tpu.memref_slice %arg12[%add3A_31] : memref<10240xf32, #tpu.memory_space<vmem_shared>> -> memref<96xf32, #tpu.memory_space<vmem_shared>>
      %dma_start3A_77 = tpu.memref_slice %arg12[%add3A_31] : memref<10240xf32, #tpu.memory_space<vmem_shared>> -> memref<96xf32, #tpu.memory_space<vmem_shared>>
      %dma_start3A_78 = arith.constant 0 : i32
      %dma_start3A_79 = tpu.memref_slice %arg14[%run_scoped3A_32, %dma_start3A_78] : memref<96x128xf32, #tpu.memory_space<vmem>> -> memref<1x96xf32, #tpu.memory_space<vmem>>
      %dma_start3A_80 = tpu.memref_squeeze %dma_start3A_79 : memref<1x96xf32, #tpu.memory_space<vmem>> -> memref<96xf32, #tpu.memory_space<vmem>>
      tpu.enqueue_dma source(%dma_start3A_80 : memref<96xf32, #tpu.memory_space<vmem>>) target(%dma_start3A_77 : memref<96xf32, #tpu.memory_space<vmem_shared>>) target_semaphore(%run_scoped3A_73 : memref<!tpu.dma_semaphore, #tpu.memory_space<semaphore_mem>>)
      %dma_wait3A = arith.constant 0 : i32
      %dma_wait3A_81 = tpu.memref_slice %arg14[%run_scoped3A_32, %dma_wait3A] : memref<96x128xf32, #tpu.memory_space<vmem>> -> memref<1x96xf32, #tpu.memory_space<vmem>>
      %dma_wait3A_82 = tpu.memref_squeeze %dma_wait3A_81 : memref<1x96xf32, #tpu.memory_space<vmem>> -> memref<96xf32, #tpu.memory_space<vmem>>
      %dma_wait3A_83 = tpu.memref_slice %arg12[%add3A_31] : memref<10240xf32, #tpu.memory_space<vmem_shared>> -> memref<96xf32, #tpu.memory_space<vmem_shared>>
      %dma_wait3A_84 = tpu.memref_slice %arg12[%add3A_31] : memref<10240xf32, #tpu.memory_space<vmem_shared>> -> memref<96xf32, #tpu.memory_space<vmem_shared>>
      %dma_wait3A_85 = arith.constant 0 : i32
      %dma_wait3A_86 = tpu.memref_slice %arg14[%run_scoped3A_32, %dma_wait3A_85] : memref<96x128xf32, #tpu.memory_space<vmem>> -> memref<1x96xf32, #tpu.memory_space<vmem>>
      %dma_wait3A_87 = tpu.memref_squeeze %dma_wait3A_86 : memref<1x96xf32, #tpu.memory_space<vmem>> -> memref<96xf32, #tpu.memory_space<vmem>>
      tpu.wait_dma2 semaphore(%run_scoped3A_73 : memref<!tpu.dma_semaphore, #tpu.memory_space<semaphore_mem>>) src(%dma_wait3A_87 : memref<96xf32, #tpu.memory_space<vmem>>) dst(%dma_wait3A_84 : memref<96xf32, #tpu.memory_space<vmem_shared>>)
      tpu.yield
    }) : () -> ()
    %add3A_33 = arith.constant 288 : i32
    %add3A_34 = arith.addi %mul3A_4, %add3A_33 : i32
    %run_scoped3A_35 = arith.constant 0 : i32
    "tpu.region"() ({
      %run_scoped3A_73 = tpu.sem_alloc : memref<!tpu.dma_semaphore, #tpu.memory_space<semaphore_mem>>
      %dma_start3A = arith.constant 0 : i32
      %dma_start3A_74 = tpu.memref_slice %arg14[%run_scoped3A_35, %dma_start3A] : memref<96x128xf32, #tpu.memory_space<vmem>> -> memref<1x96xf32, #tpu.memory_space<vmem>>
      %dma_start3A_75 = tpu.memref_squeeze %dma_start3A_74 : memref<1x96xf32, #tpu.memory_space<vmem>> -> memref<96xf32, #tpu.memory_space<vmem>>
      %dma_start3A_76 = tpu.memref_slice %arg12[%add3A_34] : memref<10240xf32, #tpu.memory_space<vmem_shared>> -> memref<96xf32, #tpu.memory_space<vmem_shared>>
      %dma_start3A_77 = tpu.memref_slice %arg12[%add3A_34] : memref<10240xf32, #tpu.memory_space<vmem_shared>> -> memref<96xf32, #tpu.memory_space<vmem_shared>>
      %dma_start3A_78 = arith.constant 0 : i32
      %dma_start3A_79 = tpu.memref_slice %arg14[%run_scoped3A_35, %dma_start3A_78] : memref<96x128xf32, #tpu.memory_space<vmem>> -> memref<1x96xf32, #tpu.memory_space<vmem>>
      %dma_start3A_80 = tpu.memref_squeeze %dma_start3A_79 : memref<1x96xf32, #tpu.memory_space<vmem>> -> memref<96xf32, #tpu.memory_space<vmem>>
      tpu.enqueue_dma source(%dma_start3A_80 : memref<96xf32, #tpu.memory_space<vmem>>) target(%dma_start3A_77 : memref<96xf32, #tpu.memory_space<vmem_shared>>) target_semaphore(%run_scoped3A_73 : memref<!tpu.dma_semaphore, #tpu.memory_space<semaphore_mem>>)
      %dma_wait3A = arith.constant 0 : i32
      %dma_wait3A_81 = tpu.memref_slice %arg14[%run_scoped3A_35, %dma_wait3A] : memref<96x128xf32, #tpu.memory_space<vmem>> -> memref<1x96xf32, #tpu.memory_space<vmem>>
      %dma_wait3A_82 = tpu.memref_squeeze %dma_wait3A_81 : memref<1x96xf32, #tpu.memory_space<vmem>> -> memref<96xf32, #tpu.memory_space<vmem>>
      %dma_wait3A_83 = tpu.memref_slice %arg12[%add3A_34] : memref<10240xf32, #tpu.memory_space<vmem_shared>> -> memref<96xf32, #tpu.memory_space<vmem_shared>>
      %dma_wait3A_84 = tpu.memref_slice %arg12[%add3A_34] : memref<10240xf32, #tpu.memory_space<vmem_shared>> -> memref<96xf32, #tpu.memory_space<vmem_shared>>
      %dma_wait3A_85 = arith.constant 0 : i32
      %dma_wait3A_86 = tpu.memref_slice %arg14[%run_scoped3A_35, %dma_wait3A_85] : memref<96x128xf32, #tpu.memory_space<vmem>> -> memref<1x96xf32, #tpu.memory_space<vmem>>
      %dma_wait3A_87 = tpu.memref_squeeze %dma_wait3A_86 : memref<1x96xf32, #tpu.memory_space<vmem>> -> memref<96xf32, #tpu.memory_space<vmem>>
      tpu.wait_dma2 semaphore(%run_scoped3A_73 : memref<!tpu.dma_semaphore, #tpu.memory_space<semaphore_mem>>) src(%dma_wait3A_87 : memref<96xf32, #tpu.memory_space<vmem>>) dst(%dma_wait3A_84 : memref<96xf32, #tpu.memory_space<vmem_shared>>)
      tpu.yield
    }) : () -> ()
    %add3A_36 = arith.constant 384 : i32
    %add3A_37 = arith.addi %mul3A_4, %add3A_36 : i32
    %run_scoped3A_38 = arith.constant 0 : i32
    "tpu.region"() ({
      %run_scoped3A_73 = tpu.sem_alloc : memref<!tpu.dma_semaphore, #tpu.memory_space<semaphore_mem>>
      %dma_start3A = arith.constant 0 : i32
      %dma_start3A_74 = tpu.memref_slice %arg14[%run_scoped3A_38, %dma_start3A] : memref<96x128xf32, #tpu.memory_space<vmem>> -> memref<1x96xf32, #tpu.memory_space<vmem>>
      %dma_start3A_75 = tpu.memref_squeeze %dma_start3A_74 : memref<1x96xf32, #tpu.memory_space<vmem>> -> memref<96xf32, #tpu.memory_space<vmem>>
      %dma_start3A_76 = tpu.memref_slice %arg12[%add3A_37] : memref<10240xf32, #tpu.memory_space<vmem_shared>> -> memref<96xf32, #tpu.memory_space<vmem_shared>>
      %dma_start3A_77 = tpu.memref_slice %arg12[%add3A_37] : memref<10240xf32, #tpu.memory_space<vmem_shared>> -> memref<96xf32, #tpu.memory_space<vmem_shared>>
      %dma_start3A_78 = arith.constant 0 : i32
      %dma_start3A_79 = tpu.memref_slice %arg14[%run_scoped3A_38, %dma_start3A_78] : memref<96x128xf32, #tpu.memory_space<vmem>> -> memref<1x96xf32, #tpu.memory_space<vmem>>
      %dma_start3A_80 = tpu.memref_squeeze %dma_start3A_79 : memref<1x96xf32, #tpu.memory_space<vmem>> -> memref<96xf32, #tpu.memory_space<vmem>>
      tpu.enqueue_dma source(%dma_start3A_80 : memref<96xf32, #tpu.memory_space<vmem>>) target(%dma_start3A_77 : memref<96xf32, #tpu.memory_space<vmem_shared>>) target_semaphore(%run_scoped3A_73 : memref<!tpu.dma_semaphore, #tpu.memory_space<semaphore_mem>>)
      %dma_wait3A = arith.constant 0 : i32
      %dma_wait3A_81 = tpu.memref_slice %arg14[%run_scoped3A_38, %dma_wait3A] : memref<96x128xf32, #tpu.memory_space<vmem>> -> memref<1x96xf32, #tpu.memory_space<vmem>>
      %dma_wait3A_82 = tpu.memref_squeeze %dma_wait3A_81 : memref<1x96xf32, #tpu.memory_space<vmem>> -> memref<96xf32, #tpu.memory_space<vmem>>
      %dma_wait3A_83 = tpu.memref_slice %arg12[%add3A_37] : memref<10240xf32, #tpu.memory_space<vmem_shared>> -> memref<96xf32, #tpu.memory_space<vmem_shared>>
      %dma_wait3A_84 = tpu.memref_slice %arg12[%add3A_37] : memref<10240xf32, #tpu.memory_space<vmem_shared>> -> memref<96xf32, #tpu.memory_space<vmem_shared>>
      %dma_wait3A_85 = arith.constant 0 : i32
      %dma_wait3A_86 = tpu.memref_slice %arg14[%run_scoped3A_38, %dma_wait3A_85] : memref<96x128xf32, #tpu.memory_space<vmem>> -> memref<1x96xf32, #tpu.memory_space<vmem>>
      %dma_wait3A_87 = tpu.memref_squeeze %dma_wait3A_86 : memref<1x96xf32, #tpu.memory_space<vmem>> -> memref<96xf32, #tpu.memory_space<vmem>>
      tpu.wait_dma2 semaphore(%run_scoped3A_73 : memref<!tpu.dma_semaphore, #tpu.memory_space<semaphore_mem>>) src(%dma_wait3A_87 : memref<96xf32, #tpu.memory_space<vmem>>) dst(%dma_wait3A_84 : memref<96xf32, #tpu.memory_space<vmem_shared>>)
      tpu.yield
    }) : () -> ()
    %add3A_39 = arith.constant 480 : i32
    %add3A_40 = arith.addi %mul3A_4, %add3A_39 : i32
    %run_scoped3A_41 = arith.constant 0 : i32
    "tpu.region"() ({
      %run_scoped3A_73 = tpu.sem_alloc : memref<!tpu.dma_semaphore, #tpu.memory_space<semaphore_mem>>
      %dma_start3A = arith.constant 0 : i32
      %dma_start3A_74 = tpu.memref_slice %arg14[%run_scoped3A_41, %dma_start3A] : memref<96x128xf32, #tpu.memory_space<vmem>> -> memref<1x96xf32, #tpu.memory_space<vmem>>
      %dma_start3A_75 = tpu.memref_squeeze %dma_start3A_74 : memref<1x96xf32, #tpu.memory_space<vmem>> -> memref<96xf32, #tpu.memory_space<vmem>>
      %dma_start3A_76 = tpu.memref_slice %arg12[%add3A_40] : memref<10240xf32, #tpu.memory_space<vmem_shared>> -> memref<96xf32, #tpu.memory_space<vmem_shared>>
      %dma_start3A_77 = tpu.memref_slice %arg12[%add3A_40] : memref<10240xf32, #tpu.memory_space<vmem_shared>> -> memref<96xf32, #tpu.memory_space<vmem_shared>>
      %dma_start3A_78 = arith.constant 0 : i32
      %dma_start3A_79 = tpu.memref_slice %arg14[%run_scoped3A_41, %dma_start3A_78] : memref<96x128xf32, #tpu.memory_space<vmem>> -> memref<1x96xf32, #tpu.memory_space<vmem>>
      %dma_start3A_80 = tpu.memref_squeeze %dma_start3A_79 : memref<1x96xf32, #tpu.memory_space<vmem>> -> memref<96xf32, #tpu.memory_space<vmem>>
      tpu.enqueue_dma source(%dma_start3A_80 : memref<96xf32, #tpu.memory_space<vmem>>) target(%dma_start3A_77 : memref<96xf32, #tpu.memory_space<vmem_shared>>) target_semaphore(%run_scoped3A_73 : memref<!tpu.dma_semaphore, #tpu.memory_space<semaphore_mem>>)
      %dma_wait3A = arith.constant 0 : i32
      %dma_wait3A_81 = tpu.memref_slice %arg14[%run_scoped3A_41, %dma_wait3A] : memref<96x128xf32, #tpu.memory_space<vmem>> -> memref<1x96xf32, #tpu.memory_space<vmem>>
      %dma_wait3A_82 = tpu.memref_squeeze %dma_wait3A_81 : memref<1x96xf32, #tpu.memory_space<vmem>> -> memref<96xf32, #tpu.memory_space<vmem>>
      %dma_wait3A_83 = tpu.memref_slice %arg12[%add3A_40] : memref<10240xf32, #tpu.memory_space<vmem_shared>> -> memref<96xf32, #tpu.memory_space<vmem_shared>>
      %dma_wait3A_84 = tpu.memref_slice %arg12[%add3A_40] : memref<10240xf32, #tpu.memory_space<vmem_shared>> -> memref<96xf32, #tpu.memory_space<vmem_shared>>
      %dma_wait3A_85 = arith.constant 0 : i32
      %dma_wait3A_86 = tpu.memref_slice %arg14[%run_scoped3A_41, %dma_wait3A_85] : memref<96x128xf32, #tpu.memory_space<vmem>> -> memref<1x96xf32, #tpu.memory_space<vmem>>
      %dma_wait3A_87 = tpu.memref_squeeze %dma_wait3A_86 : memref<1x96xf32, #tpu.memory_space<vmem>> -> memref<96xf32, #tpu.memory_space<vmem>>
      tpu.wait_dma2 semaphore(%run_scoped3A_73 : memref<!tpu.dma_semaphore, #tpu.memory_space<semaphore_mem>>) src(%dma_wait3A_87 : memref<96xf32, #tpu.memory_space<vmem>>) dst(%dma_wait3A_84 : memref<96xf32, #tpu.memory_space<vmem_shared>>)
      tpu.yield
    }) : () -> ()
    %add3A_42 = arith.constant 576 : i32
    %add3A_43 = arith.addi %mul3A_4, %add3A_42 : i32
    %run_scoped3A_44 = arith.constant 0 : i32
    "tpu.region"() ({
      %run_scoped3A_73 = tpu.sem_alloc : memref<!tpu.dma_semaphore, #tpu.memory_space<semaphore_mem>>
      %dma_start3A = arith.constant 0 : i32
      %dma_start3A_74 = tpu.memref_slice %arg14[%run_scoped3A_44, %dma_start3A] : memref<96x128xf32, #tpu.memory_space<vmem>> -> memref<1x64xf32, #tpu.memory_space<vmem>>
      %dma_start3A_75 = tpu.memref_squeeze %dma_start3A_74 : memref<1x64xf32, #tpu.memory_space<vmem>> -> memref<64xf32, #tpu.memory_space<vmem>>
      %dma_start3A_76 = tpu.memref_slice %arg12[%add3A_43] : memref<10240xf32, #tpu.memory_space<vmem_shared>> -> memref<64xf32, #tpu.memory_space<vmem_shared>>
      %dma_start3A_77 = tpu.memref_slice %arg12[%add3A_43] : memref<10240xf32, #tpu.memory_space<vmem_shared>> -> memref<64xf32, #tpu.memory_space<vmem_shared>>
      %dma_start3A_78 = arith.constant 0 : i32
      %dma_start3A_79 = tpu.memref_slice %arg14[%run_scoped3A_44, %dma_start3A_78] : memref<96x128xf32, #tpu.memory_space<vmem>> -> memref<1x64xf32, #tpu.memory_space<vmem>>
      %dma_start3A_80 = tpu.memref_squeeze %dma_start3A_79 : memref<1x64xf32, #tpu.memory_space<vmem>> -> memref<64xf32, #tpu.memory_space<vmem>>
      tpu.enqueue_dma source(%dma_start3A_80 : memref<64xf32, #tpu.memory_space<vmem>>) target(%dma_start3A_77 : memref<64xf32, #tpu.memory_space<vmem_shared>>) target_semaphore(%run_scoped3A_73 : memref<!tpu.dma_semaphore, #tpu.memory_space<semaphore_mem>>)
      %dma_wait3A = arith.constant 0 : i32
      %dma_wait3A_81 = tpu.memref_slice %arg14[%run_scoped3A_44, %dma_wait3A] : memref<96x128xf32, #tpu.memory_space<vmem>> -> memref<1x64xf32, #tpu.memory_space<vmem>>
      %dma_wait3A_82 = tpu.memref_squeeze %dma_wait3A_81 : memref<1x64xf32, #tpu.memory_space<vmem>> -> memref<64xf32, #tpu.memory_space<vmem>>
      %dma_wait3A_83 = tpu.memref_slice %arg12[%add3A_43] : memref<10240xf32, #tpu.memory_space<vmem_shared>> -> memref<64xf32, #tpu.memory_space<vmem_shared>>
      %dma_wait3A_84 = tpu.memref_slice %arg12[%add3A_43] : memref<10240xf32, #tpu.memory_space<vmem_shared>> -> memref<64xf32, #tpu.memory_space<vmem_shared>>
      %dma_wait3A_85 = arith.constant 0 : i32
      %dma_wait3A_86 = tpu.memref_slice %arg14[%run_scoped3A_44, %dma_wait3A_85] : memref<96x128xf32, #tpu.memory_space<vmem>> -> memref<1x64xf32, #tpu.memory_space<vmem>>
      %dma_wait3A_87 = tpu.memref_squeeze %dma_wait3A_86 : memref<1x64xf32, #tpu.memory_space<vmem>> -> memref<64xf32, #tpu.memory_space<vmem>>
      tpu.wait_dma2 semaphore(%run_scoped3A_73 : memref<!tpu.dma_semaphore, #tpu.memory_space<semaphore_mem>>) src(%dma_wait3A_87 : memref<64xf32, #tpu.memory_space<vmem>>) dst(%dma_wait3A_84 : memref<64xf32, #tpu.memory_space<vmem_shared>>)
      tpu.yield
    }) : () -> ()
    %barrier3A = arith.constant 0 : index
    tpu.barrier barrier_id(%barrier3A)
    %scan3A_45 = arith.constant 0 : i32
    %scan3A_46 = arith.constant 0 : i32
    %scan3A_47 = arith.constant 72 : i32
    %scan3A_48 = arith.addi %scan3A_46, %scan3A_47 : i32
    %scan3A_49 = arith.constant 1 : i32
    scf.for %scan3A_73 = %scan3A_46 to %scan3A_48 step %scan3A_49  : i32 {
      %mul3A_74 = arith.constant 2 : i32
      %mul3A_75 = arith.muli %mul3A_74, %arg1 : i32
      %mul3A_76 = arith.constant 36 : i32
      %mul3A_77 = arith.muli %mul3A_75, %mul3A_76 : i32
      %add3A_78 = arith.addi %mul3A_77, %scan3A_73 : i32
      "tpu.region"() ({
        %run_scoped3A_85 = tpu.sem_alloc : memref<!tpu.dma_semaphore, #tpu.memory_space<semaphore_mem>>
        %dma_start3A = arith.constant 0 : i32
        %dma_start3A_86 = arith.constant 0 : i32
        %dma_start3A_87 = tpu.memref_slice %arg3[%add3A_78, %dma_start3A, %dma_start3A_86] : memref<1152x3x96xi32, #tpu.memory_space<hbm>> -> memref<1x3x96xi32, #tpu.memory_space<hbm>>
        %dma_start3A_88 = tpu.memref_squeeze %dma_start3A_87 : memref<1x3x96xi32, #tpu.memory_space<hbm>> -> memref<3x96xi32, #tpu.memory_space<hbm>>
        %dma_start3A_89 = arith.constant 0 : i32
        %dma_start3A_90 = arith.constant 0 : i32
        %dma_start3A_91 = tpu.memref_slice %arg3[%add3A_78, %dma_start3A_89, %dma_start3A_90] : memref<1152x3x96xi32, #tpu.memory_space<hbm>> -> memref<1x3x96xi32, #tpu.memory_space<hbm>>
        %dma_start3A_92 = tpu.memref_squeeze %dma_start3A_91 : memref<1x3x96xi32, #tpu.memory_space<hbm>> -> memref<3x96xi32, #tpu.memory_space<hbm>>
        tpu.enqueue_dma source(%dma_start3A_92 : memref<3x96xi32, #tpu.memory_space<hbm>>) target(%arg9 : memref<3x96xi32, #tpu.memory_space<vmem>>) target_semaphore(%run_scoped3A_85 : memref<!tpu.dma_semaphore, #tpu.memory_space<semaphore_mem>>)
        %dma_wait3A = arith.constant 0 : i32
        %dma_wait3A_93 = arith.constant 0 : i32
        %dma_wait3A_94 = tpu.memref_slice %arg3[%add3A_78, %dma_wait3A, %dma_wait3A_93] : memref<1152x3x96xi32, #tpu.memory_space<hbm>> -> memref<1x3x96xi32, #tpu.memory_space<hbm>>
        %dma_wait3A_95 = tpu.memref_squeeze %dma_wait3A_94 : memref<1x3x96xi32, #tpu.memory_space<hbm>> -> memref<3x96xi32, #tpu.memory_space<hbm>>
        %dma_wait3A_96 = arith.constant 0 : i32
        %dma_wait3A_97 = arith.constant 0 : i32
        %dma_wait3A_98 = tpu.memref_slice %arg3[%add3A_78, %dma_wait3A_96, %dma_wait3A_97] : memref<1152x3x96xi32, #tpu.memory_space<hbm>> -> memref<1x3x96xi32, #tpu.memory_space<hbm>>
        %dma_wait3A_99 = tpu.memref_squeeze %dma_wait3A_98 : memref<1x3x96xi32, #tpu.memory_space<hbm>> -> memref<3x96xi32, #tpu.memory_space<hbm>>
        tpu.wait_dma2 semaphore(%run_scoped3A_85 : memref<!tpu.dma_semaphore, #tpu.memory_space<semaphore_mem>>) src(%dma_wait3A_99 : memref<3x96xi32, #tpu.memory_space<hbm>>) dst(%arg9 : memref<3x96xi32, #tpu.memory_space<vmem>>)
        tpu.yield
      }) : () -> ()
      "tpu.region"() ({
        %run_scoped3A_85 = tpu.sem_alloc : memref<!tpu.dma_semaphore, #tpu.memory_space<semaphore_mem>>
        %dma_start3A = arith.constant 0 : i32
        %dma_start3A_86 = arith.constant 0 : i32
        %dma_start3A_87 = tpu.memref_slice %arg4[%add3A_78, %dma_start3A, %dma_start3A_86] : memref<1152x3x96xf32, #tpu.memory_space<hbm>> -> memref<1x3x96xf32, #tpu.memory_space<hbm>>
        %dma_start3A_88 = tpu.memref_squeeze %dma_start3A_87 : memref<1x3x96xf32, #tpu.memory_space<hbm>> -> memref<3x96xf32, #tpu.memory_space<hbm>>
        %dma_start3A_89 = arith.constant 0 : i32
        %dma_start3A_90 = arith.constant 0 : i32
        %dma_start3A_91 = tpu.memref_slice %arg4[%add3A_78, %dma_start3A_89, %dma_start3A_90] : memref<1152x3x96xf32, #tpu.memory_space<hbm>> -> memref<1x3x96xf32, #tpu.memory_space<hbm>>
        %dma_start3A_92 = tpu.memref_squeeze %dma_start3A_91 : memref<1x3x96xf32, #tpu.memory_space<hbm>> -> memref<3x96xf32, #tpu.memory_space<hbm>>
        tpu.enqueue_dma source(%dma_start3A_92 : memref<3x96xf32, #tpu.memory_space<hbm>>) target(%arg10 : memref<3x96xf32, #tpu.memory_space<vmem>>) target_semaphore(%run_scoped3A_85 : memref<!tpu.dma_semaphore, #tpu.memory_space<semaphore_mem>>)
        %dma_wait3A = arith.constant 0 : i32
        %dma_wait3A_93 = arith.constant 0 : i32
        %dma_wait3A_94 = tpu.memref_slice %arg4[%add3A_78, %dma_wait3A, %dma_wait3A_93] : memref<1152x3x96xf32, #tpu.memory_space<hbm>> -> memref<1x3x96xf32, #tpu.memory_space<hbm>>
        %dma_wait3A_95 = tpu.memref_squeeze %dma_wait3A_94 : memref<1x3x96xf32, #tpu.memory_space<hbm>> -> memref<3x96xf32, #tpu.memory_space<hbm>>
        %dma_wait3A_96 = arith.constant 0 : i32
        %dma_wait3A_97 = arith.constant 0 : i32
        %dma_wait3A_98 = tpu.memref_slice %arg4[%add3A_78, %dma_wait3A_96, %dma_wait3A_97] : memref<1152x3x96xf32, #tpu.memory_space<hbm>> -> memref<1x3x96xf32, #tpu.memory_space<hbm>>
        %dma_wait3A_99 = tpu.memref_squeeze %dma_wait3A_98 : memref<1x3x96xf32, #tpu.memory_space<hbm>> -> memref<3x96xf32, #tpu.memory_space<hbm>>
        tpu.wait_dma2 semaphore(%run_scoped3A_85 : memref<!tpu.dma_semaphore, #tpu.memory_space<semaphore_mem>>) src(%dma_wait3A_99 : memref<3x96xf32, #tpu.memory_space<hbm>>) dst(%arg10 : memref<3x96xf32, #tpu.memory_space<vmem>>)
        tpu.yield
      }) : () -> ()
      %scan3A_79 = arith.constant 0 : i32
      %scan3A_80 = arith.constant 0 : i32
      %scan3A_81 = arith.constant 3 : i32
      %scan3A_82 = arith.addi %scan3A_80, %scan3A_81 : i32
      %scan3A_83 = arith.constant 1 : i32
      scf.for %scan3A_85 = %scan3A_80 to %scan3A_82 step %scan3A_83  : i32 {
        "tpu.region"() ({
          %run_scoped3A_86 = tpu.sem_alloc : memref<!tpu.dma_semaphore, #tpu.memory_space<semaphore_mem>>
          %dma_start3A = arith.constant 0 : i32
          %dma_start3A_87 = tpu.memref_slice %arg10[%scan3A_85, %dma_start3A] : memref<3x96xf32, #tpu.memory_space<vmem>> -> memref<1x96xf32, #tpu.memory_space<vmem>>
          %dma_start3A_88 = tpu.memref_squeeze %dma_start3A_87 : memref<1x96xf32, #tpu.memory_space<vmem>> -> memref<96xf32, #tpu.memory_space<vmem>>
          %dma_start3A_89 = arith.constant 0 : i32
          %dma_start3A_90 = tpu.memref_slice %arg9[%scan3A_85, %dma_start3A_89] : memref<3x96xi32, #tpu.memory_space<vmem>> -> memref<1x96xi32, #tpu.memory_space<vmem>>
          %dma_start3A_91 = tpu.memref_squeeze %dma_start3A_90 : memref<1x96xi32, #tpu.memory_space<vmem>> -> memref<96xi32, #tpu.memory_space<vmem>>
          %dma_start3A_92 = arith.constant 0 : i32
          %dma_start3A_93 = tpu.memref_slice %arg12[%dma_start3A_92] : memref<10240xf32, #tpu.memory_space<vmem_shared>> -> memref<10240xf32, #tpu.memory_space<vmem_shared>>
          tpu.enqueue_indirect_dma source(%dma_start3A_88 : memref<96xf32, #tpu.memory_space<vmem>>) target(%dma_start3A_93 : memref<10240xf32, #tpu.memory_space<vmem_shared>>) offsets(%dma_start3A_91 : memref<96xi32, #tpu.memory_space<vmem>>) semaphore(%run_scoped3A_86 : memref<!tpu.dma_semaphore, #tpu.memory_space<semaphore_mem>>) {add = true}
          %dma_wait3A = arith.constant 0 : i32
          %dma_wait3A_94 = tpu.memref_slice %arg10[%scan3A_85, %dma_wait3A] : memref<3x96xf32, #tpu.memory_space<vmem>> -> memref<1x96xf32, #tpu.memory_space<vmem>>
          %dma_wait3A_95 = tpu.memref_squeeze %dma_wait3A_94 : memref<1x96xf32, #tpu.memory_space<vmem>> -> memref<96xf32, #tpu.memory_space<vmem>>
          %dma_wait3A_96 = arith.constant 0 : i32
          %dma_wait3A_97 = tpu.memref_slice %arg9[%scan3A_85, %dma_wait3A_96] : memref<3x96xi32, #tpu.memory_space<vmem>> -> memref<1x96xi32, #tpu.memory_space<vmem>>
          %dma_wait3A_98 = tpu.memref_squeeze %dma_wait3A_97 : memref<1x96xi32, #tpu.memory_space<vmem>> -> memref<96xi32, #tpu.memory_space<vmem>>
          %dma_wait3A_99 = arith.constant 0 : i32
          %dma_wait3A_100 = tpu.memref_slice %arg12[%dma_wait3A_99] : memref<10240xf32, #tpu.memory_space<vmem_shared>> -> memref<10240xf32, #tpu.memory_space<vmem_shared>>
          tpu.wait_indirect_dma semaphore(%run_scoped3A_86 : memref<!tpu.dma_semaphore, #tpu.memory_space<semaphore_mem>>) src(%dma_wait3A_95 : memref<96xf32, #tpu.memory_space<vmem>>) dst(%dma_wait3A_100 : memref<10240xf32, #tpu.memory_space<vmem_shared>>)
          tpu.yield
        }) : () -> ()
      }
      %scan3A_84 = arith.constant 3 : i32
    }
    %scan3A_50 = arith.constant 72 : i32
    %barrier3A_51 = arith.constant 0 : index
    tpu.barrier barrier_id(%barrier3A_51)
    "tpu.region"() ({
      %run_scoped3A_73 = tpu.sem_alloc : memref<!tpu.dma_semaphore, #tpu.memory_space<semaphore_mem>>
      %dma_start3A = arith.constant 0 : i32
      %dma_start3A_74 = tpu.memref_slice %arg11[%dma_start3A] : memref<10240xf32, #tpu.memory_space<vmem>> -> memref<640xf32, #tpu.memory_space<vmem>>
      %dma_start3A_75 = tpu.memref_slice %arg12[%mul3A_4] : memref<10240xf32, #tpu.memory_space<vmem_shared>> -> memref<640xf32, #tpu.memory_space<vmem_shared>>
      %dma_start3A_76 = arith.constant 0 : i32
      %dma_start3A_77 = tpu.memref_slice %arg11[%dma_start3A_76] : memref<10240xf32, #tpu.memory_space<vmem>> -> memref<640xf32, #tpu.memory_space<vmem>>
      %dma_start3A_78 = tpu.memref_slice %arg12[%mul3A_4] : memref<10240xf32, #tpu.memory_space<vmem_shared>> -> memref<640xf32, #tpu.memory_space<vmem_shared>>
      tpu.enqueue_dma source(%dma_start3A_78 : memref<640xf32, #tpu.memory_space<vmem_shared>>) target(%dma_start3A_77 : memref<640xf32, #tpu.memory_space<vmem>>) target_semaphore(%run_scoped3A_73 : memref<!tpu.dma_semaphore, #tpu.memory_space<semaphore_mem>>)
      %dma_wait3A = arith.constant 0 : i32
      %dma_wait3A_79 = tpu.memref_slice %arg11[%dma_wait3A] : memref<10240xf32, #tpu.memory_space<vmem>> -> memref<640xf32, #tpu.memory_space<vmem>>
      %dma_wait3A_80 = tpu.memref_slice %arg12[%mul3A_4] : memref<10240xf32, #tpu.memory_space<vmem_shared>> -> memref<640xf32, #tpu.memory_space<vmem_shared>>
      %dma_wait3A_81 = arith.constant 0 : i32
      %dma_wait3A_82 = tpu.memref_slice %arg11[%dma_wait3A_81] : memref<10240xf32, #tpu.memory_space<vmem>> -> memref<640xf32, #tpu.memory_space<vmem>>
      %dma_wait3A_83 = tpu.memref_slice %arg12[%mul3A_4] : memref<10240xf32, #tpu.memory_space<vmem_shared>> -> memref<640xf32, #tpu.memory_space<vmem_shared>>
      tpu.wait_dma2 semaphore(%run_scoped3A_73 : memref<!tpu.dma_semaphore, #tpu.memory_space<semaphore_mem>>) src(%dma_wait3A_83 : memref<640xf32, #tpu.memory_space<vmem_shared>>) dst(%dma_wait3A_82 : memref<640xf32, #tpu.memory_space<vmem>>)
      tpu.yield
    }) : () -> ()
    %scan3A_52 = arith.constant 0 : i32
    %scan3A_53 = arith.constant 0 : i32
    %scan3A_54 = arith.constant 40 : i32
    %scan3A_55 = arith.addi %scan3A_53, %scan3A_54 : i32
    %scan3A_56 = arith.constant 1 : i32
    scf.for %scan3A_73 = %scan3A_53 to %scan3A_55 step %scan3A_56  : i32 {
      %mul3A_74 = arith.constant 16 : i32
      %mul3A_75 = arith.muli %scan3A_73, %mul3A_74 : i32
      %get3A = arith.constant 0 : i32
      %get3A_76 = tpu.memref_slice %arg11[%get3A] : memref<10240xf32, #tpu.memory_space<vmem>> -> memref<640xf32, #tpu.memory_space<vmem>>
      %get3A_77 = arith.index_cast %mul3A_75 : i32 to index
      %get3A_78 = tpu.vector_load %get3A_76[%get3A_77] {strides = array<i32>} : memref<640xf32, #tpu.memory_space<vmem>>, vector<16xf32>,
      %max3A = arith.constant 9.99999996E-13 : f32
      %max3A_79 = vector.broadcast %max3A : f32 to vector<16xf32>
      %max3A_80 = arith.maximumf %get3A_78, %max3A_79 : vector<16xf32>
      %max3A_81 = arith.constant 1.000000e+00 : f32
      %max3A_82 = vector.broadcast %max3A_81 : f32 to vector<16xf32>
      %max3A_83 = arith.maximumf %max3A_80, %max3A_82 : vector<16xf32>
      %div3A = arith.divf %max3A_80, %max3A_83 : vector<16xf32>
      %add3A_84 = arith.addf %max3A_83, %div3A : vector<16xf32>
      %mul3A_85 = arith.constant 5.000000e-01 : f32
      %mul3A_86 = vector.broadcast %mul3A_85 : f32 to vector<16xf32>
      %mul3A_87 = arith.mulf %mul3A_86, %add3A_84 : vector<16xf32>
      %div3A_88 = arith.divf %max3A_80, %mul3A_87 : vector<16xf32>
      %add3A_89 = arith.addf %mul3A_87, %div3A_88 : vector<16xf32>
      %mul3A_90 = arith.constant 5.000000e-01 : f32
      %mul3A_91 = vector.broadcast %mul3A_90 : f32 to vector<16xf32>
      %mul3A_92 = arith.mulf %mul3A_91, %add3A_89 : vector<16xf32>
      %div3A_93 = arith.divf %max3A_80, %mul3A_92 : vector<16xf32>
      %add3A_94 = arith.addf %mul3A_92, %div3A_93 : vector<16xf32>
      %mul3A_95 = arith.constant 5.000000e-01 : f32
      %mul3A_96 = vector.broadcast %mul3A_95 : f32 to vector<16xf32>
      %mul3A_97 = arith.mulf %mul3A_96, %add3A_94 : vector<16xf32>
      %div3A_98 = arith.divf %max3A_80, %mul3A_97 : vector<16xf32>
      %add3A_99 = arith.addf %mul3A_97, %div3A_98 : vector<16xf32>
      %mul3A_100 = arith.constant 5.000000e-01 : f32
      %mul3A_101 = vector.broadcast %mul3A_100 : f32 to vector<16xf32>
      %mul3A_102 = arith.mulf %mul3A_101, %add3A_99 : vector<16xf32>
      %div3A_103 = arith.divf %max3A_80, %mul3A_102 : vector<16xf32>
      %add3A_104 = arith.addf %mul3A_102, %div3A_103 : vector<16xf32>
      %mul3A_105 = arith.constant 5.000000e-01 : f32
      %mul3A_106 = vector.broadcast %mul3A_105 : f32 to vector<16xf32>
      %mul3A_107 = arith.mulf %mul3A_106, %add3A_104 : vector<16xf32>
      %div3A_108 = arith.divf %max3A_80, %mul3A_107 : vector<16xf32>
      %add3A_109 = arith.addf %mul3A_107, %div3A_108 : vector<16xf32>
      %mul3A_110 = arith.constant 5.000000e-01 : f32
      %mul3A_111 = vector.broadcast %mul3A_110 : f32 to vector<16xf32>
      %mul3A_112 = arith.mulf %mul3A_111, %add3A_109 : vector<16xf32>
      %div3A_113 = arith.divf %max3A_80, %mul3A_112 : vector<16xf32>
      %add3A_114 = arith.addf %mul3A_112, %div3A_113 : vector<16xf32>
      %mul3A_115 = arith.constant 5.000000e-01 : f32
      %mul3A_116 = vector.broadcast %mul3A_115 : f32 to vector<16xf32>
      %mul3A_117 = arith.mulf %mul3A_116, %add3A_114 : vector<16xf32>
      %div3A_118 = arith.divf %max3A_80, %mul3A_117 : vector<16xf32>
      %add3A_119 = arith.addf %mul3A_117, %div3A_118 : vector<16xf32>
      %mul3A_120 = arith.constant 5.000000e-01 : f32
      %mul3A_121 = vector.broadcast %mul3A_120 : f32 to vector<16xf32>
      %mul3A_122 = arith.mulf %mul3A_121, %add3A_119 : vector<16xf32>
      %div3A_123 = arith.divf %max3A_80, %mul3A_122 : vector<16xf32>
      %add3A_124 = arith.addf %mul3A_122, %div3A_123 : vector<16xf32>
      %mul3A_125 = arith.constant 5.000000e-01 : f32
      %mul3A_126 = vector.broadcast %mul3A_125 : f32 to vector<16xf32>
      %mul3A_127 = arith.mulf %mul3A_126, %add3A_124 : vector<16xf32>
      %div3A_128 = arith.divf %max3A_80, %mul3A_127 : vector<16xf32>
      %add3A_129 = arith.addf %mul3A_127, %div3A_128 : vector<16xf32>
      %mul3A_130 = arith.constant 5.000000e-01 : f32
      %mul3A_131 = vector.broadcast %mul3A_130 : f32 to vector<16xf32>
      %mul3A_132 = arith.mulf %mul3A_131, %add3A_129 : vector<16xf32>
      %div3A_133 = arith.divf %max3A_80, %mul3A_132 : vector<16xf32>
      %add3A_134 = arith.addf %mul3A_132, %div3A_133 : vector<16xf32>
      %mul3A_135 = arith.constant 5.000000e-01 : f32
      %mul3A_136 = vector.broadcast %mul3A_135 : f32 to vector<16xf32>
      %mul3A_137 = arith.mulf %mul3A_136, %add3A_134 : vector<16xf32>
      %div3A_138 = arith.divf %max3A_80, %mul3A_137 : vector<16xf32>
      %add3A_139 = arith.addf %mul3A_137, %div3A_138 : vector<16xf32>
      %mul3A_140 = arith.constant 5.000000e-01 : f32
      %mul3A_141 = vector.broadcast %mul3A_140 : f32 to vector<16xf32>
      %mul3A_142 = arith.mulf %mul3A_141, %add3A_139 : vector<16xf32>
      %div3A_143 = arith.divf %max3A_80, %mul3A_142 : vector<16xf32>
      %add3A_144 = arith.addf %mul3A_142, %div3A_143 : vector<16xf32>
      %mul3A_145 = arith.constant 5.000000e-01 : f32
      %mul3A_146 = vector.broadcast %mul3A_145 : f32 to vector<16xf32>
      %mul3A_147 = arith.mulf %mul3A_146, %add3A_144 : vector<16xf32>
      %div3A_148 = arith.divf %max3A_80, %mul3A_147 : vector<16xf32>
      %add3A_149 = arith.addf %mul3A_147, %div3A_148 : vector<16xf32>
      %mul3A_150 = arith.constant 5.000000e-01 : f32
      %mul3A_151 = vector.broadcast %mul3A_150 : f32 to vector<16xf32>
      %mul3A_152 = arith.mulf %mul3A_151, %add3A_149 : vector<16xf32>
      %div3A_153 = arith.divf %max3A_80, %mul3A_152 : vector<16xf32>
      %add3A_154 = arith.addf %mul3A_152, %div3A_153 : vector<16xf32>
      %mul3A_155 = arith.constant 5.000000e-01 : f32
      %mul3A_156 = vector.broadcast %mul3A_155 : f32 to vector<16xf32>
      %mul3A_157 = arith.mulf %mul3A_156, %add3A_154 : vector<16xf32>
      %div3A_158 = arith.divf %mul3A_157, %max3A_80 : vector<16xf32>
      %swap3A = arith.constant 0 : i32
      %swap3A_159 = tpu.memref_slice %arg11[%swap3A] : memref<10240xf32, #tpu.memory_space<vmem>> -> memref<640xf32, #tpu.memory_space<vmem>>
      %swap3A_160 = arith.index_cast %mul3A_75 : i32 to index
      %swap3A_161 = tpu.vector_load %swap3A_159[%swap3A_160] {strides = array<i32>} : memref<640xf32, #tpu.memory_space<vmem>>, vector<16xf32>,
      tpu.vector_store %swap3A_159[%swap3A_160], %div3A_158 {strides = array<i32>} : memref<640xf32, #tpu.memory_space<vmem>>, vector<16xf32>,
    }
    %scan3A_57 = arith.constant 40 : i32
    "tpu.region"() ({
      %run_scoped3A_73 = tpu.sem_alloc : memref<!tpu.dma_semaphore, #tpu.memory_space<semaphore_mem>>
      %dma_start3A = arith.constant 0 : i32
      %dma_start3A_74 = tpu.memref_slice %arg11[%dma_start3A] : memref<10240xf32, #tpu.memory_space<vmem>> -> memref<640xf32, #tpu.memory_space<vmem>>
      %dma_start3A_75 = tpu.memref_slice %arg12[%mul3A_4] : memref<10240xf32, #tpu.memory_space<vmem_shared>> -> memref<640xf32, #tpu.memory_space<vmem_shared>>
      %dma_start3A_76 = tpu.memref_slice %arg12[%mul3A_4] : memref<10240xf32, #tpu.memory_space<vmem_shared>> -> memref<640xf32, #tpu.memory_space<vmem_shared>>
      %dma_start3A_77 = arith.constant 0 : i32
      %dma_start3A_78 = tpu.memref_slice %arg11[%dma_start3A_77] : memref<10240xf32, #tpu.memory_space<vmem>> -> memref<640xf32, #tpu.memory_space<vmem>>
      tpu.enqueue_dma source(%dma_start3A_78 : memref<640xf32, #tpu.memory_space<vmem>>) target(%dma_start3A_76 : memref<640xf32, #tpu.memory_space<vmem_shared>>) target_semaphore(%run_scoped3A_73 : memref<!tpu.dma_semaphore, #tpu.memory_space<semaphore_mem>>)
      %dma_wait3A = arith.constant 0 : i32
      %dma_wait3A_79 = tpu.memref_slice %arg11[%dma_wait3A] : memref<10240xf32, #tpu.memory_space<vmem>> -> memref<640xf32, #tpu.memory_space<vmem>>
      %dma_wait3A_80 = tpu.memref_slice %arg12[%mul3A_4] : memref<10240xf32, #tpu.memory_space<vmem_shared>> -> memref<640xf32, #tpu.memory_space<vmem_shared>>
      %dma_wait3A_81 = tpu.memref_slice %arg12[%mul3A_4] : memref<10240xf32, #tpu.memory_space<vmem_shared>> -> memref<640xf32, #tpu.memory_space<vmem_shared>>
      %dma_wait3A_82 = arith.constant 0 : i32
      %dma_wait3A_83 = tpu.memref_slice %arg11[%dma_wait3A_82] : memref<10240xf32, #tpu.memory_space<vmem>> -> memref<640xf32, #tpu.memory_space<vmem>>
      tpu.wait_dma2 semaphore(%run_scoped3A_73 : memref<!tpu.dma_semaphore, #tpu.memory_space<semaphore_mem>>) src(%dma_wait3A_83 : memref<640xf32, #tpu.memory_space<vmem>>) dst(%dma_wait3A_81 : memref<640xf32, #tpu.memory_space<vmem_shared>>)
      tpu.yield
    }) : () -> ()
    %barrier3A_58 = arith.constant 0 : index
    tpu.barrier barrier_id(%barrier3A_58)
    "tpu.region"() ({
      %run_scoped3A_73 = tpu.sem_alloc : memref<!tpu.dma_semaphore, #tpu.memory_space<semaphore_mem>>
      tpu.enqueue_dma source(%arg12 : memref<10240xf32, #tpu.memory_space<vmem_shared>>) target(%arg11 : memref<10240xf32, #tpu.memory_space<vmem>>) target_semaphore(%run_scoped3A_73 : memref<!tpu.dma_semaphore, #tpu.memory_space<semaphore_mem>>)
      tpu.wait_dma2 semaphore(%run_scoped3A_73 : memref<!tpu.dma_semaphore, #tpu.memory_space<semaphore_mem>>) src(%arg12 : memref<10240xf32, #tpu.memory_space<vmem_shared>>) dst(%arg11 : memref<10240xf32, #tpu.memory_space<vmem>>)
      tpu.yield
    }) : () -> ()
    %scan3A_59 = arith.constant 0 : i32
    %scan3A_60 = arith.constant 0 : i32
    %scan3A_61 = arith.constant 36 : i32
    %scan3A_62 = arith.addi %scan3A_60, %scan3A_61 : i32
    %scan3A_63 = arith.constant 1 : i32
    scf.for %scan3A_73 = %scan3A_60 to %scan3A_62 step %scan3A_63  : i32 {
      %mul3A_74 = arith.constant 36 : i32
      %mul3A_75 = arith.muli %add3A, %mul3A_74 : i32
      %add3A_76 = arith.addi %mul3A_75, %scan3A_73 : i32
      "tpu.region"() ({
        %run_scoped3A_540 = tpu.sem_alloc : memref<!tpu.dma_semaphore, #tpu.memory_space<semaphore_mem>>
        %dma_start3A_541 = arith.constant 0 : i32
        %dma_start3A_542 = arith.constant 0 : i32
        %dma_start3A_543 = tpu.memref_slice %arg2[%add3A_76, %dma_start3A_541, %dma_start3A_542] : memref<1152x3x96xi32, #tpu.memory_space<hbm>> -> memref<1x3x96xi32, #tpu.memory_space<hbm>>
        %dma_start3A_544 = tpu.memref_squeeze %dma_start3A_543 : memref<1x3x96xi32, #tpu.memory_space<hbm>> -> memref<3x96xi32, #tpu.memory_space<hbm>>
        %dma_start3A_545 = arith.constant 0 : i32
        %dma_start3A_546 = arith.constant 0 : i32
        %dma_start3A_547 = tpu.memref_slice %arg2[%add3A_76, %dma_start3A_545, %dma_start3A_546] : memref<1152x3x96xi32, #tpu.memory_space<hbm>> -> memref<1x3x96xi32, #tpu.memory_space<hbm>>
        %dma_start3A_548 = tpu.memref_squeeze %dma_start3A_547 : memref<1x3x96xi32, #tpu.memory_space<hbm>> -> memref<3x96xi32, #tpu.memory_space<hbm>>
        tpu.enqueue_dma source(%dma_start3A_548 : memref<3x96xi32, #tpu.memory_space<hbm>>) target(%arg8 : memref<3x96xi32, #tpu.memory_space<vmem>>) target_semaphore(%run_scoped3A_540 : memref<!tpu.dma_semaphore, #tpu.memory_space<semaphore_mem>>)
        %dma_wait3A_549 = arith.constant 0 : i32
        %dma_wait3A_550 = arith.constant 0 : i32
        %dma_wait3A_551 = tpu.memref_slice %arg2[%add3A_76, %dma_wait3A_549, %dma_wait3A_550] : memref<1152x3x96xi32, #tpu.memory_space<hbm>> -> memref<1x3x96xi32, #tpu.memory_space<hbm>>
        %dma_wait3A_552 = tpu.memref_squeeze %dma_wait3A_551 : memref<1x3x96xi32, #tpu.memory_space<hbm>> -> memref<3x96xi32, #tpu.memory_space<hbm>>
        %dma_wait3A_553 = arith.constant 0 : i32
        %dma_wait3A_554 = arith.constant 0 : i32
        %dma_wait3A_555 = tpu.memref_slice %arg2[%add3A_76, %dma_wait3A_553, %dma_wait3A_554] : memref<1152x3x96xi32, #tpu.memory_space<hbm>> -> memref<1x3x96xi32, #tpu.memory_space<hbm>>
        %dma_wait3A_556 = tpu.memref_squeeze %dma_wait3A_555 : memref<1x3x96xi32, #tpu.memory_space<hbm>> -> memref<3x96xi32, #tpu.memory_space<hbm>>
        tpu.wait_dma2 semaphore(%run_scoped3A_540 : memref<!tpu.dma_semaphore, #tpu.memory_space<semaphore_mem>>) src(%dma_wait3A_556 : memref<3x96xi32, #tpu.memory_space<hbm>>) dst(%arg8 : memref<3x96xi32, #tpu.memory_space<vmem>>)
        tpu.yield
      }) : () -> ()
      "tpu.region"() ({
        %run_scoped3A_540 = tpu.sem_alloc : memref<!tpu.dma_semaphore, #tpu.memory_space<semaphore_mem>>
        %dma_start3A_541 = arith.constant 0 : i32
        %dma_start3A_542 = arith.constant 0 : i32
        %dma_start3A_543 = tpu.memref_slice %arg3[%add3A_76, %dma_start3A_541, %dma_start3A_542] : memref<1152x3x96xi32, #tpu.memory_space<hbm>> -> memref<1x3x96xi32, #tpu.memory_space<hbm>>
        %dma_start3A_544 = tpu.memref_squeeze %dma_start3A_543 : memref<1x3x96xi32, #tpu.memory_space<hbm>> -> memref<3x96xi32, #tpu.memory_space<hbm>>
        %dma_start3A_545 = arith.constant 0 : i32
        %dma_start3A_546 = arith.constant 0 : i32
        %dma_start3A_547 = tpu.memref_slice %arg3[%add3A_76, %dma_start3A_545, %dma_start3A_546] : memref<1152x3x96xi32, #tpu.memory_space<hbm>> -> memref<1x3x96xi32, #tpu.memory_space<hbm>>
        %dma_start3A_548 = tpu.memref_squeeze %dma_start3A_547 : memref<1x3x96xi32, #tpu.memory_space<hbm>> -> memref<3x96xi32, #tpu.memory_space<hbm>>
        tpu.enqueue_dma source(%dma_start3A_548 : memref<3x96xi32, #tpu.memory_space<hbm>>) target(%arg9 : memref<3x96xi32, #tpu.memory_space<vmem>>) target_semaphore(%run_scoped3A_540 : memref<!tpu.dma_semaphore, #tpu.memory_space<semaphore_mem>>)
        %dma_wait3A_549 = arith.constant 0 : i32
        %dma_wait3A_550 = arith.constant 0 : i32
        %dma_wait3A_551 = tpu.memref_slice %arg3[%add3A_76, %dma_wait3A_549, %dma_wait3A_550] : memref<1152x3x96xi32, #tpu.memory_space<hbm>> -> memref<1x3x96xi32, #tpu.memory_space<hbm>>
        %dma_wait3A_552 = tpu.memref_squeeze %dma_wait3A_551 : memref<1x3x96xi32, #tpu.memory_space<hbm>> -> memref<3x96xi32, #tpu.memory_space<hbm>>
        %dma_wait3A_553 = arith.constant 0 : i32
        %dma_wait3A_554 = arith.constant 0 : i32
        %dma_wait3A_555 = tpu.memref_slice %arg3[%add3A_76, %dma_wait3A_553, %dma_wait3A_554] : memref<1152x3x96xi32, #tpu.memory_space<hbm>> -> memref<1x3x96xi32, #tpu.memory_space<hbm>>
        %dma_wait3A_556 = tpu.memref_squeeze %dma_wait3A_555 : memref<1x3x96xi32, #tpu.memory_space<hbm>> -> memref<3x96xi32, #tpu.memory_space<hbm>>
        tpu.wait_dma2 semaphore(%run_scoped3A_540 : memref<!tpu.dma_semaphore, #tpu.memory_space<semaphore_mem>>) src(%dma_wait3A_556 : memref<3x96xi32, #tpu.memory_space<hbm>>) dst(%arg9 : memref<3x96xi32, #tpu.memory_space<vmem>>)
        tpu.yield
      }) : () -> ()
      "tpu.region"() ({
        %run_scoped3A_540 = tpu.sem_alloc : memref<!tpu.dma_semaphore, #tpu.memory_space<semaphore_mem>>
        %dma_start3A_541 = arith.constant 0 : i32
        %dma_start3A_542 = arith.constant 0 : i32
        %dma_start3A_543 = tpu.memref_slice %arg4[%add3A_76, %dma_start3A_541, %dma_start3A_542] : memref<1152x3x96xf32, #tpu.memory_space<hbm>> -> memref<1x3x96xf32, #tpu.memory_space<hbm>>
        %dma_start3A_544 = tpu.memref_squeeze %dma_start3A_543 : memref<1x3x96xf32, #tpu.memory_space<hbm>> -> memref<3x96xf32, #tpu.memory_space<hbm>>
        %dma_start3A_545 = arith.constant 0 : i32
        %dma_start3A_546 = arith.constant 0 : i32
        %dma_start3A_547 = tpu.memref_slice %arg4[%add3A_76, %dma_start3A_545, %dma_start3A_546] : memref<1152x3x96xf32, #tpu.memory_space<hbm>> -> memref<1x3x96xf32, #tpu.memory_space<hbm>>
        %dma_start3A_548 = tpu.memref_squeeze %dma_start3A_547 : memref<1x3x96xf32, #tpu.memory_space<hbm>> -> memref<3x96xf32, #tpu.memory_space<hbm>>
        tpu.enqueue_dma source(%dma_start3A_548 : memref<3x96xf32, #tpu.memory_space<hbm>>) target(%arg10 : memref<3x96xf32, #tpu.memory_space<vmem>>) target_semaphore(%run_scoped3A_540 : memref<!tpu.dma_semaphore, #tpu.memory_space<semaphore_mem>>)
        %dma_wait3A_549 = arith.constant 0 : i32
        %dma_wait3A_550 = arith.constant 0 : i32
        %dma_wait3A_551 = tpu.memref_slice %arg4[%add3A_76, %dma_wait3A_549, %dma_wait3A_550] : memref<1152x3x96xf32, #tpu.memory_space<hbm>> -> memref<1x3x96xf32, #tpu.memory_space<hbm>>
        %dma_wait3A_552 = tpu.memref_squeeze %dma_wait3A_551 : memref<1x3x96xf32, #tpu.memory_space<hbm>> -> memref<3x96xf32, #tpu.memory_space<hbm>>
        %dma_wait3A_553 = arith.constant 0 : i32
        %dma_wait3A_554 = arith.constant 0 : i32
        %dma_wait3A_555 = tpu.memref_slice %arg4[%add3A_76, %dma_wait3A_553, %dma_wait3A_554] : memref<1152x3x96xf32, #tpu.memory_space<hbm>> -> memref<1x3x96xf32, #tpu.memory_space<hbm>>
        %dma_wait3A_556 = tpu.memref_squeeze %dma_wait3A_555 : memref<1x3x96xf32, #tpu.memory_space<hbm>> -> memref<3x96xf32, #tpu.memory_space<hbm>>
        tpu.wait_dma2 semaphore(%run_scoped3A_540 : memref<!tpu.dma_semaphore, #tpu.memory_space<semaphore_mem>>) src(%dma_wait3A_556 : memref<3x96xf32, #tpu.memory_space<hbm>>) dst(%arg10 : memref<3x96xf32, #tpu.memory_space<vmem>>)
        tpu.yield
      }) : () -> ()
      %get3A = arith.constant 0 : i32
      %get3A_77 = arith.index_cast %get3A : i32 to index
      %get3A_78 = arith.constant 0 : index
      %get3A_79 = tpu.vector_load %arg8[%get3A_77, %get3A_78] {strides = array<i32>} : memref<3x96xi32, #tpu.memory_space<vmem>>, vector<16xi32>,
      %get3A_80 = arith.constant 0 : i32
      %get3A_81 = arith.index_cast %get3A_80 : i32 to index
      %get3A_82 = arith.constant 0 : index
      %get3A_83 = tpu.vector_load %arg9[%get3A_81, %get3A_82] {strides = array<i32>} : memref<3x96xi32, #tpu.memory_space<vmem>>, vector<16xi32>,
      %gather3A = tpu.vector_load_idx %arg11[%get3A_79] : memref<10240xf32, #tpu.memory_space<vmem>>[vector<16xi32>], vector<16xf32>,
      %gather3A_84 = tpu.vector_load_idx %arg11[%get3A_83] : memref<10240xf32, #tpu.memory_space<vmem>>[vector<16xi32>], vector<16xf32>,
      %get3A_85 = arith.constant 0 : i32
      %get3A_86 = arith.index_cast %get3A_85 : i32 to index
      %get3A_87 = arith.constant 0 : index
      %get3A_88 = tpu.vector_load %arg10[%get3A_86, %get3A_87] {strides = array<i32>} : memref<3x96xf32, #tpu.memory_space<vmem>>, vector<16xf32>,
      %mul3A_89 = arith.mulf %get3A_88, %gather3A : vector<16xf32>
      %mul3A_90 = arith.mulf %mul3A_89, %gather3A_84 : vector<16xf32>
      %swap3A = arith.constant 0 : i32
      %swap3A_91 = arith.index_cast %swap3A : i32 to index
      %swap3A_92 = arith.constant 0 : index
      %swap3A_93 = tpu.vector_load %arg10[%swap3A_91, %swap3A_92] {strides = array<i32>} : memref<3x96xf32, #tpu.memory_space<vmem>>, vector<16xf32>,
      tpu.vector_store %arg10[%swap3A_91, %swap3A_92], %mul3A_90 {strides = array<i32>} : memref<3x96xf32, #tpu.memory_space<vmem>>, vector<16xf32>,
      %get3A_94 = arith.constant 0 : i32
      %get3A_95 = arith.index_cast %get3A_94 : i32 to index
      %get3A_96 = arith.constant 16 : index
      %get3A_97 = tpu.vector_load %arg8[%get3A_95, %get3A_96] {strides = array<i32>} : memref<3x96xi32, #tpu.memory_space<vmem>>, vector<16xi32>,
      %get3A_98 = arith.constant 0 : i32
      %get3A_99 = arith.index_cast %get3A_98 : i32 to index
      %get3A_100 = arith.constant 16 : index
      %get3A_101 = tpu.vector_load %arg9[%get3A_99, %get3A_100] {strides = array<i32>} : memref<3x96xi32, #tpu.memory_space<vmem>>, vector<16xi32>,
      %gather3A_102 = tpu.vector_load_idx %arg11[%get3A_97] : memref<10240xf32, #tpu.memory_space<vmem>>[vector<16xi32>], vector<16xf32>,
      %gather3A_103 = tpu.vector_load_idx %arg11[%get3A_101] : memref<10240xf32, #tpu.memory_space<vmem>>[vector<16xi32>], vector<16xf32>,
      %get3A_104 = arith.constant 0 : i32
      %get3A_105 = arith.index_cast %get3A_104 : i32 to index
      %get3A_106 = arith.constant 16 : index
      %get3A_107 = tpu.vector_load %arg10[%get3A_105, %get3A_106] {strides = array<i32>} : memref<3x96xf32, #tpu.memory_space<vmem>>, vector<16xf32>,
      %mul3A_108 = arith.mulf %get3A_107, %gather3A_102 : vector<16xf32>
      %mul3A_109 = arith.mulf %mul3A_108, %gather3A_103 : vector<16xf32>
      %swap3A_110 = arith.constant 0 : i32
      %swap3A_111 = arith.index_cast %swap3A_110 : i32 to index
      %swap3A_112 = arith.constant 16 : index
      %swap3A_113 = tpu.vector_load %arg10[%swap3A_111, %swap3A_112] {strides = array<i32>} : memref<3x96xf32, #tpu.memory_space<vmem>>, vector<16xf32>,
      tpu.vector_store %arg10[%swap3A_111, %swap3A_112], %mul3A_109 {strides = array<i32>} : memref<3x96xf32, #tpu.memory_space<vmem>>, vector<16xf32>,
      %get3A_114 = arith.constant 0 : i32
      %get3A_115 = arith.index_cast %get3A_114 : i32 to index
      %get3A_116 = arith.constant 32 : index
      %get3A_117 = tpu.vector_load %arg8[%get3A_115, %get3A_116] {strides = array<i32>} : memref<3x96xi32, #tpu.memory_space<vmem>>, vector<16xi32>,
      %get3A_118 = arith.constant 0 : i32
      %get3A_119 = arith.index_cast %get3A_118 : i32 to index
      %get3A_120 = arith.constant 32 : index
      %get3A_121 = tpu.vector_load %arg9[%get3A_119, %get3A_120] {strides = array<i32>} : memref<3x96xi32, #tpu.memory_space<vmem>>, vector<16xi32>,
      %gather3A_122 = tpu.vector_load_idx %arg11[%get3A_117] : memref<10240xf32, #tpu.memory_space<vmem>>[vector<16xi32>], vector<16xf32>,
      %gather3A_123 = tpu.vector_load_idx %arg11[%get3A_121] : memref<10240xf32, #tpu.memory_space<vmem>>[vector<16xi32>], vector<16xf32>,
      %get3A_124 = arith.constant 0 : i32
      %get3A_125 = arith.index_cast %get3A_124 : i32 to index
      %get3A_126 = arith.constant 32 : index
      %get3A_127 = tpu.vector_load %arg10[%get3A_125, %get3A_126] {strides = array<i32>} : memref<3x96xf32, #tpu.memory_space<vmem>>, vector<16xf32>,
      %mul3A_128 = arith.mulf %get3A_127, %gather3A_122 : vector<16xf32>
      %mul3A_129 = arith.mulf %mul3A_128, %gather3A_123 : vector<16xf32>
      %swap3A_130 = arith.constant 0 : i32
      %swap3A_131 = arith.index_cast %swap3A_130 : i32 to index
      %swap3A_132 = arith.constant 32 : index
      %swap3A_133 = tpu.vector_load %arg10[%swap3A_131, %swap3A_132] {strides = array<i32>} : memref<3x96xf32, #tpu.memory_space<vmem>>, vector<16xf32>,
      tpu.vector_store %arg10[%swap3A_131, %swap3A_132], %mul3A_129 {strides = array<i32>} : memref<3x96xf32, #tpu.memory_space<vmem>>, vector<16xf32>,
      %get3A_134 = arith.constant 0 : i32
      %get3A_135 = arith.index_cast %get3A_134 : i32 to index
      %get3A_136 = arith.constant 48 : index
      %get3A_137 = tpu.vector_load %arg8[%get3A_135, %get3A_136] {strides = array<i32>} : memref<3x96xi32, #tpu.memory_space<vmem>>, vector<16xi32>,
      %get3A_138 = arith.constant 0 : i32
      %get3A_139 = arith.index_cast %get3A_138 : i32 to index
      %get3A_140 = arith.constant 48 : index
      %get3A_141 = tpu.vector_load %arg9[%get3A_139, %get3A_140] {strides = array<i32>} : memref<3x96xi32, #tpu.memory_space<vmem>>, vector<16xi32>,
      %gather3A_142 = tpu.vector_load_idx %arg11[%get3A_137] : memref<10240xf32, #tpu.memory_space<vmem>>[vector<16xi32>], vector<16xf32>,
      %gather3A_143 = tpu.vector_load_idx %arg11[%get3A_141] : memref<10240xf32, #tpu.memory_space<vmem>>[vector<16xi32>], vector<16xf32>,
      %get3A_144 = arith.constant 0 : i32
      %get3A_145 = arith.index_cast %get3A_144 : i32 to index
      %get3A_146 = arith.constant 48 : index
      %get3A_147 = tpu.vector_load %arg10[%get3A_145, %get3A_146] {strides = array<i32>} : memref<3x96xf32, #tpu.memory_space<vmem>>, vector<16xf32>,
      %mul3A_148 = arith.mulf %get3A_147, %gather3A_142 : vector<16xf32>
      %mul3A_149 = arith.mulf %mul3A_148, %gather3A_143 : vector<16xf32>
      %swap3A_150 = arith.constant 0 : i32
      %swap3A_151 = arith.index_cast %swap3A_150 : i32 to index
      %swap3A_152 = arith.constant 48 : index
      %swap3A_153 = tpu.vector_load %arg10[%swap3A_151, %swap3A_152] {strides = array<i32>} : memref<3x96xf32, #tpu.memory_space<vmem>>, vector<16xf32>,
      tpu.vector_store %arg10[%swap3A_151, %swap3A_152], %mul3A_149 {strides = array<i32>} : memref<3x96xf32, #tpu.memory_space<vmem>>, vector<16xf32>,
      %get3A_154 = arith.constant 0 : i32
      %get3A_155 = arith.index_cast %get3A_154 : i32 to index
      %get3A_156 = arith.constant 64 : index
      %get3A_157 = tpu.vector_load %arg8[%get3A_155, %get3A_156] {strides = array<i32>} : memref<3x96xi32, #tpu.memory_space<vmem>>, vector<16xi32>,
      %get3A_158 = arith.constant 0 : i32
      %get3A_159 = arith.index_cast %get3A_158 : i32 to index
      %get3A_160 = arith.constant 64 : index
      %get3A_161 = tpu.vector_load %arg9[%get3A_159, %get3A_160] {strides = array<i32>} : memref<3x96xi32, #tpu.memory_space<vmem>>, vector<16xi32>,
      %gather3A_162 = tpu.vector_load_idx %arg11[%get3A_157] : memref<10240xf32, #tpu.memory_space<vmem>>[vector<16xi32>], vector<16xf32>,
      %gather3A_163 = tpu.vector_load_idx %arg11[%get3A_161] : memref<10240xf32, #tpu.memory_space<vmem>>[vector<16xi32>], vector<16xf32>,
      %get3A_164 = arith.constant 0 : i32
      %get3A_165 = arith.index_cast %get3A_164 : i32 to index
      %get3A_166 = arith.constant 64 : index
      %get3A_167 = tpu.vector_load %arg10[%get3A_165, %get3A_166] {strides = array<i32>} : memref<3x96xf32, #tpu.memory_space<vmem>>, vector<16xf32>,
      %mul3A_168 = arith.mulf %get3A_167, %gather3A_162 : vector<16xf32>
      %mul3A_169 = arith.mulf %mul3A_168, %gather3A_163 : vector<16xf32>
      %swap3A_170 = arith.constant 0 : i32
      %swap3A_171 = arith.index_cast %swap3A_170 : i32 to index
      %swap3A_172 = arith.constant 64 : index
      %swap3A_173 = tpu.vector_load %arg10[%swap3A_171, %swap3A_172] {strides = array<i32>} : memref<3x96xf32, #tpu.memory_space<vmem>>, vector<16xf32>,
      tpu.vector_store %arg10[%swap3A_171, %swap3A_172], %mul3A_169 {strides = array<i32>} : memref<3x96xf32, #tpu.memory_space<vmem>>, vector<16xf32>,
      %get3A_174 = arith.constant 0 : i32
      %get3A_175 = arith.index_cast %get3A_174 : i32 to index
      %get3A_176 = arith.constant 80 : index
      %get3A_177 = tpu.vector_load %arg8[%get3A_175, %get3A_176] {strides = array<i32>} : memref<3x96xi32, #tpu.memory_space<vmem>>, vector<16xi32>,
      %get3A_178 = arith.constant 0 : i32
      %get3A_179 = arith.index_cast %get3A_178 : i32 to index
      %get3A_180 = arith.constant 80 : index
      %get3A_181 = tpu.vector_load %arg9[%get3A_179, %get3A_180] {strides = array<i32>} : memref<3x96xi32, #tpu.memory_space<vmem>>, vector<16xi32>,
      %gather3A_182 = tpu.vector_load_idx %arg11[%get3A_177] : memref<10240xf32, #tpu.memory_space<vmem>>[vector<16xi32>], vector<16xf32>,
      %gather3A_183 = tpu.vector_load_idx %arg11[%get3A_181] : memref<10240xf32, #tpu.memory_space<vmem>>[vector<16xi32>], vector<16xf32>,
      %get3A_184 = arith.constant 0 : i32
      %get3A_185 = arith.index_cast %get3A_184 : i32 to index
      %get3A_186 = arith.constant 80 : index
      %get3A_187 = tpu.vector_load %arg10[%get3A_185, %get3A_186] {strides = array<i32>} : memref<3x96xf32, #tpu.memory_space<vmem>>, vector<16xf32>,
      %mul3A_188 = arith.mulf %get3A_187, %gather3A_182 : vector<16xf32>
      %mul3A_189 = arith.mulf %mul3A_188, %gather3A_183 : vector<16xf32>
      %swap3A_190 = arith.constant 0 : i32
      %swap3A_191 = arith.index_cast %swap3A_190 : i32 to index
      %swap3A_192 = arith.constant 80 : index
      %swap3A_193 = tpu.vector_load %arg10[%swap3A_191, %swap3A_192] {strides = array<i32>} : memref<3x96xf32, #tpu.memory_space<vmem>>, vector<16xf32>,
      tpu.vector_store %arg10[%swap3A_191, %swap3A_192], %mul3A_189 {strides = array<i32>} : memref<3x96xf32, #tpu.memory_space<vmem>>, vector<16xf32>,
      %get3A_194 = arith.constant 1 : i32
      %get3A_195 = arith.index_cast %get3A_194 : i32 to index
      %get3A_196 = arith.constant 0 : index
      %get3A_197 = tpu.vector_load %arg8[%get3A_195, %get3A_196] {strides = array<i32>} : memref<3x96xi32, #tpu.memory_space<vmem>>, vector<16xi32>,
      %get3A_198 = arith.constant 1 : i32
      %get3A_199 = arith.index_cast %get3A_198 : i32 to index
      %get3A_200 = arith.constant 0 : index
      %get3A_201 = tpu.vector_load %arg9[%get3A_199, %get3A_200] {strides = array<i32>} : memref<3x96xi32, #tpu.memory_space<vmem>>, vector<16xi32>,
      %gather3A_202 = tpu.vector_load_idx %arg11[%get3A_197] : memref<10240xf32, #tpu.memory_space<vmem>>[vector<16xi32>], vector<16xf32>,
      %gather3A_203 = tpu.vector_load_idx %arg11[%get3A_201] : memref<10240xf32, #tpu.memory_space<vmem>>[vector<16xi32>], vector<16xf32>,
      %get3A_204 = arith.constant 1 : i32
      %get3A_205 = arith.index_cast %get3A_204 : i32 to index
      %get3A_206 = arith.constant 0 : index
      %get3A_207 = tpu.vector_load %arg10[%get3A_205, %get3A_206] {strides = array<i32>} : memref<3x96xf32, #tpu.memory_space<vmem>>, vector<16xf32>,
      %mul3A_208 = arith.mulf %get3A_207, %gather3A_202 : vector<16xf32>
      %mul3A_209 = arith.mulf %mul3A_208, %gather3A_203 : vector<16xf32>
      %swap3A_210 = arith.constant 1 : i32
      %swap3A_211 = arith.index_cast %swap3A_210 : i32 to index
      %swap3A_212 = arith.constant 0 : index
      %swap3A_213 = tpu.vector_load %arg10[%swap3A_211, %swap3A_212] {strides = array<i32>} : memref<3x96xf32, #tpu.memory_space<vmem>>, vector<16xf32>,
      tpu.vector_store %arg10[%swap3A_211, %swap3A_212], %mul3A_209 {strides = array<i32>} : memref<3x96xf32, #tpu.memory_space<vmem>>, vector<16xf32>,
      %get3A_214 = arith.constant 1 : i32
      %get3A_215 = arith.index_cast %get3A_214 : i32 to index
      %get3A_216 = arith.constant 16 : index
      %get3A_217 = tpu.vector_load %arg8[%get3A_215, %get3A_216] {strides = array<i32>} : memref<3x96xi32, #tpu.memory_space<vmem>>, vector<16xi32>,
      %get3A_218 = arith.constant 1 : i32
      %get3A_219 = arith.index_cast %get3A_218 : i32 to index
      %get3A_220 = arith.constant 16 : index
      %get3A_221 = tpu.vector_load %arg9[%get3A_219, %get3A_220] {strides = array<i32>} : memref<3x96xi32, #tpu.memory_space<vmem>>, vector<16xi32>,
      %gather3A_222 = tpu.vector_load_idx %arg11[%get3A_217] : memref<10240xf32, #tpu.memory_space<vmem>>[vector<16xi32>], vector<16xf32>,
      %gather3A_223 = tpu.vector_load_idx %arg11[%get3A_221] : memref<10240xf32, #tpu.memory_space<vmem>>[vector<16xi32>], vector<16xf32>,
      %get3A_224 = arith.constant 1 : i32
      %get3A_225 = arith.index_cast %get3A_224 : i32 to index
      %get3A_226 = arith.constant 16 : index
      %get3A_227 = tpu.vector_load %arg10[%get3A_225, %get3A_226] {strides = array<i32>} : memref<3x96xf32, #tpu.memory_space<vmem>>, vector<16xf32>,
      %mul3A_228 = arith.mulf %get3A_227, %gather3A_222 : vector<16xf32>
      %mul3A_229 = arith.mulf %mul3A_228, %gather3A_223 : vector<16xf32>
      %swap3A_230 = arith.constant 1 : i32
      %swap3A_231 = arith.index_cast %swap3A_230 : i32 to index
      %swap3A_232 = arith.constant 16 : index
      %swap3A_233 = tpu.vector_load %arg10[%swap3A_231, %swap3A_232] {strides = array<i32>} : memref<3x96xf32, #tpu.memory_space<vmem>>, vector<16xf32>,
      tpu.vector_store %arg10[%swap3A_231, %swap3A_232], %mul3A_229 {strides = array<i32>} : memref<3x96xf32, #tpu.memory_space<vmem>>, vector<16xf32>,
      %get3A_234 = arith.constant 1 : i32
      %get3A_235 = arith.index_cast %get3A_234 : i32 to index
      %get3A_236 = arith.constant 32 : index
      %get3A_237 = tpu.vector_load %arg8[%get3A_235, %get3A_236] {strides = array<i32>} : memref<3x96xi32, #tpu.memory_space<vmem>>, vector<16xi32>,
      %get3A_238 = arith.constant 1 : i32
      %get3A_239 = arith.index_cast %get3A_238 : i32 to index
      %get3A_240 = arith.constant 32 : index
      %get3A_241 = tpu.vector_load %arg9[%get3A_239, %get3A_240] {strides = array<i32>} : memref<3x96xi32, #tpu.memory_space<vmem>>, vector<16xi32>,
      %gather3A_242 = tpu.vector_load_idx %arg11[%get3A_237] : memref<10240xf32, #tpu.memory_space<vmem>>[vector<16xi32>], vector<16xf32>,
      %gather3A_243 = tpu.vector_load_idx %arg11[%get3A_241] : memref<10240xf32, #tpu.memory_space<vmem>>[vector<16xi32>], vector<16xf32>,
      %get3A_244 = arith.constant 1 : i32
      %get3A_245 = arith.index_cast %get3A_244 : i32 to index
      %get3A_246 = arith.constant 32 : index
      %get3A_247 = tpu.vector_load %arg10[%get3A_245, %get3A_246] {strides = array<i32>} : memref<3x96xf32, #tpu.memory_space<vmem>>, vector<16xf32>,
      %mul3A_248 = arith.mulf %get3A_247, %gather3A_242 : vector<16xf32>
      %mul3A_249 = arith.mulf %mul3A_248, %gather3A_243 : vector<16xf32>
      %swap3A_250 = arith.constant 1 : i32
      %swap3A_251 = arith.index_cast %swap3A_250 : i32 to index
      %swap3A_252 = arith.constant 32 : index
      %swap3A_253 = tpu.vector_load %arg10[%swap3A_251, %swap3A_252] {strides = array<i32>} : memref<3x96xf32, #tpu.memory_space<vmem>>, vector<16xf32>,
      tpu.vector_store %arg10[%swap3A_251, %swap3A_252], %mul3A_249 {strides = array<i32>} : memref<3x96xf32, #tpu.memory_space<vmem>>, vector<16xf32>,
      %get3A_254 = arith.constant 1 : i32
      %get3A_255 = arith.index_cast %get3A_254 : i32 to index
      %get3A_256 = arith.constant 48 : index
      %get3A_257 = tpu.vector_load %arg8[%get3A_255, %get3A_256] {strides = array<i32>} : memref<3x96xi32, #tpu.memory_space<vmem>>, vector<16xi32>,
      %get3A_258 = arith.constant 1 : i32
      %get3A_259 = arith.index_cast %get3A_258 : i32 to index
      %get3A_260 = arith.constant 48 : index
      %get3A_261 = tpu.vector_load %arg9[%get3A_259, %get3A_260] {strides = array<i32>} : memref<3x96xi32, #tpu.memory_space<vmem>>, vector<16xi32>,
      %gather3A_262 = tpu.vector_load_idx %arg11[%get3A_257] : memref<10240xf32, #tpu.memory_space<vmem>>[vector<16xi32>], vector<16xf32>,
      %gather3A_263 = tpu.vector_load_idx %arg11[%get3A_261] : memref<10240xf32, #tpu.memory_space<vmem>>[vector<16xi32>], vector<16xf32>,
      %get3A_264 = arith.constant 1 : i32
      %get3A_265 = arith.index_cast %get3A_264 : i32 to index
      %get3A_266 = arith.constant 48 : index
      %get3A_267 = tpu.vector_load %arg10[%get3A_265, %get3A_266] {strides = array<i32>} : memref<3x96xf32, #tpu.memory_space<vmem>>, vector<16xf32>,
      %mul3A_268 = arith.mulf %get3A_267, %gather3A_262 : vector<16xf32>
      %mul3A_269 = arith.mulf %mul3A_268, %gather3A_263 : vector<16xf32>
      %swap3A_270 = arith.constant 1 : i32
      %swap3A_271 = arith.index_cast %swap3A_270 : i32 to index
      %swap3A_272 = arith.constant 48 : index
      %swap3A_273 = tpu.vector_load %arg10[%swap3A_271, %swap3A_272] {strides = array<i32>} : memref<3x96xf32, #tpu.memory_space<vmem>>, vector<16xf32>,
      tpu.vector_store %arg10[%swap3A_271, %swap3A_272], %mul3A_269 {strides = array<i32>} : memref<3x96xf32, #tpu.memory_space<vmem>>, vector<16xf32>,
      %get3A_274 = arith.constant 1 : i32
      %get3A_275 = arith.index_cast %get3A_274 : i32 to index
      %get3A_276 = arith.constant 64 : index
      %get3A_277 = tpu.vector_load %arg8[%get3A_275, %get3A_276] {strides = array<i32>} : memref<3x96xi32, #tpu.memory_space<vmem>>, vector<16xi32>,
      %get3A_278 = arith.constant 1 : i32
      %get3A_279 = arith.index_cast %get3A_278 : i32 to index
      %get3A_280 = arith.constant 64 : index
      %get3A_281 = tpu.vector_load %arg9[%get3A_279, %get3A_280] {strides = array<i32>} : memref<3x96xi32, #tpu.memory_space<vmem>>, vector<16xi32>,
      %gather3A_282 = tpu.vector_load_idx %arg11[%get3A_277] : memref<10240xf32, #tpu.memory_space<vmem>>[vector<16xi32>], vector<16xf32>,
      %gather3A_283 = tpu.vector_load_idx %arg11[%get3A_281] : memref<10240xf32, #tpu.memory_space<vmem>>[vector<16xi32>], vector<16xf32>,
      %get3A_284 = arith.constant 1 : i32
      %get3A_285 = arith.index_cast %get3A_284 : i32 to index
      %get3A_286 = arith.constant 64 : index
      %get3A_287 = tpu.vector_load %arg10[%get3A_285, %get3A_286] {strides = array<i32>} : memref<3x96xf32, #tpu.memory_space<vmem>>, vector<16xf32>,
      %mul3A_288 = arith.mulf %get3A_287, %gather3A_282 : vector<16xf32>
      %mul3A_289 = arith.mulf %mul3A_288, %gather3A_283 : vector<16xf32>
      %swap3A_290 = arith.constant 1 : i32
      %swap3A_291 = arith.index_cast %swap3A_290 : i32 to index
      %swap3A_292 = arith.constant 64 : index
      %swap3A_293 = tpu.vector_load %arg10[%swap3A_291, %swap3A_292] {strides = array<i32>} : memref<3x96xf32, #tpu.memory_space<vmem>>, vector<16xf32>,
      tpu.vector_store %arg10[%swap3A_291, %swap3A_292], %mul3A_289 {strides = array<i32>} : memref<3x96xf32, #tpu.memory_space<vmem>>, vector<16xf32>,
      %get3A_294 = arith.constant 1 : i32
      %get3A_295 = arith.index_cast %get3A_294 : i32 to index
      %get3A_296 = arith.constant 80 : index
      %get3A_297 = tpu.vector_load %arg8[%get3A_295, %get3A_296] {strides = array<i32>} : memref<3x96xi32, #tpu.memory_space<vmem>>, vector<16xi32>,
      %get3A_298 = arith.constant 1 : i32
      %get3A_299 = arith.index_cast %get3A_298 : i32 to index
      %get3A_300 = arith.constant 80 : index
      %get3A_301 = tpu.vector_load %arg9[%get3A_299, %get3A_300] {strides = array<i32>} : memref<3x96xi32, #tpu.memory_space<vmem>>, vector<16xi32>,
      %gather3A_302 = tpu.vector_load_idx %arg11[%get3A_297] : memref<10240xf32, #tpu.memory_space<vmem>>[vector<16xi32>], vector<16xf32>,
      %gather3A_303 = tpu.vector_load_idx %arg11[%get3A_301] : memref<10240xf32, #tpu.memory_space<vmem>>[vector<16xi32>], vector<16xf32>,
      %get3A_304 = arith.constant 1 : i32
      %get3A_305 = arith.index_cast %get3A_304 : i32 to index
      %get3A_306 = arith.constant 80 : index
      %get3A_307 = tpu.vector_load %arg10[%get3A_305, %get3A_306] {strides = array<i32>} : memref<3x96xf32, #tpu.memory_space<vmem>>, vector<16xf32>,
      %mul3A_308 = arith.mulf %get3A_307, %gather3A_302 : vector<16xf32>
      %mul3A_309 = arith.mulf %mul3A_308, %gather3A_303 : vector<16xf32>
      %swap3A_310 = arith.constant 1 : i32
      %swap3A_311 = arith.index_cast %swap3A_310 : i32 to index
      %swap3A_312 = arith.constant 80 : index
      %swap3A_313 = tpu.vector_load %arg10[%swap3A_311, %swap3A_312] {strides = array<i32>} : memref<3x96xf32, #tpu.memory_space<vmem>>, vector<16xf32>,
      tpu.vector_store %arg10[%swap3A_311, %swap3A_312], %mul3A_309 {strides = array<i32>} : memref<3x96xf32, #tpu.memory_space<vmem>>, vector<16xf32>,
      %get3A_314 = arith.constant 2 : i32
      %get3A_315 = arith.index_cast %get3A_314 : i32 to index
      %get3A_316 = arith.constant 0 : index
      %get3A_317 = tpu.vector_load %arg8[%get3A_315, %get3A_316] {strides = array<i32>} : memref<3x96xi32, #tpu.memory_space<vmem>>, vector<16xi32>,
      %get3A_318 = arith.constant 2 : i32
      %get3A_319 = arith.index_cast %get3A_318 : i32 to index
      %get3A_320 = arith.constant 0 : index
      %get3A_321 = tpu.vector_load %arg9[%get3A_319, %get3A_320] {strides = array<i32>} : memref<3x96xi32, #tpu.memory_space<vmem>>, vector<16xi32>,
      %gather3A_322 = tpu.vector_load_idx %arg11[%get3A_317] : memref<10240xf32, #tpu.memory_space<vmem>>[vector<16xi32>], vector<16xf32>,
      %gather3A_323 = tpu.vector_load_idx %arg11[%get3A_321] : memref<10240xf32, #tpu.memory_space<vmem>>[vector<16xi32>], vector<16xf32>,
      %get3A_324 = arith.constant 2 : i32
      %get3A_325 = arith.index_cast %get3A_324 : i32 to index
      %get3A_326 = arith.constant 0 : index
      %get3A_327 = tpu.vector_load %arg10[%get3A_325, %get3A_326] {strides = array<i32>} : memref<3x96xf32, #tpu.memory_space<vmem>>, vector<16xf32>,
      %mul3A_328 = arith.mulf %get3A_327, %gather3A_322 : vector<16xf32>
      %mul3A_329 = arith.mulf %mul3A_328, %gather3A_323 : vector<16xf32>
      %swap3A_330 = arith.constant 2 : i32
      %swap3A_331 = arith.index_cast %swap3A_330 : i32 to index
      %swap3A_332 = arith.constant 0 : index
      %swap3A_333 = tpu.vector_load %arg10[%swap3A_331, %swap3A_332] {strides = array<i32>} : memref<3x96xf32, #tpu.memory_space<vmem>>, vector<16xf32>,
      tpu.vector_store %arg10[%swap3A_331, %swap3A_332], %mul3A_329 {strides = array<i32>} : memref<3x96xf32, #tpu.memory_space<vmem>>, vector<16xf32>,
      %get3A_334 = arith.constant 2 : i32
      %get3A_335 = arith.index_cast %get3A_334 : i32 to index
      %get3A_336 = arith.constant 16 : index
      %get3A_337 = tpu.vector_load %arg8[%get3A_335, %get3A_336] {strides = array<i32>} : memref<3x96xi32, #tpu.memory_space<vmem>>, vector<16xi32>,
      %get3A_338 = arith.constant 2 : i32
      %get3A_339 = arith.index_cast %get3A_338 : i32 to index
      %get3A_340 = arith.constant 16 : index
      %get3A_341 = tpu.vector_load %arg9[%get3A_339, %get3A_340] {strides = array<i32>} : memref<3x96xi32, #tpu.memory_space<vmem>>, vector<16xi32>,
      %gather3A_342 = tpu.vector_load_idx %arg11[%get3A_337] : memref<10240xf32, #tpu.memory_space<vmem>>[vector<16xi32>], vector<16xf32>,
      %gather3A_343 = tpu.vector_load_idx %arg11[%get3A_341] : memref<10240xf32, #tpu.memory_space<vmem>>[vector<16xi32>], vector<16xf32>,
      %get3A_344 = arith.constant 2 : i32
      %get3A_345 = arith.index_cast %get3A_344 : i32 to index
      %get3A_346 = arith.constant 16 : index
      %get3A_347 = tpu.vector_load %arg10[%get3A_345, %get3A_346] {strides = array<i32>} : memref<3x96xf32, #tpu.memory_space<vmem>>, vector<16xf32>,
      %mul3A_348 = arith.mulf %get3A_347, %gather3A_342 : vector<16xf32>
      %mul3A_349 = arith.mulf %mul3A_348, %gather3A_343 : vector<16xf32>
      %swap3A_350 = arith.constant 2 : i32
      %swap3A_351 = arith.index_cast %swap3A_350 : i32 to index
      %swap3A_352 = arith.constant 16 : index
      %swap3A_353 = tpu.vector_load %arg10[%swap3A_351, %swap3A_352] {strides = array<i32>} : memref<3x96xf32, #tpu.memory_space<vmem>>, vector<16xf32>,
      tpu.vector_store %arg10[%swap3A_351, %swap3A_352], %mul3A_349 {strides = array<i32>} : memref<3x96xf32, #tpu.memory_space<vmem>>, vector<16xf32>,
      %get3A_354 = arith.constant 2 : i32
      %get3A_355 = arith.index_cast %get3A_354 : i32 to index
      %get3A_356 = arith.constant 32 : index
      %get3A_357 = tpu.vector_load %arg8[%get3A_355, %get3A_356] {strides = array<i32>} : memref<3x96xi32, #tpu.memory_space<vmem>>, vector<16xi32>,
      %get3A_358 = arith.constant 2 : i32
      %get3A_359 = arith.index_cast %get3A_358 : i32 to index
      %get3A_360 = arith.constant 32 : index
      %get3A_361 = tpu.vector_load %arg9[%get3A_359, %get3A_360] {strides = array<i32>} : memref<3x96xi32, #tpu.memory_space<vmem>>, vector<16xi32>,
      %gather3A_362 = tpu.vector_load_idx %arg11[%get3A_357] : memref<10240xf32, #tpu.memory_space<vmem>>[vector<16xi32>], vector<16xf32>,
      %gather3A_363 = tpu.vector_load_idx %arg11[%get3A_361] : memref<10240xf32, #tpu.memory_space<vmem>>[vector<16xi32>], vector<16xf32>,
      %get3A_364 = arith.constant 2 : i32
      %get3A_365 = arith.index_cast %get3A_364 : i32 to index
      %get3A_366 = arith.constant 32 : index
      %get3A_367 = tpu.vector_load %arg10[%get3A_365, %get3A_366] {strides = array<i32>} : memref<3x96xf32, #tpu.memory_space<vmem>>, vector<16xf32>,
      %mul3A_368 = arith.mulf %get3A_367, %gather3A_362 : vector<16xf32>
      %mul3A_369 = arith.mulf %mul3A_368, %gather3A_363 : vector<16xf32>
      %swap3A_370 = arith.constant 2 : i32
      %swap3A_371 = arith.index_cast %swap3A_370 : i32 to index
      %swap3A_372 = arith.constant 32 : index
      %swap3A_373 = tpu.vector_load %arg10[%swap3A_371, %swap3A_372] {strides = array<i32>} : memref<3x96xf32, #tpu.memory_space<vmem>>, vector<16xf32>,
      tpu.vector_store %arg10[%swap3A_371, %swap3A_372], %mul3A_369 {strides = array<i32>} : memref<3x96xf32, #tpu.memory_space<vmem>>, vector<16xf32>,
      %get3A_374 = arith.constant 2 : i32
      %get3A_375 = arith.index_cast %get3A_374 : i32 to index
      %get3A_376 = arith.constant 48 : index
      %get3A_377 = tpu.vector_load %arg8[%get3A_375, %get3A_376] {strides = array<i32>} : memref<3x96xi32, #tpu.memory_space<vmem>>, vector<16xi32>,
      %get3A_378 = arith.constant 2 : i32
      %get3A_379 = arith.index_cast %get3A_378 : i32 to index
      %get3A_380 = arith.constant 48 : index
      %get3A_381 = tpu.vector_load %arg9[%get3A_379, %get3A_380] {strides = array<i32>} : memref<3x96xi32, #tpu.memory_space<vmem>>, vector<16xi32>,
      %gather3A_382 = tpu.vector_load_idx %arg11[%get3A_377] : memref<10240xf32, #tpu.memory_space<vmem>>[vector<16xi32>], vector<16xf32>,
      %gather3A_383 = tpu.vector_load_idx %arg11[%get3A_381] : memref<10240xf32, #tpu.memory_space<vmem>>[vector<16xi32>], vector<16xf32>,
      %get3A_384 = arith.constant 2 : i32
      %get3A_385 = arith.index_cast %get3A_384 : i32 to index
      %get3A_386 = arith.constant 48 : index
      %get3A_387 = tpu.vector_load %arg10[%get3A_385, %get3A_386] {strides = array<i32>} : memref<3x96xf32, #tpu.memory_space<vmem>>, vector<16xf32>,
      %mul3A_388 = arith.mulf %get3A_387, %gather3A_382 : vector<16xf32>
      %mul3A_389 = arith.mulf %mul3A_388, %gather3A_383 : vector<16xf32>
      %swap3A_390 = arith.constant 2 : i32
      %swap3A_391 = arith.index_cast %swap3A_390 : i32 to index
      %swap3A_392 = arith.constant 48 : index
      %swap3A_393 = tpu.vector_load %arg10[%swap3A_391, %swap3A_392] {strides = array<i32>} : memref<3x96xf32, #tpu.memory_space<vmem>>, vector<16xf32>,
      tpu.vector_store %arg10[%swap3A_391, %swap3A_392], %mul3A_389 {strides = array<i32>} : memref<3x96xf32, #tpu.memory_space<vmem>>, vector<16xf32>,
      %get3A_394 = arith.constant 2 : i32
      %get3A_395 = arith.index_cast %get3A_394 : i32 to index
      %get3A_396 = arith.constant 64 : index
      %get3A_397 = tpu.vector_load %arg8[%get3A_395, %get3A_396] {strides = array<i32>} : memref<3x96xi32, #tpu.memory_space<vmem>>, vector<16xi32>,
      %get3A_398 = arith.constant 2 : i32
      %get3A_399 = arith.index_cast %get3A_398 : i32 to index
      %get3A_400 = arith.constant 64 : index
      %get3A_401 = tpu.vector_load %arg9[%get3A_399, %get3A_400] {strides = array<i32>} : memref<3x96xi32, #tpu.memory_space<vmem>>, vector<16xi32>,
      %gather3A_402 = tpu.vector_load_idx %arg11[%get3A_397] : memref<10240xf32, #tpu.memory_space<vmem>>[vector<16xi32>], vector<16xf32>,
      %gather3A_403 = tpu.vector_load_idx %arg11[%get3A_401] : memref<10240xf32, #tpu.memory_space<vmem>>[vector<16xi32>], vector<16xf32>,
      %get3A_404 = arith.constant 2 : i32
      %get3A_405 = arith.index_cast %get3A_404 : i32 to index
      %get3A_406 = arith.constant 64 : index
      %get3A_407 = tpu.vector_load %arg10[%get3A_405, %get3A_406] {strides = array<i32>} : memref<3x96xf32, #tpu.memory_space<vmem>>, vector<16xf32>,
      %mul3A_408 = arith.mulf %get3A_407, %gather3A_402 : vector<16xf32>
      %mul3A_409 = arith.mulf %mul3A_408, %gather3A_403 : vector<16xf32>
      %swap3A_410 = arith.constant 2 : i32
      %swap3A_411 = arith.index_cast %swap3A_410 : i32 to index
      %swap3A_412 = arith.constant 64 : index
      %swap3A_413 = tpu.vector_load %arg10[%swap3A_411, %swap3A_412] {strides = array<i32>} : memref<3x96xf32, #tpu.memory_space<vmem>>, vector<16xf32>,
      tpu.vector_store %arg10[%swap3A_411, %swap3A_412], %mul3A_409 {strides = array<i32>} : memref<3x96xf32, #tpu.memory_space<vmem>>, vector<16xf32>,
      %get3A_414 = arith.constant 2 : i32
      %get3A_415 = arith.index_cast %get3A_414 : i32 to index
      %get3A_416 = arith.constant 80 : index
      %get3A_417 = tpu.vector_load %arg8[%get3A_415, %get3A_416] {strides = array<i32>} : memref<3x96xi32, #tpu.memory_space<vmem>>, vector<16xi32>,
      %get3A_418 = arith.constant 2 : i32
      %get3A_419 = arith.index_cast %get3A_418 : i32 to index
      %get3A_420 = arith.constant 80 : index
      %get3A_421 = tpu.vector_load %arg9[%get3A_419, %get3A_420] {strides = array<i32>} : memref<3x96xi32, #tpu.memory_space<vmem>>, vector<16xi32>,
      %gather3A_422 = tpu.vector_load_idx %arg11[%get3A_417] : memref<10240xf32, #tpu.memory_space<vmem>>[vector<16xi32>], vector<16xf32>,
      %gather3A_423 = tpu.vector_load_idx %arg11[%get3A_421] : memref<10240xf32, #tpu.memory_space<vmem>>[vector<16xi32>], vector<16xf32>,
      %get3A_424 = arith.constant 2 : i32
      %get3A_425 = arith.index_cast %get3A_424 : i32 to index
      %get3A_426 = arith.constant 80 : index
      %get3A_427 = tpu.vector_load %arg10[%get3A_425, %get3A_426] {strides = array<i32>} : memref<3x96xf32, #tpu.memory_space<vmem>>, vector<16xf32>,
      %mul3A_428 = arith.mulf %get3A_427, %gather3A_422 : vector<16xf32>
      %mul3A_429 = arith.mulf %mul3A_428, %gather3A_423 : vector<16xf32>
      %swap3A_430 = arith.constant 2 : i32
      %swap3A_431 = arith.index_cast %swap3A_430 : i32 to index
      %swap3A_432 = arith.constant 80 : index
      %swap3A_433 = tpu.vector_load %arg10[%swap3A_431, %swap3A_432] {strides = array<i32>} : memref<3x96xf32, #tpu.memory_space<vmem>>, vector<16xf32>,
      tpu.vector_store %arg10[%swap3A_431, %swap3A_432], %mul3A_429 {strides = array<i32>} : memref<3x96xf32, #tpu.memory_space<vmem>>, vector<16xf32>,
      %dma_start3A = arith.constant 0 : i32
      %dma_start3A_434 = arith.constant 0 : i32
      %dma_start3A_435 = tpu.memref_slice %arg8[%dma_start3A, %dma_start3A_434] : memref<3x96xi32, #tpu.memory_space<vmem>> -> memref<1x96xi32, #tpu.memory_space<vmem>>
      %dma_start3A_436 = tpu.memref_squeeze %dma_start3A_435 : memref<1x96xi32, #tpu.memory_space<vmem>> -> memref<96xi32, #tpu.memory_space<vmem>>
      %dma_start3A_437 = arith.constant 0 : i32
      %dma_start3A_438 = arith.constant 0 : i32
      %dma_start3A_439 = tpu.memref_slice %arg5[%dma_start3A_437, %dma_start3A_438] : memref<10112x128xf32, #tpu.memory_space<hbm>> -> memref<10112x128xf32, #tpu.memory_space<hbm>>
      tpu.enqueue_indirect_dma source(%dma_start3A_439 : memref<10112x128xf32, #tpu.memory_space<hbm>>) target(%arg14 : memref<96x128xf32, #tpu.memory_space<vmem>>) offsets(%dma_start3A_436 : memref<96xi32, #tpu.memory_space<vmem>>) semaphore(%arg17 : memref<!tpu.dma_semaphore, #tpu.memory_space<semaphore_mem>>)
      %dma_start3A_440 = arith.constant 1 : i32
      %dma_start3A_441 = arith.constant 0 : i32
      %dma_start3A_442 = tpu.memref_slice %arg8[%dma_start3A_440, %dma_start3A_441] : memref<3x96xi32, #tpu.memory_space<vmem>> -> memref<1x96xi32, #tpu.memory_space<vmem>>
      %dma_start3A_443 = tpu.memref_squeeze %dma_start3A_442 : memref<1x96xi32, #tpu.memory_space<vmem>> -> memref<96xi32, #tpu.memory_space<vmem>>
      %dma_start3A_444 = arith.constant 0 : i32
      %dma_start3A_445 = arith.constant 0 : i32
      %dma_start3A_446 = tpu.memref_slice %arg5[%dma_start3A_444, %dma_start3A_445] : memref<10112x128xf32, #tpu.memory_space<hbm>> -> memref<10112x128xf32, #tpu.memory_space<hbm>>
      tpu.enqueue_indirect_dma source(%dma_start3A_446 : memref<10112x128xf32, #tpu.memory_space<hbm>>) target(%arg15 : memref<96x128xf32, #tpu.memory_space<vmem>>) offsets(%dma_start3A_443 : memref<96xi32, #tpu.memory_space<vmem>>) semaphore(%arg18 : memref<!tpu.dma_semaphore, #tpu.memory_space<semaphore_mem>>)
      %dma_wait3A = arith.constant 0 : i32
      %dma_wait3A_447 = arith.constant 0 : i32
      %dma_wait3A_448 = tpu.memref_slice %arg8[%dma_wait3A, %dma_wait3A_447] : memref<3x96xi32, #tpu.memory_space<vmem>> -> memref<1x96xi32, #tpu.memory_space<vmem>>
      %dma_wait3A_449 = tpu.memref_squeeze %dma_wait3A_448 : memref<1x96xi32, #tpu.memory_space<vmem>> -> memref<96xi32, #tpu.memory_space<vmem>>
      %dma_wait3A_450 = arith.constant 0 : i32
      %dma_wait3A_451 = arith.constant 0 : i32
      %dma_wait3A_452 = tpu.memref_slice %arg5[%dma_wait3A_450, %dma_wait3A_451] : memref<10112x128xf32, #tpu.memory_space<hbm>> -> memref<10112x128xf32, #tpu.memory_space<hbm>>
      tpu.wait_indirect_dma semaphore(%arg17 : memref<!tpu.dma_semaphore, #tpu.memory_space<semaphore_mem>>) src(%dma_wait3A_452 : memref<10112x128xf32, #tpu.memory_space<hbm>>) dst(%arg14 : memref<96x128xf32, #tpu.memory_space<vmem>>)
      %broadcast_in_dim3A_453 = arith.constant 0 : i32
      %broadcast_in_dim3A_454 = vector.broadcast %broadcast_in_dim3A_453 : i32 to vector<16xi32>
      %scan3A_455 = arith.constant 0 : i32
      %scan3A_456 = arith.constant 0 : i32
      %scan3A_457 = arith.constant 96 : i32
      %scan3A_458 = arith.addi %scan3A_456, %scan3A_457 : i32
      %scan3A_459 = arith.constant 4 : i32
      scf.for %scan3A_540 = %scan3A_456 to %scan3A_458 step %scan3A_459  : i32 {
        %broadcast_in_dim3A_541 = vector.broadcast %scan3A_540 : i32 to vector<16xi32>
        %gather3A_542 = tpu.vector_load_idx %arg10[%broadcast_in_dim3A_454, %broadcast_in_dim3A_541] : memref<3x96xf32, #tpu.memory_space<vmem>>[vector<16xi32>, vector<16xi32>], vector<16xf32>,
        %get3A_543 = arith.index_cast %scan3A_540 : i32 to index
        %get3A_544 = arith.constant 0 : index
        %get3A_545 = tpu.vector_load %arg14[%get3A_543, %get3A_544] {strides = array<i32>} : memref<96x128xf32, #tpu.memory_space<vmem>>, vector<16xf32>,
        %mul3A_546 = arith.mulf %get3A_545, %gather3A_542 : vector<16xf32>
        %swap3A_547 = arith.index_cast %scan3A_540 : i32 to index
        %swap3A_548 = arith.constant 0 : index
        %swap3A_549 = tpu.vector_load %arg14[%swap3A_547, %swap3A_548] {strides = array<i32>} : memref<96x128xf32, #tpu.memory_space<vmem>>, vector<16xf32>,
        tpu.vector_store %arg14[%swap3A_547, %swap3A_548], %mul3A_546 {strides = array<i32>} : memref<96x128xf32, #tpu.memory_space<vmem>>, vector<16xf32>,
        %get3A_550 = arith.index_cast %scan3A_540 : i32 to index
        %get3A_551 = arith.constant 16 : index
        %get3A_552 = tpu.vector_load %arg14[%get3A_550, %get3A_551] {strides = array<i32>} : memref<96x128xf32, #tpu.memory_space<vmem>>, vector<16xf32>,
        %mul3A_553 = arith.mulf %get3A_552, %gather3A_542 : vector<16xf32>
        %swap3A_554 = arith.index_cast %scan3A_540 : i32 to index
        %swap3A_555 = arith.constant 16 : index
        %swap3A_556 = tpu.vector_load %arg14[%swap3A_554, %swap3A_555] {strides = array<i32>} : memref<96x128xf32, #tpu.memory_space<vmem>>, vector<16xf32>,
        tpu.vector_store %arg14[%swap3A_554, %swap3A_555], %mul3A_553 {strides = array<i32>} : memref<96x128xf32, #tpu.memory_space<vmem>>, vector<16xf32>,
        %get3A_557 = arith.index_cast %scan3A_540 : i32 to index
        %get3A_558 = arith.constant 32 : index
        %get3A_559 = tpu.vector_load %arg14[%get3A_557, %get3A_558] {strides = array<i32>} : memref<96x128xf32, #tpu.memory_space<vmem>>, vector<16xf32>,
        %mul3A_560 = arith.mulf %get3A_559, %gather3A_542 : vector<16xf32>
        %swap3A_561 = arith.index_cast %scan3A_540 : i32 to index
        %swap3A_562 = arith.constant 32 : index
        %swap3A_563 = tpu.vector_load %arg14[%swap3A_561, %swap3A_562] {strides = array<i32>} : memref<96x128xf32, #tpu.memory_space<vmem>>, vector<16xf32>,
        tpu.vector_store %arg14[%swap3A_561, %swap3A_562], %mul3A_560 {strides = array<i32>} : memref<96x128xf32, #tpu.memory_space<vmem>>, vector<16xf32>,
        %get3A_564 = arith.index_cast %scan3A_540 : i32 to index
        %get3A_565 = arith.constant 48 : index
        %get3A_566 = tpu.vector_load %arg14[%get3A_564, %get3A_565] {strides = array<i32>} : memref<96x128xf32, #tpu.memory_space<vmem>>, vector<16xf32>,
        %mul3A_567 = arith.mulf %get3A_566, %gather3A_542 : vector<16xf32>
        %swap3A_568 = arith.index_cast %scan3A_540 : i32 to index
        %swap3A_569 = arith.constant 48 : index
        %swap3A_570 = tpu.vector_load %arg14[%swap3A_568, %swap3A_569] {strides = array<i32>} : memref<96x128xf32, #tpu.memory_space<vmem>>, vector<16xf32>,
        tpu.vector_store %arg14[%swap3A_568, %swap3A_569], %mul3A_567 {strides = array<i32>} : memref<96x128xf32, #tpu.memory_space<vmem>>, vector<16xf32>,
        %get3A_571 = arith.index_cast %scan3A_540 : i32 to index
        %get3A_572 = arith.constant 64 : index
        %get3A_573 = tpu.vector_load %arg14[%get3A_571, %get3A_572] {strides = array<i32>} : memref<96x128xf32, #tpu.memory_space<vmem>>, vector<16xf32>,
        %mul3A_574 = arith.mulf %get3A_573, %gather3A_542 : vector<16xf32>
        %swap3A_575 = arith.index_cast %scan3A_540 : i32 to index
        %swap3A_576 = arith.constant 64 : index
        %swap3A_577 = tpu.vector_load %arg14[%swap3A_575, %swap3A_576] {strides = array<i32>} : memref<96x128xf32, #tpu.memory_space<vmem>>, vector<16xf32>,
        tpu.vector_store %arg14[%swap3A_575, %swap3A_576], %mul3A_574 {strides = array<i32>} : memref<96x128xf32, #tpu.memory_space<vmem>>, vector<16xf32>,
        %get3A_578 = arith.index_cast %scan3A_540 : i32 to index
        %get3A_579 = arith.constant 80 : index
        %get3A_580 = tpu.vector_load %arg14[%get3A_578, %get3A_579] {strides = array<i32>} : memref<96x128xf32, #tpu.memory_space<vmem>>, vector<16xf32>,
        %mul3A_581 = arith.mulf %get3A_580, %gather3A_542 : vector<16xf32>
        %swap3A_582 = arith.index_cast %scan3A_540 : i32 to index
        %swap3A_583 = arith.constant 80 : index
        %swap3A_584 = tpu.vector_load %arg14[%swap3A_582, %swap3A_583] {strides = array<i32>} : memref<96x128xf32, #tpu.memory_space<vmem>>, vector<16xf32>,
        tpu.vector_store %arg14[%swap3A_582, %swap3A_583], %mul3A_581 {strides = array<i32>} : memref<96x128xf32, #tpu.memory_space<vmem>>, vector<16xf32>,
        %get3A_585 = arith.index_cast %scan3A_540 : i32 to index
        %get3A_586 = arith.constant 96 : index
        %get3A_587 = tpu.vector_load %arg14[%get3A_585, %get3A_586] {strides = array<i32>} : memref<96x128xf32, #tpu.memory_space<vmem>>, vector<16xf32>,
        %mul3A_588 = arith.mulf %get3A_587, %gather3A_542 : vector<16xf32>
        %swap3A_589 = arith.index_cast %scan3A_540 : i32 to index
        %swap3A_590 = arith.constant 96 : index
        %swap3A_591 = tpu.vector_load %arg14[%swap3A_589, %swap3A_590] {strides = array<i32>} : memref<96x128xf32, #tpu.memory_space<vmem>>, vector<16xf32>,
        tpu.vector_store %arg14[%swap3A_589, %swap3A_590], %mul3A_588 {strides = array<i32>} : memref<96x128xf32, #tpu.memory_space<vmem>>, vector<16xf32>,
        %get3A_592 = arith.index_cast %scan3A_540 : i32 to index
        %get3A_593 = arith.constant 112 : index
        %get3A_594 = tpu.vector_load %arg14[%get3A_592, %get3A_593] {strides = array<i32>} : memref<96x128xf32, #tpu.memory_space<vmem>>, vector<16xf32>,
        %mul3A_595 = arith.mulf %get3A_594, %gather3A_542 : vector<16xf32>
        %swap3A_596 = arith.index_cast %scan3A_540 : i32 to index
        %swap3A_597 = arith.constant 112 : index
        %swap3A_598 = tpu.vector_load %arg14[%swap3A_596, %swap3A_597] {strides = array<i32>} : memref<96x128xf32, #tpu.memory_space<vmem>>, vector<16xf32>,
        tpu.vector_store %arg14[%swap3A_596, %swap3A_597], %mul3A_595 {strides = array<i32>} : memref<96x128xf32, #tpu.memory_space<vmem>>, vector<16xf32>,
        %scan3A_599 = arith.constant 1 : i32
        %scan3A_600 = arith.addi %scan3A_540, %scan3A_599 : i32
        %broadcast_in_dim3A_601 = vector.broadcast %scan3A_600 : i32 to vector<16xi32>
        %gather3A_602 = tpu.vector_load_idx %arg10[%broadcast_in_dim3A_454, %broadcast_in_dim3A_601] : memref<3x96xf32, #tpu.memory_space<vmem>>[vector<16xi32>, vector<16xi32>], vector<16xf32>,
        %get3A_603 = arith.index_cast %scan3A_600 : i32 to index
        %get3A_604 = arith.constant 0 : index
        %get3A_605 = tpu.vector_load %arg14[%get3A_603, %get3A_604] {strides = array<i32>} : memref<96x128xf32, #tpu.memory_space<vmem>>, vector<16xf32>,
        %mul3A_606 = arith.mulf %get3A_605, %gather3A_602 : vector<16xf32>
        %swap3A_607 = arith.index_cast %scan3A_600 : i32 to index
        %swap3A_608 = arith.constant 0 : index
        %swap3A_609 = tpu.vector_load %arg14[%swap3A_607, %swap3A_608] {strides = array<i32>} : memref<96x128xf32, #tpu.memory_space<vmem>>, vector<16xf32>,
        tpu.vector_store %arg14[%swap3A_607, %swap3A_608], %mul3A_606 {strides = array<i32>} : memref<96x128xf32, #tpu.memory_space<vmem>>, vector<16xf32>,
        %get3A_610 = arith.index_cast %scan3A_600 : i32 to index
        %get3A_611 = arith.constant 16 : index
        %get3A_612 = tpu.vector_load %arg14[%get3A_610, %get3A_611] {strides = array<i32>} : memref<96x128xf32, #tpu.memory_space<vmem>>, vector<16xf32>,
        %mul3A_613 = arith.mulf %get3A_612, %gather3A_602 : vector<16xf32>
        %swap3A_614 = arith.index_cast %scan3A_600 : i32 to index
        %swap3A_615 = arith.constant 16 : index
        %swap3A_616 = tpu.vector_load %arg14[%swap3A_614, %swap3A_615] {strides = array<i32>} : memref<96x128xf32, #tpu.memory_space<vmem>>, vector<16xf32>,
        tpu.vector_store %arg14[%swap3A_614, %swap3A_615], %mul3A_613 {strides = array<i32>} : memref<96x128xf32, #tpu.memory_space<vmem>>, vector<16xf32>,
        %get3A_617 = arith.index_cast %scan3A_600 : i32 to index
        %get3A_618 = arith.constant 32 : index
        %get3A_619 = tpu.vector_load %arg14[%get3A_617, %get3A_618] {strides = array<i32>} : memref<96x128xf32, #tpu.memory_space<vmem>>, vector<16xf32>,
        %mul3A_620 = arith.mulf %get3A_619, %gather3A_602 : vector<16xf32>
        %swap3A_621 = arith.index_cast %scan3A_600 : i32 to index
        %swap3A_622 = arith.constant 32 : index
        %swap3A_623 = tpu.vector_load %arg14[%swap3A_621, %swap3A_622] {strides = array<i32>} : memref<96x128xf32, #tpu.memory_space<vmem>>, vector<16xf32>,
        tpu.vector_store %arg14[%swap3A_621, %swap3A_622], %mul3A_620 {strides = array<i32>} : memref<96x128xf32, #tpu.memory_space<vmem>>, vector<16xf32>,
        %get3A_624 = arith.index_cast %scan3A_600 : i32 to index
        %get3A_625 = arith.constant 48 : index
        %get3A_626 = tpu.vector_load %arg14[%get3A_624, %get3A_625] {strides = array<i32>} : memref<96x128xf32, #tpu.memory_space<vmem>>, vector<16xf32>,
        %mul3A_627 = arith.mulf %get3A_626, %gather3A_602 : vector<16xf32>
        %swap3A_628 = arith.index_cast %scan3A_600 : i32 to index
        %swap3A_629 = arith.constant 48 : index
        %swap3A_630 = tpu.vector_load %arg14[%swap3A_628, %swap3A_629] {strides = array<i32>} : memref<96x128xf32, #tpu.memory_space<vmem>>, vector<16xf32>,
        tpu.vector_store %arg14[%swap3A_628, %swap3A_629], %mul3A_627 {strides = array<i32>} : memref<96x128xf32, #tpu.memory_space<vmem>>, vector<16xf32>,
        %get3A_631 = arith.index_cast %scan3A_600 : i32 to index
        %get3A_632 = arith.constant 64 : index
        %get3A_633 = tpu.vector_load %arg14[%get3A_631, %get3A_632] {strides = array<i32>} : memref<96x128xf32, #tpu.memory_space<vmem>>, vector<16xf32>,
        %mul3A_634 = arith.mulf %get3A_633, %gather3A_602 : vector<16xf32>
        %swap3A_635 = arith.index_cast %scan3A_600 : i32 to index
        %swap3A_636 = arith.constant 64 : index
        %swap3A_637 = tpu.vector_load %arg14[%swap3A_635, %swap3A_636] {strides = array<i32>} : memref<96x128xf32, #tpu.memory_space<vmem>>, vector<16xf32>,
        tpu.vector_store %arg14[%swap3A_635, %swap3A_636], %mul3A_634 {strides = array<i32>} : memref<96x128xf32, #tpu.memory_space<vmem>>, vector<16xf32>,
        %get3A_638 = arith.index_cast %scan3A_600 : i32 to index
        %get3A_639 = arith.constant 80 : index
        %get3A_640 = tpu.vector_load %arg14[%get3A_638, %get3A_639] {strides = array<i32>} : memref<96x128xf32, #tpu.memory_space<vmem>>, vector<16xf32>,
        %mul3A_641 = arith.mulf %get3A_640, %gather3A_602 : vector<16xf32>
        %swap3A_642 = arith.index_cast %scan3A_600 : i32 to index
        %swap3A_643 = arith.constant 80 : index
        %swap3A_644 = tpu.vector_load %arg14[%swap3A_642, %swap3A_643] {strides = array<i32>} : memref<96x128xf32, #tpu.memory_space<vmem>>, vector<16xf32>,
        tpu.vector_store %arg14[%swap3A_642, %swap3A_643], %mul3A_641 {strides = array<i32>} : memref<96x128xf32, #tpu.memory_space<vmem>>, vector<16xf32>,
        %get3A_645 = arith.index_cast %scan3A_600 : i32 to index
        %get3A_646 = arith.constant 96 : index
        %get3A_647 = tpu.vector_load %arg14[%get3A_645, %get3A_646] {strides = array<i32>} : memref<96x128xf32, #tpu.memory_space<vmem>>, vector<16xf32>,
        %mul3A_648 = arith.mulf %get3A_647, %gather3A_602 : vector<16xf32>
        %swap3A_649 = arith.index_cast %scan3A_600 : i32 to index
        %swap3A_650 = arith.constant 96 : index
        %swap3A_651 = tpu.vector_load %arg14[%swap3A_649, %swap3A_650] {strides = array<i32>} : memref<96x128xf32, #tpu.memory_space<vmem>>, vector<16xf32>,
        tpu.vector_store %arg14[%swap3A_649, %swap3A_650], %mul3A_648 {strides = array<i32>} : memref<96x128xf32, #tpu.memory_space<vmem>>, vector<16xf32>,
        %get3A_652 = arith.index_cast %scan3A_600 : i32 to index
        %get3A_653 = arith.constant 112 : index
        %get3A_654 = tpu.vector_load %arg14[%get3A_652, %get3A_653] {strides = array<i32>} : memref<96x128xf32, #tpu.memory_space<vmem>>, vector<16xf32>,
        %mul3A_655 = arith.mulf %get3A_654, %gather3A_602 : vector<16xf32>
        %swap3A_656 = arith.index_cast %scan3A_600 : i32 to index
        %swap3A_657 = arith.constant 112 : index
        %swap3A_658 = tpu.vector_load %arg14[%swap3A_656, %swap3A_657] {strides = array<i32>} : memref<96x128xf32, #tpu.memory_space<vmem>>, vector<16xf32>,
        tpu.vector_store %arg14[%swap3A_656, %swap3A_657], %mul3A_655 {strides = array<i32>} : memref<96x128xf32, #tpu.memory_space<vmem>>, vector<16xf32>,
        %scan3A_659 = arith.constant 2 : i32
        %scan3A_660 = arith.addi %scan3A_540, %scan3A_659 : i32
        %broadcast_in_dim3A_661 = vector.broadcast %scan3A_660 : i32 to vector<16xi32>
        %gather3A_662 = tpu.vector_load_idx %arg10[%broadcast_in_dim3A_454, %broadcast_in_dim3A_661] : memref<3x96xf32, #tpu.memory_space<vmem>>[vector<16xi32>, vector<16xi32>], vector<16xf32>,
        %get3A_663 = arith.index_cast %scan3A_660 : i32 to index
        %get3A_664 = arith.constant 0 : index
        %get3A_665 = tpu.vector_load %arg14[%get3A_663, %get3A_664] {strides = array<i32>} : memref<96x128xf32, #tpu.memory_space<vmem>>, vector<16xf32>,
        %mul3A_666 = arith.mulf %get3A_665, %gather3A_662 : vector<16xf32>
        %swap3A_667 = arith.index_cast %scan3A_660 : i32 to index
        %swap3A_668 = arith.constant 0 : index
        %swap3A_669 = tpu.vector_load %arg14[%swap3A_667, %swap3A_668] {strides = array<i32>} : memref<96x128xf32, #tpu.memory_space<vmem>>, vector<16xf32>,
        tpu.vector_store %arg14[%swap3A_667, %swap3A_668], %mul3A_666 {strides = array<i32>} : memref<96x128xf32, #tpu.memory_space<vmem>>, vector<16xf32>,
        %get3A_670 = arith.index_cast %scan3A_660 : i32 to index
        %get3A_671 = arith.constant 16 : index
        %get3A_672 = tpu.vector_load %arg14[%get3A_670, %get3A_671] {strides = array<i32>} : memref<96x128xf32, #tpu.memory_space<vmem>>, vector<16xf32>,
        %mul3A_673 = arith.mulf %get3A_672, %gather3A_662 : vector<16xf32>
        %swap3A_674 = arith.index_cast %scan3A_660 : i32 to index
        %swap3A_675 = arith.constant 16 : index
        %swap3A_676 = tpu.vector_load %arg14[%swap3A_674, %swap3A_675] {strides = array<i32>} : memref<96x128xf32, #tpu.memory_space<vmem>>, vector<16xf32>,
        tpu.vector_store %arg14[%swap3A_674, %swap3A_675], %mul3A_673 {strides = array<i32>} : memref<96x128xf32, #tpu.memory_space<vmem>>, vector<16xf32>,
        %get3A_677 = arith.index_cast %scan3A_660 : i32 to index
        %get3A_678 = arith.constant 32 : index
        %get3A_679 = tpu.vector_load %arg14[%get3A_677, %get3A_678] {strides = array<i32>} : memref<96x128xf32, #tpu.memory_space<vmem>>, vector<16xf32>,
        %mul3A_680 = arith.mulf %get3A_679, %gather3A_662 : vector<16xf32>
        %swap3A_681 = arith.index_cast %scan3A_660 : i32 to index
        %swap3A_682 = arith.constant 32 : index
        %swap3A_683 = tpu.vector_load %arg14[%swap3A_681, %swap3A_682] {strides = array<i32>} : memref<96x128xf32, #tpu.memory_space<vmem>>, vector<16xf32>,
        tpu.vector_store %arg14[%swap3A_681, %swap3A_682], %mul3A_680 {strides = array<i32>} : memref<96x128xf32, #tpu.memory_space<vmem>>, vector<16xf32>,
        %get3A_684 = arith.index_cast %scan3A_660 : i32 to index
        %get3A_685 = arith.constant 48 : index
        %get3A_686 = tpu.vector_load %arg14[%get3A_684, %get3A_685] {strides = array<i32>} : memref<96x128xf32, #tpu.memory_space<vmem>>, vector<16xf32>,
        %mul3A_687 = arith.mulf %get3A_686, %gather3A_662 : vector<16xf32>
        %swap3A_688 = arith.index_cast %scan3A_660 : i32 to index
        %swap3A_689 = arith.constant 48 : index
        %swap3A_690 = tpu.vector_load %arg14[%swap3A_688, %swap3A_689] {strides = array<i32>} : memref<96x128xf32, #tpu.memory_space<vmem>>, vector<16xf32>,
        tpu.vector_store %arg14[%swap3A_688, %swap3A_689], %mul3A_687 {strides = array<i32>} : memref<96x128xf32, #tpu.memory_space<vmem>>, vector<16xf32>,
        %get3A_691 = arith.index_cast %scan3A_660 : i32 to index
        %get3A_692 = arith.constant 64 : index
        %get3A_693 = tpu.vector_load %arg14[%get3A_691, %get3A_692] {strides = array<i32>} : memref<96x128xf32, #tpu.memory_space<vmem>>, vector<16xf32>,
        %mul3A_694 = arith.mulf %get3A_693, %gather3A_662 : vector<16xf32>
        %swap3A_695 = arith.index_cast %scan3A_660 : i32 to index
        %swap3A_696 = arith.constant 64 : index
        %swap3A_697 = tpu.vector_load %arg14[%swap3A_695, %swap3A_696] {strides = array<i32>} : memref<96x128xf32, #tpu.memory_space<vmem>>, vector<16xf32>,
        tpu.vector_store %arg14[%swap3A_695, %swap3A_696], %mul3A_694 {strides = array<i32>} : memref<96x128xf32, #tpu.memory_space<vmem>>, vector<16xf32>,
        %get3A_698 = arith.index_cast %scan3A_660 : i32 to index
        %get3A_699 = arith.constant 80 : index
        %get3A_700 = tpu.vector_load %arg14[%get3A_698, %get3A_699] {strides = array<i32>} : memref<96x128xf32, #tpu.memory_space<vmem>>, vector<16xf32>,
        %mul3A_701 = arith.mulf %get3A_700, %gather3A_662 : vector<16xf32>
        %swap3A_702 = arith.index_cast %scan3A_660 : i32 to index
        %swap3A_703 = arith.constant 80 : index
        %swap3A_704 = tpu.vector_load %arg14[%swap3A_702, %swap3A_703] {strides = array<i32>} : memref<96x128xf32, #tpu.memory_space<vmem>>, vector<16xf32>,
        tpu.vector_store %arg14[%swap3A_702, %swap3A_703], %mul3A_701 {strides = array<i32>} : memref<96x128xf32, #tpu.memory_space<vmem>>, vector<16xf32>,
        %get3A_705 = arith.index_cast %scan3A_660 : i32 to index
        %get3A_706 = arith.constant 96 : index
        %get3A_707 = tpu.vector_load %arg14[%get3A_705, %get3A_706] {strides = array<i32>} : memref<96x128xf32, #tpu.memory_space<vmem>>, vector<16xf32>,
        %mul3A_708 = arith.mulf %get3A_707, %gather3A_662 : vector<16xf32>
        %swap3A_709 = arith.index_cast %scan3A_660 : i32 to index
        %swap3A_710 = arith.constant 96 : index
        %swap3A_711 = tpu.vector_load %arg14[%swap3A_709, %swap3A_710] {strides = array<i32>} : memref<96x128xf32, #tpu.memory_space<vmem>>, vector<16xf32>,
        tpu.vector_store %arg14[%swap3A_709, %swap3A_710], %mul3A_708 {strides = array<i32>} : memref<96x128xf32, #tpu.memory_space<vmem>>, vector<16xf32>,
        %get3A_712 = arith.index_cast %scan3A_660 : i32 to index
        %get3A_713 = arith.constant 112 : index
        %get3A_714 = tpu.vector_load %arg14[%get3A_712, %get3A_713] {strides = array<i32>} : memref<96x128xf32, #tpu.memory_space<vmem>>, vector<16xf32>,
        %mul3A_715 = arith.mulf %get3A_714, %gather3A_662 : vector<16xf32>
        %swap3A_716 = arith.index_cast %scan3A_660 : i32 to index
        %swap3A_717 = arith.constant 112 : index
        %swap3A_718 = tpu.vector_load %arg14[%swap3A_716, %swap3A_717] {strides = array<i32>} : memref<96x128xf32, #tpu.memory_space<vmem>>, vector<16xf32>,
        tpu.vector_store %arg14[%swap3A_716, %swap3A_717], %mul3A_715 {strides = array<i32>} : memref<96x128xf32, #tpu.memory_space<vmem>>, vector<16xf32>,
        %scan3A_719 = arith.constant 3 : i32
        %scan3A_720 = arith.addi %scan3A_540, %scan3A_719 : i32
        %broadcast_in_dim3A_721 = vector.broadcast %scan3A_720 : i32 to vector<16xi32>
        %gather3A_722 = tpu.vector_load_idx %arg10[%broadcast_in_dim3A_454, %broadcast_in_dim3A_721] : memref<3x96xf32, #tpu.memory_space<vmem>>[vector<16xi32>, vector<16xi32>], vector<16xf32>,
        %get3A_723 = arith.index_cast %scan3A_720 : i32 to index
        %get3A_724 = arith.constant 0 : index
        %get3A_725 = tpu.vector_load %arg14[%get3A_723, %get3A_724] {strides = array<i32>} : memref<96x128xf32, #tpu.memory_space<vmem>>, vector<16xf32>,
        %mul3A_726 = arith.mulf %get3A_725, %gather3A_722 : vector<16xf32>
        %swap3A_727 = arith.index_cast %scan3A_720 : i32 to index
        %swap3A_728 = arith.constant 0 : index
        %swap3A_729 = tpu.vector_load %arg14[%swap3A_727, %swap3A_728] {strides = array<i32>} : memref<96x128xf32, #tpu.memory_space<vmem>>, vector<16xf32>,
        tpu.vector_store %arg14[%swap3A_727, %swap3A_728], %mul3A_726 {strides = array<i32>} : memref<96x128xf32, #tpu.memory_space<vmem>>, vector<16xf32>,
        %get3A_730 = arith.index_cast %scan3A_720 : i32 to index
        %get3A_731 = arith.constant 16 : index
        %get3A_732 = tpu.vector_load %arg14[%get3A_730, %get3A_731] {strides = array<i32>} : memref<96x128xf32, #tpu.memory_space<vmem>>, vector<16xf32>,
        %mul3A_733 = arith.mulf %get3A_732, %gather3A_722 : vector<16xf32>
        %swap3A_734 = arith.index_cast %scan3A_720 : i32 to index
        %swap3A_735 = arith.constant 16 : index
        %swap3A_736 = tpu.vector_load %arg14[%swap3A_734, %swap3A_735] {strides = array<i32>} : memref<96x128xf32, #tpu.memory_space<vmem>>, vector<16xf32>,
        tpu.vector_store %arg14[%swap3A_734, %swap3A_735], %mul3A_733 {strides = array<i32>} : memref<96x128xf32, #tpu.memory_space<vmem>>, vector<16xf32>,
        %get3A_737 = arith.index_cast %scan3A_720 : i32 to index
        %get3A_738 = arith.constant 32 : index
        %get3A_739 = tpu.vector_load %arg14[%get3A_737, %get3A_738] {strides = array<i32>} : memref<96x128xf32, #tpu.memory_space<vmem>>, vector<16xf32>,
        %mul3A_740 = arith.mulf %get3A_739, %gather3A_722 : vector<16xf32>
        %swap3A_741 = arith.index_cast %scan3A_720 : i32 to index
        %swap3A_742 = arith.constant 32 : index
        %swap3A_743 = tpu.vector_load %arg14[%swap3A_741, %swap3A_742] {strides = array<i32>} : memref<96x128xf32, #tpu.memory_space<vmem>>, vector<16xf32>,
        tpu.vector_store %arg14[%swap3A_741, %swap3A_742], %mul3A_740 {strides = array<i32>} : memref<96x128xf32, #tpu.memory_space<vmem>>, vector<16xf32>,
        %get3A_744 = arith.index_cast %scan3A_720 : i32 to index
        %get3A_745 = arith.constant 48 : index
        %get3A_746 = tpu.vector_load %arg14[%get3A_744, %get3A_745] {strides = array<i32>} : memref<96x128xf32, #tpu.memory_space<vmem>>, vector<16xf32>,
        %mul3A_747 = arith.mulf %get3A_746, %gather3A_722 : vector<16xf32>
        %swap3A_748 = arith.index_cast %scan3A_720 : i32 to index
        %swap3A_749 = arith.constant 48 : index
        %swap3A_750 = tpu.vector_load %arg14[%swap3A_748, %swap3A_749] {strides = array<i32>} : memref<96x128xf32, #tpu.memory_space<vmem>>, vector<16xf32>,
        tpu.vector_store %arg14[%swap3A_748, %swap3A_749], %mul3A_747 {strides = array<i32>} : memref<96x128xf32, #tpu.memory_space<vmem>>, vector<16xf32>,
        %get3A_751 = arith.index_cast %scan3A_720 : i32 to index
        %get3A_752 = arith.constant 64 : index
        %get3A_753 = tpu.vector_load %arg14[%get3A_751, %get3A_752] {strides = array<i32>} : memref<96x128xf32, #tpu.memory_space<vmem>>, vector<16xf32>,
        %mul3A_754 = arith.mulf %get3A_753, %gather3A_722 : vector<16xf32>
        %swap3A_755 = arith.index_cast %scan3A_720 : i32 to index
        %swap3A_756 = arith.constant 64 : index
        %swap3A_757 = tpu.vector_load %arg14[%swap3A_755, %swap3A_756] {strides = array<i32>} : memref<96x128xf32, #tpu.memory_space<vmem>>, vector<16xf32>,
        tpu.vector_store %arg14[%swap3A_755, %swap3A_756], %mul3A_754 {strides = array<i32>} : memref<96x128xf32, #tpu.memory_space<vmem>>, vector<16xf32>,
        %get3A_758 = arith.index_cast %scan3A_720 : i32 to index
        %get3A_759 = arith.constant 80 : index
        %get3A_760 = tpu.vector_load %arg14[%get3A_758, %get3A_759] {strides = array<i32>} : memref<96x128xf32, #tpu.memory_space<vmem>>, vector<16xf32>,
        %mul3A_761 = arith.mulf %get3A_760, %gather3A_722 : vector<16xf32>
        %swap3A_762 = arith.index_cast %scan3A_720 : i32 to index
        %swap3A_763 = arith.constant 80 : index
        %swap3A_764 = tpu.vector_load %arg14[%swap3A_762, %swap3A_763] {strides = array<i32>} : memref<96x128xf32, #tpu.memory_space<vmem>>, vector<16xf32>,
        tpu.vector_store %arg14[%swap3A_762, %swap3A_763], %mul3A_761 {strides = array<i32>} : memref<96x128xf32, #tpu.memory_space<vmem>>, vector<16xf32>,
        %get3A_765 = arith.index_cast %scan3A_720 : i32 to index
        %get3A_766 = arith.constant 96 : index
        %get3A_767 = tpu.vector_load %arg14[%get3A_765, %get3A_766] {strides = array<i32>} : memref<96x128xf32, #tpu.memory_space<vmem>>, vector<16xf32>,
        %mul3A_768 = arith.mulf %get3A_767, %gather3A_722 : vector<16xf32>
        %swap3A_769 = arith.index_cast %scan3A_720 : i32 to index
        %swap3A_770 = arith.constant 96 : index
        %swap3A_771 = tpu.vector_load %arg14[%swap3A_769, %swap3A_770] {strides = array<i32>} : memref<96x128xf32, #tpu.memory_space<vmem>>, vector<16xf32>,
        tpu.vector_store %arg14[%swap3A_769, %swap3A_770], %mul3A_768 {strides = array<i32>} : memref<96x128xf32, #tpu.memory_space<vmem>>, vector<16xf32>,
        %get3A_772 = arith.index_cast %scan3A_720 : i32 to index
        %get3A_773 = arith.constant 112 : index
        %get3A_774 = tpu.vector_load %arg14[%get3A_772, %get3A_773] {strides = array<i32>} : memref<96x128xf32, #tpu.memory_space<vmem>>, vector<16xf32>,
        %mul3A_775 = arith.mulf %get3A_774, %gather3A_722 : vector<16xf32>
        %swap3A_776 = arith.index_cast %scan3A_720 : i32 to index
        %swap3A_777 = arith.constant 112 : index
        %swap3A_778 = tpu.vector_load %arg14[%swap3A_776, %swap3A_777] {strides = array<i32>} : memref<96x128xf32, #tpu.memory_space<vmem>>, vector<16xf32>,
        tpu.vector_store %arg14[%swap3A_776, %swap3A_777], %mul3A_775 {strides = array<i32>} : memref<96x128xf32, #tpu.memory_space<vmem>>, vector<16xf32>,
      }
      %scan3A_460 = arith.constant 96 : i32
      %dma_start3A_461 = arith.constant 0 : i32
      %dma_start3A_462 = arith.constant 0 : i32
      %dma_start3A_463 = tpu.memref_slice %arg9[%dma_start3A_461, %dma_start3A_462] : memref<3x96xi32, #tpu.memory_space<vmem>> -> memref<1x96xi32, #tpu.memory_space<vmem>>
      %dma_start3A_464 = tpu.memref_squeeze %dma_start3A_463 : memref<1x96xi32, #tpu.memory_space<vmem>> -> memref<96xi32, #tpu.memory_space<vmem>>
      %dma_start3A_465 = arith.constant 0 : i32
      %dma_start3A_466 = arith.constant 0 : i32
      %dma_start3A_467 = tpu.memref_slice %arg13[%dma_start3A_465, %dma_start3A_466] : memref<10112x128xf32, #tpu.memory_space<vmem_shared>> -> memref<10112x128xf32, #tpu.memory_space<vmem_shared>>
      tpu.enqueue_indirect_dma source(%arg14 : memref<96x128xf32, #tpu.memory_space<vmem>>) target(%dma_start3A_467 : memref<10112x128xf32, #tpu.memory_space<vmem_shared>>) offsets(%dma_start3A_464 : memref<96xi32, #tpu.memory_space<vmem>>) semaphore(%arg20 : memref<!tpu.dma_semaphore, #tpu.memory_space<semaphore_mem>>) {add = true}
      %dma_start3A_468 = arith.constant 2 : i32
      %dma_start3A_469 = arith.constant 0 : i32
      %dma_start3A_470 = tpu.memref_slice %arg8[%dma_start3A_468, %dma_start3A_469] : memref<3x96xi32, #tpu.memory_space<vmem>> -> memref<1x96xi32, #tpu.memory_space<vmem>>
      %dma_start3A_471 = tpu.memref_squeeze %dma_start3A_470 : memref<1x96xi32, #tpu.memory_space<vmem>> -> memref<96xi32, #tpu.memory_space<vmem>>
      %dma_start3A_472 = arith.constant 0 : i32
      %dma_start3A_473 = arith.constant 0 : i32
      %dma_start3A_474 = tpu.memref_slice %arg5[%dma_start3A_472, %dma_start3A_473] : memref<10112x128xf32, #tpu.memory_space<hbm>> -> memref<10112x128xf32, #tpu.memory_space<hbm>>
      tpu.enqueue_indirect_dma source(%dma_start3A_474 : memref<10112x128xf32, #tpu.memory_space<hbm>>) target(%arg16 : memref<96x128xf32, #tpu.memory_space<vmem>>) offsets(%dma_start3A_471 : memref<96xi32, #tpu.memory_space<vmem>>) semaphore(%arg19 : memref<!tpu.dma_semaphore, #tpu.memory_space<semaphore_mem>>)
      %dma_wait3A_475 = arith.constant 1 : i32
      %dma_wait3A_476 = arith.constant 0 : i32
      %dma_wait3A_477 = tpu.memref_slice %arg8[%dma_wait3A_475, %dma_wait3A_476] : memref<3x96xi32, #tpu.memory_space<vmem>> -> memref<1x96xi32, #tpu.memory_space<vmem>>
      %dma_wait3A_478 = tpu.memref_squeeze %dma_wait3A_477 : memref<1x96xi32, #tpu.memory_space<vmem>> -> memref<96xi32, #tpu.memory_space<vmem>>
      %dma_wait3A_479 = arith.constant 0 : i32
      %dma_wait3A_480 = arith.constant 0 : i32
      %dma_wait3A_481 = tpu.memref_slice %arg5[%dma_wait3A_479, %dma_wait3A_480] : memref<10112x128xf32, #tpu.memory_space<hbm>> -> memref<10112x128xf32, #tpu.memory_space<hbm>>
      tpu.wait_indirect_dma semaphore(%arg18 : memref<!tpu.dma_semaphore, #tpu.memory_space<semaphore_mem>>) src(%dma_wait3A_481 : memref<10112x128xf32, #tpu.memory_space<hbm>>) dst(%arg15 : memref<96x128xf32, #tpu.memory_space<vmem>>)
      %broadcast_in_dim3A_482 = arith.constant 1 : i32
      %broadcast_in_dim3A_483 = vector.broadcast %broadcast_in_dim3A_482 : i32 to vector<16xi32>
      %scan3A_484 = arith.constant 0 : i32
      %scan3A_485 = arith.constant 0 : i32
      %scan3A_486 = arith.constant 96 : i32
      %scan3A_487 = arith.addi %scan3A_485, %scan3A_486 : i32
      %scan3A_488 = arith.constant 4 : i32
      scf.for %scan3A_540 = %scan3A_485 to %scan3A_487 step %scan3A_488  : i32 {
        %broadcast_in_dim3A_541 = vector.broadcast %scan3A_540 : i32 to vector<16xi32>
        %gather3A_542 = tpu.vector_load_idx %arg10[%broadcast_in_dim3A_483, %broadcast_in_dim3A_541] : memref<3x96xf32, #tpu.memory_space<vmem>>[vector<16xi32>, vector<16xi32>], vector<16xf32>,
        %get3A_543 = arith.index_cast %scan3A_540 : i32 to index
        %get3A_544 = arith.constant 0 : index
        %get3A_545 = tpu.vector_load %arg15[%get3A_543, %get3A_544] {strides = array<i32>} : memref<96x128xf32, #tpu.memory_space<vmem>>, vector<16xf32>,
        %mul3A_546 = arith.mulf %get3A_545, %gather3A_542 : vector<16xf32>
        %swap3A_547 = arith.index_cast %scan3A_540 : i32 to index
        %swap3A_548 = arith.constant 0 : index
        %swap3A_549 = tpu.vector_load %arg15[%swap3A_547, %swap3A_548] {strides = array<i32>} : memref<96x128xf32, #tpu.memory_space<vmem>>, vector<16xf32>,
        tpu.vector_store %arg15[%swap3A_547, %swap3A_548], %mul3A_546 {strides = array<i32>} : memref<96x128xf32, #tpu.memory_space<vmem>>, vector<16xf32>,
        %get3A_550 = arith.index_cast %scan3A_540 : i32 to index
        %get3A_551 = arith.constant 16 : index
        %get3A_552 = tpu.vector_load %arg15[%get3A_550, %get3A_551] {strides = array<i32>} : memref<96x128xf32, #tpu.memory_space<vmem>>, vector<16xf32>,
        %mul3A_553 = arith.mulf %get3A_552, %gather3A_542 : vector<16xf32>
        %swap3A_554 = arith.index_cast %scan3A_540 : i32 to index
        %swap3A_555 = arith.constant 16 : index
        %swap3A_556 = tpu.vector_load %arg15[%swap3A_554, %swap3A_555] {strides = array<i32>} : memref<96x128xf32, #tpu.memory_space<vmem>>, vector<16xf32>,
        tpu.vector_store %arg15[%swap3A_554, %swap3A_555], %mul3A_553 {strides = array<i32>} : memref<96x128xf32, #tpu.memory_space<vmem>>, vector<16xf32>,
        %get3A_557 = arith.index_cast %scan3A_540 : i32 to index
        %get3A_558 = arith.constant 32 : index
        %get3A_559 = tpu.vector_load %arg15[%get3A_557, %get3A_558] {strides = array<i32>} : memref<96x128xf32, #tpu.memory_space<vmem>>, vector<16xf32>,
        %mul3A_560 = arith.mulf %get3A_559, %gather3A_542 : vector<16xf32>
        %swap3A_561 = arith.index_cast %scan3A_540 : i32 to index
        %swap3A_562 = arith.constant 32 : index
        %swap3A_563 = tpu.vector_load %arg15[%swap3A_561, %swap3A_562] {strides = array<i32>} : memref<96x128xf32, #tpu.memory_space<vmem>>, vector<16xf32>,
        tpu.vector_store %arg15[%swap3A_561, %swap3A_562], %mul3A_560 {strides = array<i32>} : memref<96x128xf32, #tpu.memory_space<vmem>>, vector<16xf32>,
        %get3A_564 = arith.index_cast %scan3A_540 : i32 to index
        %get3A_565 = arith.constant 48 : index
        %get3A_566 = tpu.vector_load %arg15[%get3A_564, %get3A_565] {strides = array<i32>} : memref<96x128xf32, #tpu.memory_space<vmem>>, vector<16xf32>,
        %mul3A_567 = arith.mulf %get3A_566, %gather3A_542 : vector<16xf32>
        %swap3A_568 = arith.index_cast %scan3A_540 : i32 to index
        %swap3A_569 = arith.constant 48 : index
        %swap3A_570 = tpu.vector_load %arg15[%swap3A_568, %swap3A_569] {strides = array<i32>} : memref<96x128xf32, #tpu.memory_space<vmem>>, vector<16xf32>,
        tpu.vector_store %arg15[%swap3A_568, %swap3A_569], %mul3A_567 {strides = array<i32>} : memref<96x128xf32, #tpu.memory_space<vmem>>, vector<16xf32>,
        %get3A_571 = arith.index_cast %scan3A_540 : i32 to index
        %get3A_572 = arith.constant 64 : index
        %get3A_573 = tpu.vector_load %arg15[%get3A_571, %get3A_572] {strides = array<i32>} : memref<96x128xf32, #tpu.memory_space<vmem>>, vector<16xf32>,
        %mul3A_574 = arith.mulf %get3A_573, %gather3A_542 : vector<16xf32>
        %swap3A_575 = arith.index_cast %scan3A_540 : i32 to index
        %swap3A_576 = arith.constant 64 : index
        %swap3A_577 = tpu.vector_load %arg15[%swap3A_575, %swap3A_576] {strides = array<i32>} : memref<96x128xf32, #tpu.memory_space<vmem>>, vector<16xf32>,
        tpu.vector_store %arg15[%swap3A_575, %swap3A_576], %mul3A_574 {strides = array<i32>} : memref<96x128xf32, #tpu.memory_space<vmem>>, vector<16xf32>,
        %get3A_578 = arith.index_cast %scan3A_540 : i32 to index
        %get3A_579 = arith.constant 80 : index
        %get3A_580 = tpu.vector_load %arg15[%get3A_578, %get3A_579] {strides = array<i32>} : memref<96x128xf32, #tpu.memory_space<vmem>>, vector<16xf32>,
        %mul3A_581 = arith.mulf %get3A_580, %gather3A_542 : vector<16xf32>
        %swap3A_582 = arith.index_cast %scan3A_540 : i32 to index
        %swap3A_583 = arith.constant 80 : index
        %swap3A_584 = tpu.vector_load %arg15[%swap3A_582, %swap3A_583] {strides = array<i32>} : memref<96x128xf32, #tpu.memory_space<vmem>>, vector<16xf32>,
        tpu.vector_store %arg15[%swap3A_582, %swap3A_583], %mul3A_581 {strides = array<i32>} : memref<96x128xf32, #tpu.memory_space<vmem>>, vector<16xf32>,
        %get3A_585 = arith.index_cast %scan3A_540 : i32 to index
        %get3A_586 = arith.constant 96 : index
        %get3A_587 = tpu.vector_load %arg15[%get3A_585, %get3A_586] {strides = array<i32>} : memref<96x128xf32, #tpu.memory_space<vmem>>, vector<16xf32>,
        %mul3A_588 = arith.mulf %get3A_587, %gather3A_542 : vector<16xf32>
        %swap3A_589 = arith.index_cast %scan3A_540 : i32 to index
        %swap3A_590 = arith.constant 96 : index
        %swap3A_591 = tpu.vector_load %arg15[%swap3A_589, %swap3A_590] {strides = array<i32>} : memref<96x128xf32, #tpu.memory_space<vmem>>, vector<16xf32>,
        tpu.vector_store %arg15[%swap3A_589, %swap3A_590], %mul3A_588 {strides = array<i32>} : memref<96x128xf32, #tpu.memory_space<vmem>>, vector<16xf32>,
        %get3A_592 = arith.index_cast %scan3A_540 : i32 to index
        %get3A_593 = arith.constant 112 : index
        %get3A_594 = tpu.vector_load %arg15[%get3A_592, %get3A_593] {strides = array<i32>} : memref<96x128xf32, #tpu.memory_space<vmem>>, vector<16xf32>,
        %mul3A_595 = arith.mulf %get3A_594, %gather3A_542 : vector<16xf32>
        %swap3A_596 = arith.index_cast %scan3A_540 : i32 to index
        %swap3A_597 = arith.constant 112 : index
        %swap3A_598 = tpu.vector_load %arg15[%swap3A_596, %swap3A_597] {strides = array<i32>} : memref<96x128xf32, #tpu.memory_space<vmem>>, vector<16xf32>,
        tpu.vector_store %arg15[%swap3A_596, %swap3A_597], %mul3A_595 {strides = array<i32>} : memref<96x128xf32, #tpu.memory_space<vmem>>, vector<16xf32>,
        %scan3A_599 = arith.constant 1 : i32
        %scan3A_600 = arith.addi %scan3A_540, %scan3A_599 : i32
        %broadcast_in_dim3A_601 = vector.broadcast %scan3A_600 : i32 to vector<16xi32>
        %gather3A_602 = tpu.vector_load_idx %arg10[%broadcast_in_dim3A_483, %broadcast_in_dim3A_601] : memref<3x96xf32, #tpu.memory_space<vmem>>[vector<16xi32>, vector<16xi32>], vector<16xf32>,
        %get3A_603 = arith.index_cast %scan3A_600 : i32 to index
        %get3A_604 = arith.constant 0 : index
        %get3A_605 = tpu.vector_load %arg15[%get3A_603, %get3A_604] {strides = array<i32>} : memref<96x128xf32, #tpu.memory_space<vmem>>, vector<16xf32>,
        %mul3A_606 = arith.mulf %get3A_605, %gather3A_602 : vector<16xf32>
        %swap3A_607 = arith.index_cast %scan3A_600 : i32 to index
        %swap3A_608 = arith.constant 0 : index
        %swap3A_609 = tpu.vector_load %arg15[%swap3A_607, %swap3A_608] {strides = array<i32>} : memref<96x128xf32, #tpu.memory_space<vmem>>, vector<16xf32>,
        tpu.vector_store %arg15[%swap3A_607, %swap3A_608], %mul3A_606 {strides = array<i32>} : memref<96x128xf32, #tpu.memory_space<vmem>>, vector<16xf32>,
        %get3A_610 = arith.index_cast %scan3A_600 : i32 to index
        %get3A_611 = arith.constant 16 : index
        %get3A_612 = tpu.vector_load %arg15[%get3A_610, %get3A_611] {strides = array<i32>} : memref<96x128xf32, #tpu.memory_space<vmem>>, vector<16xf32>,
        %mul3A_613 = arith.mulf %get3A_612, %gather3A_602 : vector<16xf32>
        %swap3A_614 = arith.index_cast %scan3A_600 : i32 to index
        %swap3A_615 = arith.constant 16 : index
        %swap3A_616 = tpu.vector_load %arg15[%swap3A_614, %swap3A_615] {strides = array<i32>} : memref<96x128xf32, #tpu.memory_space<vmem>>, vector<16xf32>,
        tpu.vector_store %arg15[%swap3A_614, %swap3A_615], %mul3A_613 {strides = array<i32>} : memref<96x128xf32, #tpu.memory_space<vmem>>, vector<16xf32>,
        %get3A_617 = arith.index_cast %scan3A_600 : i32 to index
        %get3A_618 = arith.constant 32 : index
        %get3A_619 = tpu.vector_load %arg15[%get3A_617, %get3A_618] {strides = array<i32>} : memref<96x128xf32, #tpu.memory_space<vmem>>, vector<16xf32>,
        %mul3A_620 = arith.mulf %get3A_619, %gather3A_602 : vector<16xf32>
        %swap3A_621 = arith.index_cast %scan3A_600 : i32 to index
        %swap3A_622 = arith.constant 32 : index
        %swap3A_623 = tpu.vector_load %arg15[%swap3A_621, %swap3A_622] {strides = array<i32>} : memref<96x128xf32, #tpu.memory_space<vmem>>, vector<16xf32>,
        tpu.vector_store %arg15[%swap3A_621, %swap3A_622], %mul3A_620 {strides = array<i32>} : memref<96x128xf32, #tpu.memory_space<vmem>>, vector<16xf32>,
        %get3A_624 = arith.index_cast %scan3A_600 : i32 to index
        %get3A_625 = arith.constant 48 : index
        %get3A_626 = tpu.vector_load %arg15[%get3A_624, %get3A_625] {strides = array<i32>} : memref<96x128xf32, #tpu.memory_space<vmem>>, vector<16xf32>,
        %mul3A_627 = arith.mulf %get3A_626, %gather3A_602 : vector<16xf32>
        %swap3A_628 = arith.index_cast %scan3A_600 : i32 to index
        %swap3A_629 = arith.constant 48 : index
        %swap3A_630 = tpu.vector_load %arg15[%swap3A_628, %swap3A_629] {strides = array<i32>} : memref<96x128xf32, #tpu.memory_space<vmem>>, vector<16xf32>,
        tpu.vector_store %arg15[%swap3A_628, %swap3A_629], %mul3A_627 {strides = array<i32>} : memref<96x128xf32, #tpu.memory_space<vmem>>, vector<16xf32>,
        %get3A_631 = arith.index_cast %scan3A_600 : i32 to index
        %get3A_632 = arith.constant 64 : index
        %get3A_633 = tpu.vector_load %arg15[%get3A_631, %get3A_632] {strides = array<i32>} : memref<96x128xf32, #tpu.memory_space<vmem>>, vector<16xf32>,
        %mul3A_634 = arith.mulf %get3A_633, %gather3A_602 : vector<16xf32>
        %swap3A_635 = arith.index_cast %scan3A_600 : i32 to index
        %swap3A_636 = arith.constant 64 : index
        %swap3A_637 = tpu.vector_load %arg15[%swap3A_635, %swap3A_636] {strides = array<i32>} : memref<96x128xf32, #tpu.memory_space<vmem>>, vector<16xf32>,
        tpu.vector_store %arg15[%swap3A_635, %swap3A_636], %mul3A_634 {strides = array<i32>} : memref<96x128xf32, #tpu.memory_space<vmem>>, vector<16xf32>,
        %get3A_638 = arith.index_cast %scan3A_600 : i32 to index
        %get3A_639 = arith.constant 80 : index
        %get3A_640 = tpu.vector_load %arg15[%get3A_638, %get3A_639] {strides = array<i32>} : memref<96x128xf32, #tpu.memory_space<vmem>>, vector<16xf32>,
        %mul3A_641 = arith.mulf %get3A_640, %gather3A_602 : vector<16xf32>
        %swap3A_642 = arith.index_cast %scan3A_600 : i32 to index
        %swap3A_643 = arith.constant 80 : index
        %swap3A_644 = tpu.vector_load %arg15[%swap3A_642, %swap3A_643] {strides = array<i32>} : memref<96x128xf32, #tpu.memory_space<vmem>>, vector<16xf32>,
        tpu.vector_store %arg15[%swap3A_642, %swap3A_643], %mul3A_641 {strides = array<i32>} : memref<96x128xf32, #tpu.memory_space<vmem>>, vector<16xf32>,
        %get3A_645 = arith.index_cast %scan3A_600 : i32 to index
        %get3A_646 = arith.constant 96 : index
        %get3A_647 = tpu.vector_load %arg15[%get3A_645, %get3A_646] {strides = array<i32>} : memref<96x128xf32, #tpu.memory_space<vmem>>, vector<16xf32>,
        %mul3A_648 = arith.mulf %get3A_647, %gather3A_602 : vector<16xf32>
        %swap3A_649 = arith.index_cast %scan3A_600 : i32 to index
        %swap3A_650 = arith.constant 96 : index
        %swap3A_651 = tpu.vector_load %arg15[%swap3A_649, %swap3A_650] {strides = array<i32>} : memref<96x128xf32, #tpu.memory_space<vmem>>, vector<16xf32>,
        tpu.vector_store %arg15[%swap3A_649, %swap3A_650], %mul3A_648 {strides = array<i32>} : memref<96x128xf32, #tpu.memory_space<vmem>>, vector<16xf32>,
        %get3A_652 = arith.index_cast %scan3A_600 : i32 to index
        %get3A_653 = arith.constant 112 : index
        %get3A_654 = tpu.vector_load %arg15[%get3A_652, %get3A_653] {strides = array<i32>} : memref<96x128xf32, #tpu.memory_space<vmem>>, vector<16xf32>,
        %mul3A_655 = arith.mulf %get3A_654, %gather3A_602 : vector<16xf32>
        %swap3A_656 = arith.index_cast %scan3A_600 : i32 to index
        %swap3A_657 = arith.constant 112 : index
        %swap3A_658 = tpu.vector_load %arg15[%swap3A_656, %swap3A_657] {strides = array<i32>} : memref<96x128xf32, #tpu.memory_space<vmem>>, vector<16xf32>,
        tpu.vector_store %arg15[%swap3A_656, %swap3A_657], %mul3A_655 {strides = array<i32>} : memref<96x128xf32, #tpu.memory_space<vmem>>, vector<16xf32>,
        %scan3A_659 = arith.constant 2 : i32
        %scan3A_660 = arith.addi %scan3A_540, %scan3A_659 : i32
        %broadcast_in_dim3A_661 = vector.broadcast %scan3A_660 : i32 to vector<16xi32>
        %gather3A_662 = tpu.vector_load_idx %arg10[%broadcast_in_dim3A_483, %broadcast_in_dim3A_661] : memref<3x96xf32, #tpu.memory_space<vmem>>[vector<16xi32>, vector<16xi32>], vector<16xf32>,
        %get3A_663 = arith.index_cast %scan3A_660 : i32 to index
        %get3A_664 = arith.constant 0 : index
        %get3A_665 = tpu.vector_load %arg15[%get3A_663, %get3A_664] {strides = array<i32>} : memref<96x128xf32, #tpu.memory_space<vmem>>, vector<16xf32>,
        %mul3A_666 = arith.mulf %get3A_665, %gather3A_662 : vector<16xf32>
        %swap3A_667 = arith.index_cast %scan3A_660 : i32 to index
        %swap3A_668 = arith.constant 0 : index
        %swap3A_669 = tpu.vector_load %arg15[%swap3A_667, %swap3A_668] {strides = array<i32>} : memref<96x128xf32, #tpu.memory_space<vmem>>, vector<16xf32>,
        tpu.vector_store %arg15[%swap3A_667, %swap3A_668], %mul3A_666 {strides = array<i32>} : memref<96x128xf32, #tpu.memory_space<vmem>>, vector<16xf32>,
        %get3A_670 = arith.index_cast %scan3A_660 : i32 to index
        %get3A_671 = arith.constant 16 : index
        %get3A_672 = tpu.vector_load %arg15[%get3A_670, %get3A_671] {strides = array<i32>} : memref<96x128xf32, #tpu.memory_space<vmem>>, vector<16xf32>,
        %mul3A_673 = arith.mulf %get3A_672, %gather3A_662 : vector<16xf32>
        %swap3A_674 = arith.index_cast %scan3A_660 : i32 to index
        %swap3A_675 = arith.constant 16 : index
        %swap3A_676 = tpu.vector_load %arg15[%swap3A_674, %swap3A_675] {strides = array<i32>} : memref<96x128xf32, #tpu.memory_space<vmem>>, vector<16xf32>,
        tpu.vector_store %arg15[%swap3A_674, %swap3A_675], %mul3A_673 {strides = array<i32>} : memref<96x128xf32, #tpu.memory_space<vmem>>, vector<16xf32>,
        %get3A_677 = arith.index_cast %scan3A_660 : i32 to index
        %get3A_678 = arith.constant 32 : index
        %get3A_679 = tpu.vector_load %arg15[%get3A_677, %get3A_678] {strides = array<i32>} : memref<96x128xf32, #tpu.memory_space<vmem>>, vector<16xf32>,
        %mul3A_680 = arith.mulf %get3A_679, %gather3A_662 : vector<16xf32>
        %swap3A_681 = arith.index_cast %scan3A_660 : i32 to index
        %swap3A_682 = arith.constant 32 : index
        %swap3A_683 = tpu.vector_load %arg15[%swap3A_681, %swap3A_682] {strides = array<i32>} : memref<96x128xf32, #tpu.memory_space<vmem>>, vector<16xf32>,
        tpu.vector_store %arg15[%swap3A_681, %swap3A_682], %mul3A_680 {strides = array<i32>} : memref<96x128xf32, #tpu.memory_space<vmem>>, vector<16xf32>,
        %get3A_684 = arith.index_cast %scan3A_660 : i32 to index
        %get3A_685 = arith.constant 48 : index
        %get3A_686 = tpu.vector_load %arg15[%get3A_684, %get3A_685] {strides = array<i32>} : memref<96x128xf32, #tpu.memory_space<vmem>>, vector<16xf32>,
        %mul3A_687 = arith.mulf %get3A_686, %gather3A_662 : vector<16xf32>
        %swap3A_688 = arith.index_cast %scan3A_660 : i32 to index
        %swap3A_689 = arith.constant 48 : index
        %swap3A_690 = tpu.vector_load %arg15[%swap3A_688, %swap3A_689] {strides = array<i32>} : memref<96x128xf32, #tpu.memory_space<vmem>>, vector<16xf32>,
        tpu.vector_store %arg15[%swap3A_688, %swap3A_689], %mul3A_687 {strides = array<i32>} : memref<96x128xf32, #tpu.memory_space<vmem>>, vector<16xf32>,
        %get3A_691 = arith.index_cast %scan3A_660 : i32 to index
        %get3A_692 = arith.constant 64 : index
        %get3A_693 = tpu.vector_load %arg15[%get3A_691, %get3A_692] {strides = array<i32>} : memref<96x128xf32, #tpu.memory_space<vmem>>, vector<16xf32>,
        %mul3A_694 = arith.mulf %get3A_693, %gather3A_662 : vector<16xf32>
        %swap3A_695 = arith.index_cast %scan3A_660 : i32 to index
        %swap3A_696 = arith.constant 64 : index
        %swap3A_697 = tpu.vector_load %arg15[%swap3A_695, %swap3A_696] {strides = array<i32>} : memref<96x128xf32, #tpu.memory_space<vmem>>, vector<16xf32>,
        tpu.vector_store %arg15[%swap3A_695, %swap3A_696], %mul3A_694 {strides = array<i32>} : memref<96x128xf32, #tpu.memory_space<vmem>>, vector<16xf32>,
        %get3A_698 = arith.index_cast %scan3A_660 : i32 to index
        %get3A_699 = arith.constant 80 : index
        %get3A_700 = tpu.vector_load %arg15[%get3A_698, %get3A_699] {strides = array<i32>} : memref<96x128xf32, #tpu.memory_space<vmem>>, vector<16xf32>,
        %mul3A_701 = arith.mulf %get3A_700, %gather3A_662 : vector<16xf32>
        %swap3A_702 = arith.index_cast %scan3A_660 : i32 to index
        %swap3A_703 = arith.constant 80 : index
        %swap3A_704 = tpu.vector_load %arg15[%swap3A_702, %swap3A_703] {strides = array<i32>} : memref<96x128xf32, #tpu.memory_space<vmem>>, vector<16xf32>,
        tpu.vector_store %arg15[%swap3A_702, %swap3A_703], %mul3A_701 {strides = array<i32>} : memref<96x128xf32, #tpu.memory_space<vmem>>, vector<16xf32>,
        %get3A_705 = arith.index_cast %scan3A_660 : i32 to index
        %get3A_706 = arith.constant 96 : index
        %get3A_707 = tpu.vector_load %arg15[%get3A_705, %get3A_706] {strides = array<i32>} : memref<96x128xf32, #tpu.memory_space<vmem>>, vector<16xf32>,
        %mul3A_708 = arith.mulf %get3A_707, %gather3A_662 : vector<16xf32>
        %swap3A_709 = arith.index_cast %scan3A_660 : i32 to index
        %swap3A_710 = arith.constant 96 : index
        %swap3A_711 = tpu.vector_load %arg15[%swap3A_709, %swap3A_710] {strides = array<i32>} : memref<96x128xf32, #tpu.memory_space<vmem>>, vector<16xf32>,
        tpu.vector_store %arg15[%swap3A_709, %swap3A_710], %mul3A_708 {strides = array<i32>} : memref<96x128xf32, #tpu.memory_space<vmem>>, vector<16xf32>,
        %get3A_712 = arith.index_cast %scan3A_660 : i32 to index
        %get3A_713 = arith.constant 112 : index
        %get3A_714 = tpu.vector_load %arg15[%get3A_712, %get3A_713] {strides = array<i32>} : memref<96x128xf32, #tpu.memory_space<vmem>>, vector<16xf32>,
        %mul3A_715 = arith.mulf %get3A_714, %gather3A_662 : vector<16xf32>
        %swap3A_716 = arith.index_cast %scan3A_660 : i32 to index
        %swap3A_717 = arith.constant 112 : index
        %swap3A_718 = tpu.vector_load %arg15[%swap3A_716, %swap3A_717] {strides = array<i32>} : memref<96x128xf32, #tpu.memory_space<vmem>>, vector<16xf32>,
        tpu.vector_store %arg15[%swap3A_716, %swap3A_717], %mul3A_715 {strides = array<i32>} : memref<96x128xf32, #tpu.memory_space<vmem>>, vector<16xf32>,
        %scan3A_719 = arith.constant 3 : i32
        %scan3A_720 = arith.addi %scan3A_540, %scan3A_719 : i32
        %broadcast_in_dim3A_721 = vector.broadcast %scan3A_720 : i32 to vector<16xi32>
        %gather3A_722 = tpu.vector_load_idx %arg10[%broadcast_in_dim3A_483, %broadcast_in_dim3A_721] : memref<3x96xf32, #tpu.memory_space<vmem>>[vector<16xi32>, vector<16xi32>], vector<16xf32>,
        %get3A_723 = arith.index_cast %scan3A_720 : i32 to index
        %get3A_724 = arith.constant 0 : index
        %get3A_725 = tpu.vector_load %arg15[%get3A_723, %get3A_724] {strides = array<i32>} : memref<96x128xf32, #tpu.memory_space<vmem>>, vector<16xf32>,
        %mul3A_726 = arith.mulf %get3A_725, %gather3A_722 : vector<16xf32>
        %swap3A_727 = arith.index_cast %scan3A_720 : i32 to index
        %swap3A_728 = arith.constant 0 : index
        %swap3A_729 = tpu.vector_load %arg15[%swap3A_727, %swap3A_728] {strides = array<i32>} : memref<96x128xf32, #tpu.memory_space<vmem>>, vector<16xf32>,
        tpu.vector_store %arg15[%swap3A_727, %swap3A_728], %mul3A_726 {strides = array<i32>} : memref<96x128xf32, #tpu.memory_space<vmem>>, vector<16xf32>,
        %get3A_730 = arith.index_cast %scan3A_720 : i32 to index
        %get3A_731 = arith.constant 16 : index
        %get3A_732 = tpu.vector_load %arg15[%get3A_730, %get3A_731] {strides = array<i32>} : memref<96x128xf32, #tpu.memory_space<vmem>>, vector<16xf32>,
        %mul3A_733 = arith.mulf %get3A_732, %gather3A_722 : vector<16xf32>
        %swap3A_734 = arith.index_cast %scan3A_720 : i32 to index
        %swap3A_735 = arith.constant 16 : index
        %swap3A_736 = tpu.vector_load %arg15[%swap3A_734, %swap3A_735] {strides = array<i32>} : memref<96x128xf32, #tpu.memory_space<vmem>>, vector<16xf32>,
        tpu.vector_store %arg15[%swap3A_734, %swap3A_735], %mul3A_733 {strides = array<i32>} : memref<96x128xf32, #tpu.memory_space<vmem>>, vector<16xf32>,
        %get3A_737 = arith.index_cast %scan3A_720 : i32 to index
        %get3A_738 = arith.constant 32 : index
        %get3A_739 = tpu.vector_load %arg15[%get3A_737, %get3A_738] {strides = array<i32>} : memref<96x128xf32, #tpu.memory_space<vmem>>, vector<16xf32>,
        %mul3A_740 = arith.mulf %get3A_739, %gather3A_722 : vector<16xf32>
        %swap3A_741 = arith.index_cast %scan3A_720 : i32 to index
        %swap3A_742 = arith.constant 32 : index
        %swap3A_743 = tpu.vector_load %arg15[%swap3A_741, %swap3A_742] {strides = array<i32>} : memref<96x128xf32, #tpu.memory_space<vmem>>, vector<16xf32>,
        tpu.vector_store %arg15[%swap3A_741, %swap3A_742], %mul3A_740 {strides = array<i32>} : memref<96x128xf32, #tpu.memory_space<vmem>>, vector<16xf32>,
        %get3A_744 = arith.index_cast %scan3A_720 : i32 to index
        %get3A_745 = arith.constant 48 : index
        %get3A_746 = tpu.vector_load %arg15[%get3A_744, %get3A_745] {strides = array<i32>} : memref<96x128xf32, #tpu.memory_space<vmem>>, vector<16xf32>,
        %mul3A_747 = arith.mulf %get3A_746, %gather3A_722 : vector<16xf32>
        %swap3A_748 = arith.index_cast %scan3A_720 : i32 to index
        %swap3A_749 = arith.constant 48 : index
        %swap3A_750 = tpu.vector_load %arg15[%swap3A_748, %swap3A_749] {strides = array<i32>} : memref<96x128xf32, #tpu.memory_space<vmem>>, vector<16xf32>,
        tpu.vector_store %arg15[%swap3A_748, %swap3A_749], %mul3A_747 {strides = array<i32>} : memref<96x128xf32, #tpu.memory_space<vmem>>, vector<16xf32>,
        %get3A_751 = arith.index_cast %scan3A_720 : i32 to index
        %get3A_752 = arith.constant 64 : index
        %get3A_753 = tpu.vector_load %arg15[%get3A_751, %get3A_752] {strides = array<i32>} : memref<96x128xf32, #tpu.memory_space<vmem>>, vector<16xf32>,
        %mul3A_754 = arith.mulf %get3A_753, %gather3A_722 : vector<16xf32>
        %swap3A_755 = arith.index_cast %scan3A_720 : i32 to index
        %swap3A_756 = arith.constant 64 : index
        %swap3A_757 = tpu.vector_load %arg15[%swap3A_755, %swap3A_756] {strides = array<i32>} : memref<96x128xf32, #tpu.memory_space<vmem>>, vector<16xf32>,
        tpu.vector_store %arg15[%swap3A_755, %swap3A_756], %mul3A_754 {strides = array<i32>} : memref<96x128xf32, #tpu.memory_space<vmem>>, vector<16xf32>,
        %get3A_758 = arith.index_cast %scan3A_720 : i32 to index
        %get3A_759 = arith.constant 80 : index
        %get3A_760 = tpu.vector_load %arg15[%get3A_758, %get3A_759] {strides = array<i32>} : memref<96x128xf32, #tpu.memory_space<vmem>>, vector<16xf32>,
        %mul3A_761 = arith.mulf %get3A_760, %gather3A_722 : vector<16xf32>
        %swap3A_762 = arith.index_cast %scan3A_720 : i32 to index
        %swap3A_763 = arith.constant 80 : index
        %swap3A_764 = tpu.vector_load %arg15[%swap3A_762, %swap3A_763] {strides = array<i32>} : memref<96x128xf32, #tpu.memory_space<vmem>>, vector<16xf32>,
        tpu.vector_store %arg15[%swap3A_762, %swap3A_763], %mul3A_761 {strides = array<i32>} : memref<96x128xf32, #tpu.memory_space<vmem>>, vector<16xf32>,
        %get3A_765 = arith.index_cast %scan3A_720 : i32 to index
        %get3A_766 = arith.constant 96 : index
        %get3A_767 = tpu.vector_load %arg15[%get3A_765, %get3A_766] {strides = array<i32>} : memref<96x128xf32, #tpu.memory_space<vmem>>, vector<16xf32>,
        %mul3A_768 = arith.mulf %get3A_767, %gather3A_722 : vector<16xf32>
        %swap3A_769 = arith.index_cast %scan3A_720 : i32 to index
        %swap3A_770 = arith.constant 96 : index
        %swap3A_771 = tpu.vector_load %arg15[%swap3A_769, %swap3A_770] {strides = array<i32>} : memref<96x128xf32, #tpu.memory_space<vmem>>, vector<16xf32>,
        tpu.vector_store %arg15[%swap3A_769, %swap3A_770], %mul3A_768 {strides = array<i32>} : memref<96x128xf32, #tpu.memory_space<vmem>>, vector<16xf32>,
        %get3A_772 = arith.index_cast %scan3A_720 : i32 to index
        %get3A_773 = arith.constant 112 : index
        %get3A_774 = tpu.vector_load %arg15[%get3A_772, %get3A_773] {strides = array<i32>} : memref<96x128xf32, #tpu.memory_space<vmem>>, vector<16xf32>,
        %mul3A_775 = arith.mulf %get3A_774, %gather3A_722 : vector<16xf32>
        %swap3A_776 = arith.index_cast %scan3A_720 : i32 to index
        %swap3A_777 = arith.constant 112 : index
        %swap3A_778 = tpu.vector_load %arg15[%swap3A_776, %swap3A_777] {strides = array<i32>} : memref<96x128xf32, #tpu.memory_space<vmem>>, vector<16xf32>,
        tpu.vector_store %arg15[%swap3A_776, %swap3A_777], %mul3A_775 {strides = array<i32>} : memref<96x128xf32, #tpu.memory_space<vmem>>, vector<16xf32>,
      }
      %scan3A_489 = arith.constant 96 : i32
      %dma_start3A_490 = arith.constant 1 : i32
      %dma_start3A_491 = arith.constant 0 : i32
      %dma_start3A_492 = tpu.memref_slice %arg9[%dma_start3A_490, %dma_start3A_491] : memref<3x96xi32, #tpu.memory_space<vmem>> -> memref<1x96xi32, #tpu.memory_space<vmem>>
      %dma_start3A_493 = tpu.memref_squeeze %dma_start3A_492 : memref<1x96xi32, #tpu.memory_space<vmem>> -> memref<96xi32, #tpu.memory_space<vmem>>
      %dma_start3A_494 = arith.constant 0 : i32
      %dma_start3A_495 = arith.constant 0 : i32
      %dma_start3A_496 = tpu.memref_slice %arg13[%dma_start3A_494, %dma_start3A_495] : memref<10112x128xf32, #tpu.memory_space<vmem_shared>> -> memref<10112x128xf32, #tpu.memory_space<vmem_shared>>
      tpu.enqueue_indirect_dma source(%arg15 : memref<96x128xf32, #tpu.memory_space<vmem>>) target(%dma_start3A_496 : memref<10112x128xf32, #tpu.memory_space<vmem_shared>>) offsets(%dma_start3A_493 : memref<96xi32, #tpu.memory_space<vmem>>) semaphore(%arg21 : memref<!tpu.dma_semaphore, #tpu.memory_space<semaphore_mem>>) {add = true}
      %dma_wait3A_497 = arith.constant 2 : i32
      %dma_wait3A_498 = arith.constant 0 : i32
      %dma_wait3A_499 = tpu.memref_slice %arg8[%dma_wait3A_497, %dma_wait3A_498] : memref<3x96xi32, #tpu.memory_space<vmem>> -> memref<1x96xi32, #tpu.memory_space<vmem>>
      %dma_wait3A_500 = tpu.memref_squeeze %dma_wait3A_499 : memref<1x96xi32, #tpu.memory_space<vmem>> -> memref<96xi32, #tpu.memory_space<vmem>>
      %dma_wait3A_501 = arith.constant 0 : i32
      %dma_wait3A_502 = arith.constant 0 : i32
      %dma_wait3A_503 = tpu.memref_slice %arg5[%dma_wait3A_501, %dma_wait3A_502] : memref<10112x128xf32, #tpu.memory_space<hbm>> -> memref<10112x128xf32, #tpu.memory_space<hbm>>
      tpu.wait_indirect_dma semaphore(%arg19 : memref<!tpu.dma_semaphore, #tpu.memory_space<semaphore_mem>>) src(%dma_wait3A_503 : memref<10112x128xf32, #tpu.memory_space<hbm>>) dst(%arg16 : memref<96x128xf32, #tpu.memory_space<vmem>>)
      %broadcast_in_dim3A_504 = arith.constant 2 : i32
      %broadcast_in_dim3A_505 = vector.broadcast %broadcast_in_dim3A_504 : i32 to vector<16xi32>
      %scan3A_506 = arith.constant 0 : i32
      %scan3A_507 = arith.constant 0 : i32
      %scan3A_508 = arith.constant 96 : i32
      %scan3A_509 = arith.addi %scan3A_507, %scan3A_508 : i32
      %scan3A_510 = arith.constant 4 : i32
      scf.for %scan3A_540 = %scan3A_507 to %scan3A_509 step %scan3A_510  : i32 {
        %broadcast_in_dim3A_541 = vector.broadcast %scan3A_540 : i32 to vector<16xi32>
        %gather3A_542 = tpu.vector_load_idx %arg10[%broadcast_in_dim3A_505, %broadcast_in_dim3A_541] : memref<3x96xf32, #tpu.memory_space<vmem>>[vector<16xi32>, vector<16xi32>], vector<16xf32>,
        %get3A_543 = arith.index_cast %scan3A_540 : i32 to index
        %get3A_544 = arith.constant 0 : index
        %get3A_545 = tpu.vector_load %arg16[%get3A_543, %get3A_544] {strides = array<i32>} : memref<96x128xf32, #tpu.memory_space<vmem>>, vector<16xf32>,
        %mul3A_546 = arith.mulf %get3A_545, %gather3A_542 : vector<16xf32>
        %swap3A_547 = arith.index_cast %scan3A_540 : i32 to index
        %swap3A_548 = arith.constant 0 : index
        %swap3A_549 = tpu.vector_load %arg16[%swap3A_547, %swap3A_548] {strides = array<i32>} : memref<96x128xf32, #tpu.memory_space<vmem>>, vector<16xf32>,
        tpu.vector_store %arg16[%swap3A_547, %swap3A_548], %mul3A_546 {strides = array<i32>} : memref<96x128xf32, #tpu.memory_space<vmem>>, vector<16xf32>,
        %get3A_550 = arith.index_cast %scan3A_540 : i32 to index
        %get3A_551 = arith.constant 16 : index
        %get3A_552 = tpu.vector_load %arg16[%get3A_550, %get3A_551] {strides = array<i32>} : memref<96x128xf32, #tpu.memory_space<vmem>>, vector<16xf32>,
        %mul3A_553 = arith.mulf %get3A_552, %gather3A_542 : vector<16xf32>
        %swap3A_554 = arith.index_cast %scan3A_540 : i32 to index
        %swap3A_555 = arith.constant 16 : index
        %swap3A_556 = tpu.vector_load %arg16[%swap3A_554, %swap3A_555] {strides = array<i32>} : memref<96x128xf32, #tpu.memory_space<vmem>>, vector<16xf32>,
        tpu.vector_store %arg16[%swap3A_554, %swap3A_555], %mul3A_553 {strides = array<i32>} : memref<96x128xf32, #tpu.memory_space<vmem>>, vector<16xf32>,
        %get3A_557 = arith.index_cast %scan3A_540 : i32 to index
        %get3A_558 = arith.constant 32 : index
        %get3A_559 = tpu.vector_load %arg16[%get3A_557, %get3A_558] {strides = array<i32>} : memref<96x128xf32, #tpu.memory_space<vmem>>, vector<16xf32>,
        %mul3A_560 = arith.mulf %get3A_559, %gather3A_542 : vector<16xf32>
        %swap3A_561 = arith.index_cast %scan3A_540 : i32 to index
        %swap3A_562 = arith.constant 32 : index
        %swap3A_563 = tpu.vector_load %arg16[%swap3A_561, %swap3A_562] {strides = array<i32>} : memref<96x128xf32, #tpu.memory_space<vmem>>, vector<16xf32>,
        tpu.vector_store %arg16[%swap3A_561, %swap3A_562], %mul3A_560 {strides = array<i32>} : memref<96x128xf32, #tpu.memory_space<vmem>>, vector<16xf32>,
        %get3A_564 = arith.index_cast %scan3A_540 : i32 to index
        %get3A_565 = arith.constant 48 : index
        %get3A_566 = tpu.vector_load %arg16[%get3A_564, %get3A_565] {strides = array<i32>} : memref<96x128xf32, #tpu.memory_space<vmem>>, vector<16xf32>,
        %mul3A_567 = arith.mulf %get3A_566, %gather3A_542 : vector<16xf32>
        %swap3A_568 = arith.index_cast %scan3A_540 : i32 to index
        %swap3A_569 = arith.constant 48 : index
        %swap3A_570 = tpu.vector_load %arg16[%swap3A_568, %swap3A_569] {strides = array<i32>} : memref<96x128xf32, #tpu.memory_space<vmem>>, vector<16xf32>,
        tpu.vector_store %arg16[%swap3A_568, %swap3A_569], %mul3A_567 {strides = array<i32>} : memref<96x128xf32, #tpu.memory_space<vmem>>, vector<16xf32>,
        %get3A_571 = arith.index_cast %scan3A_540 : i32 to index
        %get3A_572 = arith.constant 64 : index
        %get3A_573 = tpu.vector_load %arg16[%get3A_571, %get3A_572] {strides = array<i32>} : memref<96x128xf32, #tpu.memory_space<vmem>>, vector<16xf32>,
        %mul3A_574 = arith.mulf %get3A_573, %gather3A_542 : vector<16xf32>
        %swap3A_575 = arith.index_cast %scan3A_540 : i32 to index
        %swap3A_576 = arith.constant 64 : index
        %swap3A_577 = tpu.vector_load %arg16[%swap3A_575, %swap3A_576] {strides = array<i32>} : memref<96x128xf32, #tpu.memory_space<vmem>>, vector<16xf32>,
        tpu.vector_store %arg16[%swap3A_575, %swap3A_576], %mul3A_574 {strides = array<i32>} : memref<96x128xf32, #tpu.memory_space<vmem>>, vector<16xf32>,
        %get3A_578 = arith.index_cast %scan3A_540 : i32 to index
        %get3A_579 = arith.constant 80 : index
        %get3A_580 = tpu.vector_load %arg16[%get3A_578, %get3A_579] {strides = array<i32>} : memref<96x128xf32, #tpu.memory_space<vmem>>, vector<16xf32>,
        %mul3A_581 = arith.mulf %get3A_580, %gather3A_542 : vector<16xf32>
        %swap3A_582 = arith.index_cast %scan3A_540 : i32 to index
        %swap3A_583 = arith.constant 80 : index
        %swap3A_584 = tpu.vector_load %arg16[%swap3A_582, %swap3A_583] {strides = array<i32>} : memref<96x128xf32, #tpu.memory_space<vmem>>, vector<16xf32>,
        tpu.vector_store %arg16[%swap3A_582, %swap3A_583], %mul3A_581 {strides = array<i32>} : memref<96x128xf32, #tpu.memory_space<vmem>>, vector<16xf32>,
        %get3A_585 = arith.index_cast %scan3A_540 : i32 to index
        %get3A_586 = arith.constant 96 : index
        %get3A_587 = tpu.vector_load %arg16[%get3A_585, %get3A_586] {strides = array<i32>} : memref<96x128xf32, #tpu.memory_space<vmem>>, vector<16xf32>,
        %mul3A_588 = arith.mulf %get3A_587, %gather3A_542 : vector<16xf32>
        %swap3A_589 = arith.index_cast %scan3A_540 : i32 to index
        %swap3A_590 = arith.constant 96 : index
        %swap3A_591 = tpu.vector_load %arg16[%swap3A_589, %swap3A_590] {strides = array<i32>} : memref<96x128xf32, #tpu.memory_space<vmem>>, vector<16xf32>,
        tpu.vector_store %arg16[%swap3A_589, %swap3A_590], %mul3A_588 {strides = array<i32>} : memref<96x128xf32, #tpu.memory_space<vmem>>, vector<16xf32>,
        %get3A_592 = arith.index_cast %scan3A_540 : i32 to index
        %get3A_593 = arith.constant 112 : index
        %get3A_594 = tpu.vector_load %arg16[%get3A_592, %get3A_593] {strides = array<i32>} : memref<96x128xf32, #tpu.memory_space<vmem>>, vector<16xf32>,
        %mul3A_595 = arith.mulf %get3A_594, %gather3A_542 : vector<16xf32>
        %swap3A_596 = arith.index_cast %scan3A_540 : i32 to index
        %swap3A_597 = arith.constant 112 : index
        %swap3A_598 = tpu.vector_load %arg16[%swap3A_596, %swap3A_597] {strides = array<i32>} : memref<96x128xf32, #tpu.memory_space<vmem>>, vector<16xf32>,
        tpu.vector_store %arg16[%swap3A_596, %swap3A_597], %mul3A_595 {strides = array<i32>} : memref<96x128xf32, #tpu.memory_space<vmem>>, vector<16xf32>,
        %scan3A_599 = arith.constant 1 : i32
        %scan3A_600 = arith.addi %scan3A_540, %scan3A_599 : i32
        %broadcast_in_dim3A_601 = vector.broadcast %scan3A_600 : i32 to vector<16xi32>
        %gather3A_602 = tpu.vector_load_idx %arg10[%broadcast_in_dim3A_505, %broadcast_in_dim3A_601] : memref<3x96xf32, #tpu.memory_space<vmem>>[vector<16xi32>, vector<16xi32>], vector<16xf32>,
        %get3A_603 = arith.index_cast %scan3A_600 : i32 to index
        %get3A_604 = arith.constant 0 : index
        %get3A_605 = tpu.vector_load %arg16[%get3A_603, %get3A_604] {strides = array<i32>} : memref<96x128xf32, #tpu.memory_space<vmem>>, vector<16xf32>,
        %mul3A_606 = arith.mulf %get3A_605, %gather3A_602 : vector<16xf32>
        %swap3A_607 = arith.index_cast %scan3A_600 : i32 to index
        %swap3A_608 = arith.constant 0 : index
        %swap3A_609 = tpu.vector_load %arg16[%swap3A_607, %swap3A_608] {strides = array<i32>} : memref<96x128xf32, #tpu.memory_space<vmem>>, vector<16xf32>,
        tpu.vector_store %arg16[%swap3A_607, %swap3A_608], %mul3A_606 {strides = array<i32>} : memref<96x128xf32, #tpu.memory_space<vmem>>, vector<16xf32>,
        %get3A_610 = arith.index_cast %scan3A_600 : i32 to index
        %get3A_611 = arith.constant 16 : index
        %get3A_612 = tpu.vector_load %arg16[%get3A_610, %get3A_611] {strides = array<i32>} : memref<96x128xf32, #tpu.memory_space<vmem>>, vector<16xf32>,
        %mul3A_613 = arith.mulf %get3A_612, %gather3A_602 : vector<16xf32>
        %swap3A_614 = arith.index_cast %scan3A_600 : i32 to index
        %swap3A_615 = arith.constant 16 : index
        %swap3A_616 = tpu.vector_load %arg16[%swap3A_614, %swap3A_615] {strides = array<i32>} : memref<96x128xf32, #tpu.memory_space<vmem>>, vector<16xf32>,
        tpu.vector_store %arg16[%swap3A_614, %swap3A_615], %mul3A_613 {strides = array<i32>} : memref<96x128xf32, #tpu.memory_space<vmem>>, vector<16xf32>,
        %get3A_617 = arith.index_cast %scan3A_600 : i32 to index
        %get3A_618 = arith.constant 32 : index
        %get3A_619 = tpu.vector_load %arg16[%get3A_617, %get3A_618] {strides = array<i32>} : memref<96x128xf32, #tpu.memory_space<vmem>>, vector<16xf32>,
        %mul3A_620 = arith.mulf %get3A_619, %gather3A_602 : vector<16xf32>
        %swap3A_621 = arith.index_cast %scan3A_600 : i32 to index
        %swap3A_622 = arith.constant 32 : index
        %swap3A_623 = tpu.vector_load %arg16[%swap3A_621, %swap3A_622] {strides = array<i32>} : memref<96x128xf32, #tpu.memory_space<vmem>>, vector<16xf32>,
        tpu.vector_store %arg16[%swap3A_621, %swap3A_622], %mul3A_620 {strides = array<i32>} : memref<96x128xf32, #tpu.memory_space<vmem>>, vector<16xf32>,
        %get3A_624 = arith.index_cast %scan3A_600 : i32 to index
        %get3A_625 = arith.constant 48 : index
        %get3A_626 = tpu.vector_load %arg16[%get3A_624, %get3A_625] {strides = array<i32>} : memref<96x128xf32, #tpu.memory_space<vmem>>, vector<16xf32>,
        %mul3A_627 = arith.mulf %get3A_626, %gather3A_602 : vector<16xf32>
        %swap3A_628 = arith.index_cast %scan3A_600 : i32 to index
        %swap3A_629 = arith.constant 48 : index
        %swap3A_630 = tpu.vector_load %arg16[%swap3A_628, %swap3A_629] {strides = array<i32>} : memref<96x128xf32, #tpu.memory_space<vmem>>, vector<16xf32>,
        tpu.vector_store %arg16[%swap3A_628, %swap3A_629], %mul3A_627 {strides = array<i32>} : memref<96x128xf32, #tpu.memory_space<vmem>>, vector<16xf32>,
        %get3A_631 = arith.index_cast %scan3A_600 : i32 to index
        %get3A_632 = arith.constant 64 : index
        %get3A_633 = tpu.vector_load %arg16[%get3A_631, %get3A_632] {strides = array<i32>} : memref<96x128xf32, #tpu.memory_space<vmem>>, vector<16xf32>,
        %mul3A_634 = arith.mulf %get3A_633, %gather3A_602 : vector<16xf32>
        %swap3A_635 = arith.index_cast %scan3A_600 : i32 to index
        %swap3A_636 = arith.constant 64 : index
        %swap3A_637 = tpu.vector_load %arg16[%swap3A_635, %swap3A_636] {strides = array<i32>} : memref<96x128xf32, #tpu.memory_space<vmem>>, vector<16xf32>,
        tpu.vector_store %arg16[%swap3A_635, %swap3A_636], %mul3A_634 {strides = array<i32>} : memref<96x128xf32, #tpu.memory_space<vmem>>, vector<16xf32>,
        %get3A_638 = arith.index_cast %scan3A_600 : i32 to index
        %get3A_639 = arith.constant 80 : index
        %get3A_640 = tpu.vector_load %arg16[%get3A_638, %get3A_639] {strides = array<i32>} : memref<96x128xf32, #tpu.memory_space<vmem>>, vector<16xf32>,
        %mul3A_641 = arith.mulf %get3A_640, %gather3A_602 : vector<16xf32>
        %swap3A_642 = arith.index_cast %scan3A_600 : i32 to index
        %swap3A_643 = arith.constant 80 : index
        %swap3A_644 = tpu.vector_load %arg16[%swap3A_642, %swap3A_643] {strides = array<i32>} : memref<96x128xf32, #tpu.memory_space<vmem>>, vector<16xf32>,
        tpu.vector_store %arg16[%swap3A_642, %swap3A_643], %mul3A_641 {strides = array<i32>} : memref<96x128xf32, #tpu.memory_space<vmem>>, vector<16xf32>,
        %get3A_645 = arith.index_cast %scan3A_600 : i32 to index
        %get3A_646 = arith.constant 96 : index
        %get3A_647 = tpu.vector_load %arg16[%get3A_645, %get3A_646] {strides = array<i32>} : memref<96x128xf32, #tpu.memory_space<vmem>>, vector<16xf32>,
        %mul3A_648 = arith.mulf %get3A_647, %gather3A_602 : vector<16xf32>
        %swap3A_649 = arith.index_cast %scan3A_600 : i32 to index
        %swap3A_650 = arith.constant 96 : index
        %swap3A_651 = tpu.vector_load %arg16[%swap3A_649, %swap3A_650] {strides = array<i32>} : memref<96x128xf32, #tpu.memory_space<vmem>>, vector<16xf32>,
        tpu.vector_store %arg16[%swap3A_649, %swap3A_650], %mul3A_648 {strides = array<i32>} : memref<96x128xf32, #tpu.memory_space<vmem>>, vector<16xf32>,
        %get3A_652 = arith.index_cast %scan3A_600 : i32 to index
        %get3A_653 = arith.constant 112 : index
        %get3A_654 = tpu.vector_load %arg16[%get3A_652, %get3A_653] {strides = array<i32>} : memref<96x128xf32, #tpu.memory_space<vmem>>, vector<16xf32>,
        %mul3A_655 = arith.mulf %get3A_654, %gather3A_602 : vector<16xf32>
        %swap3A_656 = arith.index_cast %scan3A_600 : i32 to index
        %swap3A_657 = arith.constant 112 : index
        %swap3A_658 = tpu.vector_load %arg16[%swap3A_656, %swap3A_657] {strides = array<i32>} : memref<96x128xf32, #tpu.memory_space<vmem>>, vector<16xf32>,
        tpu.vector_store %arg16[%swap3A_656, %swap3A_657], %mul3A_655 {strides = array<i32>} : memref<96x128xf32, #tpu.memory_space<vmem>>, vector<16xf32>,
        %scan3A_659 = arith.constant 2 : i32
        %scan3A_660 = arith.addi %scan3A_540, %scan3A_659 : i32
        %broadcast_in_dim3A_661 = vector.broadcast %scan3A_660 : i32 to vector<16xi32>
        %gather3A_662 = tpu.vector_load_idx %arg10[%broadcast_in_dim3A_505, %broadcast_in_dim3A_661] : memref<3x96xf32, #tpu.memory_space<vmem>>[vector<16xi32>, vector<16xi32>], vector<16xf32>,
        %get3A_663 = arith.index_cast %scan3A_660 : i32 to index
        %get3A_664 = arith.constant 0 : index
        %get3A_665 = tpu.vector_load %arg16[%get3A_663, %get3A_664] {strides = array<i32>} : memref<96x128xf32, #tpu.memory_space<vmem>>, vector<16xf32>,
        %mul3A_666 = arith.mulf %get3A_665, %gather3A_662 : vector<16xf32>
        %swap3A_667 = arith.index_cast %scan3A_660 : i32 to index
        %swap3A_668 = arith.constant 0 : index
        %swap3A_669 = tpu.vector_load %arg16[%swap3A_667, %swap3A_668] {strides = array<i32>} : memref<96x128xf32, #tpu.memory_space<vmem>>, vector<16xf32>,
        tpu.vector_store %arg16[%swap3A_667, %swap3A_668], %mul3A_666 {strides = array<i32>} : memref<96x128xf32, #tpu.memory_space<vmem>>, vector<16xf32>,
        %get3A_670 = arith.index_cast %scan3A_660 : i32 to index
        %get3A_671 = arith.constant 16 : index
        %get3A_672 = tpu.vector_load %arg16[%get3A_670, %get3A_671] {strides = array<i32>} : memref<96x128xf32, #tpu.memory_space<vmem>>, vector<16xf32>,
        %mul3A_673 = arith.mulf %get3A_672, %gather3A_662 : vector<16xf32>
        %swap3A_674 = arith.index_cast %scan3A_660 : i32 to index
        %swap3A_675 = arith.constant 16 : index
        %swap3A_676 = tpu.vector_load %arg16[%swap3A_674, %swap3A_675] {strides = array<i32>} : memref<96x128xf32, #tpu.memory_space<vmem>>, vector<16xf32>,
        tpu.vector_store %arg16[%swap3A_674, %swap3A_675], %mul3A_673 {strides = array<i32>} : memref<96x128xf32, #tpu.memory_space<vmem>>, vector<16xf32>,
        %get3A_677 = arith.index_cast %scan3A_660 : i32 to index
        %get3A_678 = arith.constant 32 : index
        %get3A_679 = tpu.vector_load %arg16[%get3A_677, %get3A_678] {strides = array<i32>} : memref<96x128xf32, #tpu.memory_space<vmem>>, vector<16xf32>,
        %mul3A_680 = arith.mulf %get3A_679, %gather3A_662 : vector<16xf32>
        %swap3A_681 = arith.index_cast %scan3A_660 : i32 to index
        %swap3A_682 = arith.constant 32 : index
        %swap3A_683 = tpu.vector_load %arg16[%swap3A_681, %swap3A_682] {strides = array<i32>} : memref<96x128xf32, #tpu.memory_space<vmem>>, vector<16xf32>,
        tpu.vector_store %arg16[%swap3A_681, %swap3A_682], %mul3A_680 {strides = array<i32>} : memref<96x128xf32, #tpu.memory_space<vmem>>, vector<16xf32>,
        %get3A_684 = arith.index_cast %scan3A_660 : i32 to index
        %get3A_685 = arith.constant 48 : index
        %get3A_686 = tpu.vector_load %arg16[%get3A_684, %get3A_685] {strides = array<i32>} : memref<96x128xf32, #tpu.memory_space<vmem>>, vector<16xf32>,
        %mul3A_687 = arith.mulf %get3A_686, %gather3A_662 : vector<16xf32>
        %swap3A_688 = arith.index_cast %scan3A_660 : i32 to index
        %swap3A_689 = arith.constant 48 : index
        %swap3A_690 = tpu.vector_load %arg16[%swap3A_688, %swap3A_689] {strides = array<i32>} : memref<96x128xf32, #tpu.memory_space<vmem>>, vector<16xf32>,
        tpu.vector_store %arg16[%swap3A_688, %swap3A_689], %mul3A_687 {strides = array<i32>} : memref<96x128xf32, #tpu.memory_space<vmem>>, vector<16xf32>,
        %get3A_691 = arith.index_cast %scan3A_660 : i32 to index
        %get3A_692 = arith.constant 64 : index
        %get3A_693 = tpu.vector_load %arg16[%get3A_691, %get3A_692] {strides = array<i32>} : memref<96x128xf32, #tpu.memory_space<vmem>>, vector<16xf32>,
        %mul3A_694 = arith.mulf %get3A_693, %gather3A_662 : vector<16xf32>
        %swap3A_695 = arith.index_cast %scan3A_660 : i32 to index
        %swap3A_696 = arith.constant 64 : index
        %swap3A_697 = tpu.vector_load %arg16[%swap3A_695, %swap3A_696] {strides = array<i32>} : memref<96x128xf32, #tpu.memory_space<vmem>>, vector<16xf32>,
        tpu.vector_store %arg16[%swap3A_695, %swap3A_696], %mul3A_694 {strides = array<i32>} : memref<96x128xf32, #tpu.memory_space<vmem>>, vector<16xf32>,
        %get3A_698 = arith.index_cast %scan3A_660 : i32 to index
        %get3A_699 = arith.constant 80 : index
        %get3A_700 = tpu.vector_load %arg16[%get3A_698, %get3A_699] {strides = array<i32>} : memref<96x128xf32, #tpu.memory_space<vmem>>, vector<16xf32>,
        %mul3A_701 = arith.mulf %get3A_700, %gather3A_662 : vector<16xf32>
        %swap3A_702 = arith.index_cast %scan3A_660 : i32 to index
        %swap3A_703 = arith.constant 80 : index
        %swap3A_704 = tpu.vector_load %arg16[%swap3A_702, %swap3A_703] {strides = array<i32>} : memref<96x128xf32, #tpu.memory_space<vmem>>, vector<16xf32>,
        tpu.vector_store %arg16[%swap3A_702, %swap3A_703], %mul3A_701 {strides = array<i32>} : memref<96x128xf32, #tpu.memory_space<vmem>>, vector<16xf32>,
        %get3A_705 = arith.index_cast %scan3A_660 : i32 to index
        %get3A_706 = arith.constant 96 : index
        %get3A_707 = tpu.vector_load %arg16[%get3A_705, %get3A_706] {strides = array<i32>} : memref<96x128xf32, #tpu.memory_space<vmem>>, vector<16xf32>,
        %mul3A_708 = arith.mulf %get3A_707, %gather3A_662 : vector<16xf32>
        %swap3A_709 = arith.index_cast %scan3A_660 : i32 to index
        %swap3A_710 = arith.constant 96 : index
        %swap3A_711 = tpu.vector_load %arg16[%swap3A_709, %swap3A_710] {strides = array<i32>} : memref<96x128xf32, #tpu.memory_space<vmem>>, vector<16xf32>,
        tpu.vector_store %arg16[%swap3A_709, %swap3A_710], %mul3A_708 {strides = array<i32>} : memref<96x128xf32, #tpu.memory_space<vmem>>, vector<16xf32>,
        %get3A_712 = arith.index_cast %scan3A_660 : i32 to index
        %get3A_713 = arith.constant 112 : index
        %get3A_714 = tpu.vector_load %arg16[%get3A_712, %get3A_713] {strides = array<i32>} : memref<96x128xf32, #tpu.memory_space<vmem>>, vector<16xf32>,
        %mul3A_715 = arith.mulf %get3A_714, %gather3A_662 : vector<16xf32>
        %swap3A_716 = arith.index_cast %scan3A_660 : i32 to index
        %swap3A_717 = arith.constant 112 : index
        %swap3A_718 = tpu.vector_load %arg16[%swap3A_716, %swap3A_717] {strides = array<i32>} : memref<96x128xf32, #tpu.memory_space<vmem>>, vector<16xf32>,
        tpu.vector_store %arg16[%swap3A_716, %swap3A_717], %mul3A_715 {strides = array<i32>} : memref<96x128xf32, #tpu.memory_space<vmem>>, vector<16xf32>,
        %scan3A_719 = arith.constant 3 : i32
        %scan3A_720 = arith.addi %scan3A_540, %scan3A_719 : i32
        %broadcast_in_dim3A_721 = vector.broadcast %scan3A_720 : i32 to vector<16xi32>
        %gather3A_722 = tpu.vector_load_idx %arg10[%broadcast_in_dim3A_505, %broadcast_in_dim3A_721] : memref<3x96xf32, #tpu.memory_space<vmem>>[vector<16xi32>, vector<16xi32>], vector<16xf32>,
        %get3A_723 = arith.index_cast %scan3A_720 : i32 to index
        %get3A_724 = arith.constant 0 : index
        %get3A_725 = tpu.vector_load %arg16[%get3A_723, %get3A_724] {strides = array<i32>} : memref<96x128xf32, #tpu.memory_space<vmem>>, vector<16xf32>,
        %mul3A_726 = arith.mulf %get3A_725, %gather3A_722 : vector<16xf32>
        %swap3A_727 = arith.index_cast %scan3A_720 : i32 to index
        %swap3A_728 = arith.constant 0 : index
        %swap3A_729 = tpu.vector_load %arg16[%swap3A_727, %swap3A_728] {strides = array<i32>} : memref<96x128xf32, #tpu.memory_space<vmem>>, vector<16xf32>,
        tpu.vector_store %arg16[%swap3A_727, %swap3A_728], %mul3A_726 {strides = array<i32>} : memref<96x128xf32, #tpu.memory_space<vmem>>, vector<16xf32>,
        %get3A_730 = arith.index_cast %scan3A_720 : i32 to index
        %get3A_731 = arith.constant 16 : index
        %get3A_732 = tpu.vector_load %arg16[%get3A_730, %get3A_731] {strides = array<i32>} : memref<96x128xf32, #tpu.memory_space<vmem>>, vector<16xf32>,
        %mul3A_733 = arith.mulf %get3A_732, %gather3A_722 : vector<16xf32>
        %swap3A_734 = arith.index_cast %scan3A_720 : i32 to index
        %swap3A_735 = arith.constant 16 : index
        %swap3A_736 = tpu.vector_load %arg16[%swap3A_734, %swap3A_735] {strides = array<i32>} : memref<96x128xf32, #tpu.memory_space<vmem>>, vector<16xf32>,
        tpu.vector_store %arg16[%swap3A_734, %swap3A_735], %mul3A_733 {strides = array<i32>} : memref<96x128xf32, #tpu.memory_space<vmem>>, vector<16xf32>,
        %get3A_737 = arith.index_cast %scan3A_720 : i32 to index
        %get3A_738 = arith.constant 32 : index
        %get3A_739 = tpu.vector_load %arg16[%get3A_737, %get3A_738] {strides = array<i32>} : memref<96x128xf32, #tpu.memory_space<vmem>>, vector<16xf32>,
        %mul3A_740 = arith.mulf %get3A_739, %gather3A_722 : vector<16xf32>
        %swap3A_741 = arith.index_cast %scan3A_720 : i32 to index
        %swap3A_742 = arith.constant 32 : index
        %swap3A_743 = tpu.vector_load %arg16[%swap3A_741, %swap3A_742] {strides = array<i32>} : memref<96x128xf32, #tpu.memory_space<vmem>>, vector<16xf32>,
        tpu.vector_store %arg16[%swap3A_741, %swap3A_742], %mul3A_740 {strides = array<i32>} : memref<96x128xf32, #tpu.memory_space<vmem>>, vector<16xf32>,
        %get3A_744 = arith.index_cast %scan3A_720 : i32 to index
        %get3A_745 = arith.constant 48 : index
        %get3A_746 = tpu.vector_load %arg16[%get3A_744, %get3A_745] {strides = array<i32>} : memref<96x128xf32, #tpu.memory_space<vmem>>, vector<16xf32>,
        %mul3A_747 = arith.mulf %get3A_746, %gather3A_722 : vector<16xf32>
        %swap3A_748 = arith.index_cast %scan3A_720 : i32 to index
        %swap3A_749 = arith.constant 48 : index
        %swap3A_750 = tpu.vector_load %arg16[%swap3A_748, %swap3A_749] {strides = array<i32>} : memref<96x128xf32, #tpu.memory_space<vmem>>, vector<16xf32>,
        tpu.vector_store %arg16[%swap3A_748, %swap3A_749], %mul3A_747 {strides = array<i32>} : memref<96x128xf32, #tpu.memory_space<vmem>>, vector<16xf32>,
        %get3A_751 = arith.index_cast %scan3A_720 : i32 to index
        %get3A_752 = arith.constant 64 : index
        %get3A_753 = tpu.vector_load %arg16[%get3A_751, %get3A_752] {strides = array<i32>} : memref<96x128xf32, #tpu.memory_space<vmem>>, vector<16xf32>,
        %mul3A_754 = arith.mulf %get3A_753, %gather3A_722 : vector<16xf32>
        %swap3A_755 = arith.index_cast %scan3A_720 : i32 to index
        %swap3A_756 = arith.constant 64 : index
        %swap3A_757 = tpu.vector_load %arg16[%swap3A_755, %swap3A_756] {strides = array<i32>} : memref<96x128xf32, #tpu.memory_space<vmem>>, vector<16xf32>,
        tpu.vector_store %arg16[%swap3A_755, %swap3A_756], %mul3A_754 {strides = array<i32>} : memref<96x128xf32, #tpu.memory_space<vmem>>, vector<16xf32>,
        %get3A_758 = arith.index_cast %scan3A_720 : i32 to index
        %get3A_759 = arith.constant 80 : index
        %get3A_760 = tpu.vector_load %arg16[%get3A_758, %get3A_759] {strides = array<i32>} : memref<96x128xf32, #tpu.memory_space<vmem>>, vector<16xf32>,
        %mul3A_761 = arith.mulf %get3A_760, %gather3A_722 : vector<16xf32>
        %swap3A_762 = arith.index_cast %scan3A_720 : i32 to index
        %swap3A_763 = arith.constant 80 : index
        %swap3A_764 = tpu.vector_load %arg16[%swap3A_762, %swap3A_763] {strides = array<i32>} : memref<96x128xf32, #tpu.memory_space<vmem>>, vector<16xf32>,
        tpu.vector_store %arg16[%swap3A_762, %swap3A_763], %mul3A_761 {strides = array<i32>} : memref<96x128xf32, #tpu.memory_space<vmem>>, vector<16xf32>,
        %get3A_765 = arith.index_cast %scan3A_720 : i32 to index
        %get3A_766 = arith.constant 96 : index
        %get3A_767 = tpu.vector_load %arg16[%get3A_765, %get3A_766] {strides = array<i32>} : memref<96x128xf32, #tpu.memory_space<vmem>>, vector<16xf32>,
        %mul3A_768 = arith.mulf %get3A_767, %gather3A_722 : vector<16xf32>
        %swap3A_769 = arith.index_cast %scan3A_720 : i32 to index
        %swap3A_770 = arith.constant 96 : index
        %swap3A_771 = tpu.vector_load %arg16[%swap3A_769, %swap3A_770] {strides = array<i32>} : memref<96x128xf32, #tpu.memory_space<vmem>>, vector<16xf32>,
        tpu.vector_store %arg16[%swap3A_769, %swap3A_770], %mul3A_768 {strides = array<i32>} : memref<96x128xf32, #tpu.memory_space<vmem>>, vector<16xf32>,
        %get3A_772 = arith.index_cast %scan3A_720 : i32 to index
        %get3A_773 = arith.constant 112 : index
        %get3A_774 = tpu.vector_load %arg16[%get3A_772, %get3A_773] {strides = array<i32>} : memref<96x128xf32, #tpu.memory_space<vmem>>, vector<16xf32>,
        %mul3A_775 = arith.mulf %get3A_774, %gather3A_722 : vector<16xf32>
        %swap3A_776 = arith.index_cast %scan3A_720 : i32 to index
        %swap3A_777 = arith.constant 112 : index
        %swap3A_778 = tpu.vector_load %arg16[%swap3A_776, %swap3A_777] {strides = array<i32>} : memref<96x128xf32, #tpu.memory_space<vmem>>, vector<16xf32>,
        tpu.vector_store %arg16[%swap3A_776, %swap3A_777], %mul3A_775 {strides = array<i32>} : memref<96x128xf32, #tpu.memory_space<vmem>>, vector<16xf32>,
      }
      %scan3A_511 = arith.constant 96 : i32
      %dma_start3A_512 = arith.constant 2 : i32
      %dma_start3A_513 = arith.constant 0 : i32
      %dma_start3A_514 = tpu.memref_slice %arg9[%dma_start3A_512, %dma_start3A_513] : memref<3x96xi32, #tpu.memory_space<vmem>> -> memref<1x96xi32, #tpu.memory_space<vmem>>
      %dma_start3A_515 = tpu.memref_squeeze %dma_start3A_514 : memref<1x96xi32, #tpu.memory_space<vmem>> -> memref<96xi32, #tpu.memory_space<vmem>>
      %dma_start3A_516 = arith.constant 0 : i32
      %dma_start3A_517 = arith.constant 0 : i32
      %dma_start3A_518 = tpu.memref_slice %arg13[%dma_start3A_516, %dma_start3A_517] : memref<10112x128xf32, #tpu.memory_space<vmem_shared>> -> memref<10112x128xf32, #tpu.memory_space<vmem_shared>>
      tpu.enqueue_indirect_dma source(%arg16 : memref<96x128xf32, #tpu.memory_space<vmem>>) target(%dma_start3A_518 : memref<10112x128xf32, #tpu.memory_space<vmem_shared>>) offsets(%dma_start3A_515 : memref<96xi32, #tpu.memory_space<vmem>>) semaphore(%arg22 : memref<!tpu.dma_semaphore, #tpu.memory_space<semaphore_mem>>) {add = true}
      %dma_wait3A_519 = arith.constant 0 : i32
      %dma_wait3A_520 = arith.constant 0 : i32
      %dma_wait3A_521 = tpu.memref_slice %arg9[%dma_wait3A_519, %dma_wait3A_520] : memref<3x96xi32, #tpu.memory_space<vmem>> -> memref<1x96xi32, #tpu.memory_space<vmem>>
      %dma_wait3A_522 = tpu.memref_squeeze %dma_wait3A_521 : memref<1x96xi32, #tpu.memory_space<vmem>> -> memref<96xi32, #tpu.memory_space<vmem>>
      %dma_wait3A_523 = arith.constant 0 : i32
      %dma_wait3A_524 = arith.constant 0 : i32
      %dma_wait3A_525 = tpu.memref_slice %arg13[%dma_wait3A_523, %dma_wait3A_524] : memref<10112x128xf32, #tpu.memory_space<vmem_shared>> -> memref<10112x128xf32, #tpu.memory_space<vmem_shared>>
      tpu.wait_indirect_dma semaphore(%arg20 : memref<!tpu.dma_semaphore, #tpu.memory_space<semaphore_mem>>) src(%arg14 : memref<96x128xf32, #tpu.memory_space<vmem>>) dst(%dma_wait3A_525 : memref<10112x128xf32, #tpu.memory_space<vmem_shared>>)
      %dma_wait3A_526 = arith.constant 1 : i32
      %dma_wait3A_527 = arith.constant 0 : i32
      %dma_wait3A_528 = tpu.memref_slice %arg9[%dma_wait3A_526, %dma_wait3A_527] : memref<3x96xi32, #tpu.memory_space<vmem>> -> memref<1x96xi32, #tpu.memory_space<vmem>>
      %dma_wait3A_529 = tpu.memref_squeeze %dma_wait3A_528 : memref<1x96xi32, #tpu.memory_space<vmem>> -> memref<96xi32, #tpu.memory_space<vmem>>
      %dma_wait3A_530 = arith.constant 0 : i32
      %dma_wait3A_531 = arith.constant 0 : i32
      %dma_wait3A_532 = tpu.memref_slice %arg13[%dma_wait3A_530, %dma_wait3A_531] : memref<10112x128xf32, #tpu.memory_space<vmem_shared>> -> memref<10112x128xf32, #tpu.memory_space<vmem_shared>>
      tpu.wait_indirect_dma semaphore(%arg21 : memref<!tpu.dma_semaphore, #tpu.memory_space<semaphore_mem>>) src(%arg15 : memref<96x128xf32, #tpu.memory_space<vmem>>) dst(%dma_wait3A_532 : memref<10112x128xf32, #tpu.memory_space<vmem_shared>>)
      %dma_wait3A_533 = arith.constant 2 : i32
      %dma_wait3A_534 = arith.constant 0 : i32
      %dma_wait3A_535 = tpu.memref_slice %arg9[%dma_wait3A_533, %dma_wait3A_534] : memref<3x96xi32, #tpu.memory_space<vmem>> -> memref<1x96xi32, #tpu.memory_space<vmem>>
      %dma_wait3A_536 = tpu.memref_squeeze %dma_wait3A_535 : memref<1x96xi32, #tpu.memory_space<vmem>> -> memref<96xi32, #tpu.memory_space<vmem>>
      %dma_wait3A_537 = arith.constant 0 : i32
      %dma_wait3A_538 = arith.constant 0 : i32
      %dma_wait3A_539 = tpu.memref_slice %arg13[%dma_wait3A_537, %dma_wait3A_538] : memref<10112x128xf32, #tpu.memory_space<vmem_shared>> -> memref<10112x128xf32, #tpu.memory_space<vmem_shared>>
      tpu.wait_indirect_dma semaphore(%arg22 : memref<!tpu.dma_semaphore, #tpu.memory_space<semaphore_mem>>) src(%arg16 : memref<96x128xf32, #tpu.memory_space<vmem>>) dst(%dma_wait3A_539 : memref<10112x128xf32, #tpu.memory_space<vmem_shared>>)
    }
    %scan3A_64 = arith.constant 36 : i32
    %barrier3A_65 = arith.constant 0 : index
    tpu.barrier barrier_id(%barrier3A_65)
    %eq3A = arith.constant 0 : i32
    %eq3A_66 = arith.cmpi eq, %arg0, %eq3A : i32
    %convert_element_type3A = arith.extui %eq3A_66 : i1 to i32
    %cond3A = arith.constant 0 : i32
    %cond3A_67 = arith.cmpi ne, %convert_element_type3A, %cond3A : i32
    scf.if %cond3A_67 {
      "tpu.region"() ({
        %run_scoped3A_73 = tpu.sem_alloc : memref<!tpu.dma_semaphore, #tpu.memory_space<semaphore_mem>>
        %dma_start3A = arith.constant 0 : i32
        %dma_start3A_74 = tpu.memref_slice %arg6[%mul3A_2, %dma_start3A] : memref<10112x128xf32, #tpu.memory_space<hbm>> -> memref<632x128xf32, #tpu.memory_space<hbm>>
        %dma_start3A_75 = arith.constant 0 : i32
        %dma_start3A_76 = tpu.memref_slice %arg13[%mul3A_2, %dma_start3A_75] : memref<10112x128xf32, #tpu.memory_space<vmem_shared>> -> memref<632x128xf32, #tpu.memory_space<vmem_shared>>
        tpu.enqueue_dma source(%dma_start3A_76 : memref<632x128xf32, #tpu.memory_space<vmem_shared>>) target(%dma_start3A_74 : memref<632x128xf32, #tpu.memory_space<hbm>>) target_semaphore(%run_scoped3A_73 : memref<!tpu.dma_semaphore, #tpu.memory_space<semaphore_mem>>)
        %dma_wait3A = arith.constant 0 : i32
        %dma_wait3A_77 = tpu.memref_slice %arg6[%mul3A_2, %dma_wait3A] : memref<10112x128xf32, #tpu.memory_space<hbm>> -> memref<632x128xf32, #tpu.memory_space<hbm>>
        %dma_wait3A_78 = arith.constant 0 : i32
        %dma_wait3A_79 = tpu.memref_slice %arg13[%mul3A_2, %dma_wait3A_78] : memref<10112x128xf32, #tpu.memory_space<vmem_shared>> -> memref<632x128xf32, #tpu.memory_space<vmem_shared>>
        tpu.wait_dma2 semaphore(%run_scoped3A_73 : memref<!tpu.dma_semaphore, #tpu.memory_space<semaphore_mem>>) src(%dma_wait3A_79 : memref<632x128xf32, #tpu.memory_space<vmem_shared>>) dst(%dma_wait3A_77 : memref<632x128xf32, #tpu.memory_space<hbm>>)
        tpu.yield
      }) : () -> ()
    } else {
    }
    %eq3A_68 = arith.constant 1 : i32
    %eq3A_69 = arith.cmpi eq, %arg0, %eq3A_68 : i32
    %convert_element_type3A_70 = arith.extui %eq3A_69 : i1 to i32
    %cond3A_71 = arith.constant 0 : i32
    %cond3A_72 = arith.cmpi ne, %convert_element_type3A_70, %cond3A_71 : i32
    scf.if %cond3A_72 {
      "tpu.region"() ({
        %run_scoped3A_73 = tpu.sem_alloc : memref<!tpu.dma_semaphore, #tpu.memory_space<semaphore_mem>>
        %dma_start3A = arith.constant 0 : i32
        %dma_start3A_74 = tpu.memref_slice %arg7[%mul3A_2, %dma_start3A] : memref<10112x128xf32, #tpu.memory_space<hbm>> -> memref<632x128xf32, #tpu.memory_space<hbm>>
        %dma_start3A_75 = arith.constant 0 : i32
        %dma_start3A_76 = tpu.memref_slice %arg13[%mul3A_2, %dma_start3A_75] : memref<10112x128xf32, #tpu.memory_space<vmem_shared>> -> memref<632x128xf32, #tpu.memory_space<vmem_shared>>
        tpu.enqueue_dma source(%dma_start3A_76 : memref<632x128xf32, #tpu.memory_space<vmem_shared>>) target(%dma_start3A_74 : memref<632x128xf32, #tpu.memory_space<hbm>>) target_semaphore(%run_scoped3A_73 : memref<!tpu.dma_semaphore, #tpu.memory_space<semaphore_mem>>)
        %dma_wait3A = arith.constant 0 : i32
        %dma_wait3A_77 = tpu.memref_slice %arg7[%mul3A_2, %dma_wait3A] : memref<10112x128xf32, #tpu.memory_space<hbm>> -> memref<632x128xf32, #tpu.memory_space<hbm>>
        %dma_wait3A_78 = arith.constant 0 : i32
        %dma_wait3A_79 = tpu.memref_slice %arg13[%mul3A_2, %dma_wait3A_78] : memref<10112x128xf32, #tpu.memory_space<vmem_shared>> -> memref<632x128xf32, #tpu.memory_space<vmem_shared>>
        tpu.wait_dma2 semaphore(%run_scoped3A_73 : memref<!tpu.dma_semaphore, #tpu.memory_space<semaphore_mem>>) src(%dma_wait3A_79 : memref<632x128xf32, #tpu.memory_space<vmem_shared>>) dst(%dma_wait3A_77 : memref<632x128xf32, #tpu.memory_space<hbm>>)
        tpu.yield
      }) : () -> ()
    } else {
    }
    return
  }
}

module attributes {stable_mosaic.version = 14 : i64} {
  func.func @_lambda_(%arg0: i32, %arg1: memref<632x128xf32, #tpu.memory_space<vmem>>, %arg2: memref<128x128xf32, #tpu.memory_space<vmem>>, %arg3: memref<632x128xf32, #tpu.memory_space<vmem>>) attributes {dimension_semantics = [#tpu.dimension_semantics<arbitrary>], iteration_bounds = array<i64: 16>, scalar_prefetch = 0 : i64, scratch_operands = 0 : i64, tpu.core_type = #tpu.core_type<tc>, window_params = [{transform_indices = @transform_0, window_bounds = array<i64: 632, 128>}, {pipeline_mode = #tpu.pipeline_mode<synchronous>, transform_indices = @transform_1, window_bounds = array<i64: 128, 128>}, {transform_indices = @transform_2, window_bounds = array<i64: 632, 128>}]} {
    %get3A = arith.constant 0 : index
    %get3A_0 = arith.constant 0 : index
    %get3A_1 = vector.load %arg1[%get3A, %get3A_0] : memref<632x128xf32, #tpu.memory_space<vmem>>, vector<632x128xf32>
    %get3A_2 = arith.constant 0 : index
    %get3A_3 = arith.constant 0 : index
    %get3A_4 = vector.load %arg2[%get3A_2, %get3A_3] : memref<128x128xf32, #tpu.memory_space<vmem>>, vector<128x128xf32>
    %dot_general3A = arith.constant dense<0.000000e+00> : vector<632x128xf32>
    %dot_general3A_5 = tpu.matmul %get3A_1, %get3A_4, %dot_general3A {dimension_numbers = #tpu.dot_dimension_numbers<[1], [0], [0], [1], [0, 0, 1, 1], [], []>, transpose_lhs_hint = false} : vector<632x128xf32>, vector<128x128xf32>, vector<632x128xf32> -> vector<632x128xf32>
    %swap3A = arith.constant 0 : index
    %swap3A_6 = arith.constant 0 : index
    %swap3A_7 = vector.load %arg3[%swap3A, %swap3A_6] : memref<632x128xf32, #tpu.memory_space<vmem>>, vector<632x128xf32>
    tpu.vector_store %arg3[%swap3A, %swap3A_6], %dot_general3A_5 {strides = array<i32>} : memref<632x128xf32, #tpu.memory_space<vmem>>, vector<632x128xf32>,
    return
  }
  func.func @transform_0(%arg0: i32) -> (i32, i32) {
    %c0_i32 = arith.constant 0 : i32
    %c0_i32_0 = arith.constant 0 : i32
    return %arg0, %c0_i32 : i32, i32
  }
  func.func @transform_1(%arg0: i32) -> (i32, i32) {
    %c0_i32 = arith.constant 0 : i32
    %c0_i32_0 = arith.constant 0 : i32
    %c0_i32_1 = arith.constant 0 : i32
    return %c0_i32, %c0_i32_0 : i32, i32
  }
  func.func @transform_2(%arg0: i32) -> (i32, i32) {
    %c0_i32 = arith.constant 0 : i32
    %c0_i32_0 = arith.constant 0 : i32
    return %arg0, %c0_i32 : i32, i32
  }
}

module attributes {stable_mosaic.version = 14 : i64} {
  func.func @_lambda_(%arg0: i32, %arg1: memref<80x128xf32, #tpu.memory_space<vmem>>, %arg2: memref<80x128xf32, #tpu.memory_space<vmem>>, %arg3: memref<1x128xf32, #tpu.memory_space<vmem>>, %arg4: memref<80x128xf32, #tpu.memory_space<vmem>>) attributes {dimension_semantics = [#tpu.dimension_semantics<arbitrary>], iteration_bounds = array<i64: 125>, scalar_prefetch = 0 : i64, scratch_operands = 0 : i64, tpu.core_type = #tpu.core_type<tc>, window_params = [{transform_indices = @transform_0, window_bounds = array<i64: 80, 128>}, {transform_indices = @transform_1, window_bounds = array<i64: 80, 128>}, {pipeline_mode = #tpu.pipeline_mode<synchronous>, transform_indices = @transform_2, window_bounds = array<i64: 1, 128>}, {transform_indices = @transform_3, window_bounds = array<i64: 80, 128>}]} {
    %get3A = arith.constant 0 : index
    %get3A_0 = arith.constant 0 : index
    %get3A_1 = vector.load %arg1[%get3A, %get3A_0] : memref<80x128xf32, #tpu.memory_space<vmem>>, vector<80x128xf32>
    %get3A_2 = arith.constant 0 : index
    %get3A_3 = arith.constant 0 : index
    %get3A_4 = vector.load %arg2[%get3A_2, %get3A_3] : memref<80x128xf32, #tpu.memory_space<vmem>>, vector<80x128xf32>
    %add3A = arith.addf %get3A_1, %get3A_4 : vector<80x128xf32>
    %get3A_5 = arith.constant 0 : index
    %get3A_6 = arith.constant 0 : index
    %get3A_7 = vector.load %arg3[%get3A_5, %get3A_6] : memref<1x128xf32, #tpu.memory_space<vmem>>, vector<1x128xf32>
    %add3A_8 = vector.broadcast %get3A_7 : vector<1x128xf32> to vector<80x128xf32>
    %add3A_9 = arith.addf %add3A, %add3A_8 : vector<80x128xf32>
    %swap3A = arith.constant 0 : index
    %swap3A_10 = arith.constant 0 : index
    %swap3A_11 = vector.load %arg4[%swap3A, %swap3A_10] : memref<80x128xf32, #tpu.memory_space<vmem>>, vector<80x128xf32>
    tpu.vector_store %arg4[%swap3A, %swap3A_10], %add3A_9 {strides = array<i32>} : memref<80x128xf32, #tpu.memory_space<vmem>>, vector<80x128xf32>,
    return
  }
  func.func @transform_0(%arg0: i32) -> (i32, i32) {
    %c0_i32 = arith.constant 0 : i32
    %c0_i32_0 = arith.constant 0 : i32
    return %arg0, %c0_i32 : i32, i32
  }
  func.func @transform_1(%arg0: i32) -> (i32, i32) {
    %c0_i32 = arith.constant 0 : i32
    %c0_i32_0 = arith.constant 0 : i32
    return %arg0, %c0_i32 : i32, i32
  }
  func.func @transform_2(%arg0: i32) -> (i32, i32) {
    %c0_i32 = arith.constant 0 : i32
    %c0_i32_0 = arith.constant 0 : i32
    %c0_i32_1 = arith.constant 0 : i32
    return %c0_i32, %c0_i32_0 : i32, i32
  }
  func.func @transform_3(%arg0: i32) -> (i32, i32) {
    %c0_i32 = arith.constant 0 : i32
    %c0_i32_0 = arith.constant 0 : i32
    return %arg0, %c0_i32 : i32, i32
  }
}

</mosaic_0001>

<sc_bundles>
// kernel: kernel.5.cloned.1.call-start
scs
__scs_entry_jumppad:
0x0: {  	(pc) =	sbr.rel $0x88, $3  }
0x1: {  	(tag) =	ssettag $0x0;
	lr =	simm.s32 $0x1  }
0x2: {  	[smem:$0x3F9C] =	sst lr;
	_ =	strace $0xD0000000  }
0x3: {  	_ = 	snop  }
0x4: {  	_ = 	snop  }
0x5: {  	_ = 	snop  }
0x6: {  	_ = 	snop  }
0x7: {  	_ = 	snop  }
__scs_overlays_trampoline_lowered:
0x8: {  	[smem:$0x3FAB] =	sst s0  }
0x9: {  	[smem:$0x3FAC] =	sst s1  }
0xa: {  	[smem:$0x3FAD] =	sst s2  }
0xb: {  	[smem:$0x3FAE] =	sst s3  }
0xc: {  	[smem:$0x3FAF] =	sst s4  }
0xd: {  	[smem:$0x3FB0] =	sst s5  }
0xe: {  	[smem:$0x3FB1] =	sst s6  }
0xf: {  	[smem:$0x3FB2] =	sst s7  }
0x10: {  	[smem:$0x3FB3] =	sst s8  }
0x11: {  	[smem:$0x3FB4] =	sst s9;
	s0 =	simm.s32 @!p0 $0x0  }
0x12: {  	s1 =	sld [smem:$0x3F9A];
	s0 =	simm.s32 @p0 $0x1  }
0x13: {  	[smem:$0x3FB5] =	sst s0;
	s0 =	simm.s32 @!p1 $0x0  }
0x14: {  	s2 =	sld [smem:$0x3F99];
	s0 =	simm.s32 @p1 $0x1  }
0x15: {  	[smem:$0x3FB6] =	sst s0;
	s0 =	simm.s32 @!p2 $0x0  }
0x16: {  	s3 =	sld [smem:$0x3FDB];
	s0 =	simm.s32 @p2 $0x1  }
0x17: {  	s4 =	simm.s32 $0x1BF5;
	[smem:$0x3FB8] =	sst s0  }
0x18: {  	s0 =	sld [smem:$0x3F9B];
	_ =	swait.ge [sflag:s4], $0x0  }
0x19: {  	s7 =	sld [smem:$0x3F9C]  }
0x1a: {  	s8 =	sadd.s32 $0xFFFFE003, lr  }
0x1b: {  	s9 =	sadd.s32 $0xFFFFFEF7, lr;
	s5 =	simm.s32 $0xFFFFFFFF;
	p2 =	slt.u32 s8, $0xFFFFF086  }
0x1c: {  	p1 =	slt.u32 s9, $0xF7A;
	s5 =	simm.s32 @!p2 $0x0  }
0x1d: {  	s5 =	simm.s32 @p1 $0x1;
	p0 =	seq.s32 s7, s2  }
0x1e: {  	s7 =	smul.u32 @!p0 $0xF7A, s2;
	p2 =	seq.s32 @!p0 s5, $0x0  }
0x1f: {  	s9 =	smul.u32 $0xF7A, s1;
	s8 =	simm.s32 @!p0 $0x1BF5;
	p2 =	por !p2, p0  }
0x20: {  	[sflag:s8] =	ssyncset.s32 @!p0 $0xFFFFF086;
	s6 =	sadd.s32 @!p0 s3, s7;
	s7 =	simm.s32 @!p0 $0x108  }
0x21: {  	s3 =	sadd.s32 s3, s9;
	s6 =	sadd.s32 @!p0 $0x88, s6;
	s7 =	simm.s32 @p2 $0x1082  }
0x22: {  	[simem:s7], [sflag:s8] =	dma.local @!p0 [hbm:s6], $0xF7A  }
0x23: {  	s9 =	sor.u32 $0xD0000000, s2;
	s6 =	simm.s32 $0x108;
	_ =	swait.ge @!p0 [sflag:s8], $0x0  }
0x24: {  	s3 =	sadd.s32 $0x88, s3;
	s6 =	simm.s32 @!p1 $0x1082;
	[sflag:s4] =	ssyncset.s32 $0xFFFFF086  }
0x25: {  	[simem:s6], [sflag:s4] =	dma.local [hbm:s3], $0xF7A  }
0x26: {  	[smem:$0x3F9C] =	sst s1;
	(tag) =	ssettag s2;
	_ =	strace s9  }
0x27: {  	s1 =	sld [smem:$0x3FAC]  }
0x28: {  	s2 =	sld [smem:$0x3FAD]  }
0x29: {  	s4 =	sld [smem:$0x3FAF]  }
0x2a: {  	p0 =	seq.s32 s5, $0x0;
	s5 =	sld [smem:$0x3FB0]  }
0x2b: {  	s6 =	sld [smem:$0x3FB1]  }
0x2c: {  	s7 =	sld [smem:$0x3FB2]  }
0x2d: {  	s3 =	simm.s32 $0x108;
	s8 =	sld [smem:$0x3FB3]  }
0x2e: {  	s3 =	simm.s32 @!p0 $0x1082;
	s9 =	sld [smem:$0x3FB4]  }
0x2f: {  	lr =	sadd.s32 s0, s3;
	s0 =	sld [smem:$0x3FAB]  }
0x30: {  	s3 =	sld [smem:$0x3FAE]  }
0x31: {  	[smem:$0x3FB7] =	sst s10  }
0x32: {  	s10 =	sld [smem:$0x3FB5];
	_ =	sdelay $0x3  }
0x33: {  	p0 =	seq.s32 s10, $0x1;
	s10 =	sld [smem:$0x3FB7];
	_ =	sdelay $0x3  }
0x34: {  	[smem:$0x3FB7] =	sst s10  }
0x35: {  	s10 =	sld [smem:$0x3FB6];
	_ =	sdelay $0x3  }
0x36: {  	p1 =	seq.s32 s10, $0x1;
	s10 =	sld [smem:$0x3FB7];
	_ =	sdelay $0x3  }
0x37: {  	[smem:$0x3FB7] =	sst s10  }
0x38: {  	s10 =	sld [smem:$0x3FB8]  }
0x39: {  	_ = 	snop;
	(pc) =	sbr.ind lr, $3  }
0x3a: {  	_ = 	snop  }
0x3b: {  	_ = 	snop  }
0x3c: {  	p2 =	seq.s32 s10, $0x1;
	s10 =	sld [smem:$0x3FB7]  }
0x3d: {  	_ =	shalt  }
0x3e: {  	_ =	shalt  }
0x3f: {  	_ =	shalt  }
0x40: {  	_ =	shalt  }
0x41: {  	_ =	shalt  }
0x42: {  	_ =	shalt  }
0x43: {  	_ =	shalt  }
0x44: {  	_ =	shalt  }
0x45: {  	_ =	shalt  }
0x46: {  	_ =	shalt  }
0x47: {  	_ =	shalt  }
0x48: {  	_ =	shalt  }
0x49: {  	_ =	shalt  }
0x4a: {  	_ =	shalt  }
0x4b: {  	_ =	shalt  }
0x4c: {  	_ =	shalt  }
0x4d: {  	_ =	shalt  }
0x4e: {  	_ =	shalt  }
0x4f: {  	_ =	shalt  }
0x50: {  	_ =	shalt  }
0x51: {  	_ =	shalt  }
0x52: {  	_ =	shalt  }
0x53: {  	_ =	shalt  }
0x54: {  	_ =	shalt  }
0x55: {  	_ =	shalt  }
0x56: {  	_ =	shalt  }
0x57: {  	_ =	shalt  }
0x58: {  	_ =	shalt  }
0x59: {  	_ =	shalt  }
0x5a: {  	_ =	shalt  }
0x5b: {  	_ =	shalt  }
0x5c: {  	_ =	shalt  }
0x5d: {  	_ =	shalt  }
0x5e: {  	_ =	shalt  }
0x5f: {  	_ =	shalt  }
0x60: {  	_ =	shalt  }
0x61: {  	_ =	shalt  }
0x62: {  	_ =	shalt  }
0x63: {  	_ =	shalt  }
0x64: {  	_ =	shalt  }
0x65: {  	_ =	shalt  }
0x66: {  	_ =	shalt  }
0x67: {  	_ =	shalt  }
0x68: {  	_ =	shalt  }
0x69: {  	_ =	shalt  }
0x6a: {  	_ =	shalt  }
0x6b: {  	_ =	shalt  }
0x6c: {  	_ =	shalt  }
0x6d: {  	_ =	shalt  }
0x6e: {  	_ =	shalt  }
0x6f: {  	_ =	shalt  }
0x70: {  	_ =	shalt  }
0x71: {  	_ =	shalt  }
0x72: {  	_ =	shalt  }
0x73: {  	_ =	shalt  }
0x74: {  	_ =	shalt  }
0x75: {  	_ =	shalt  }
0x76: {  	_ =	shalt  }
0x77: {  	_ =	shalt  }
0x78: {  	_ =	shalt  }
0x79: {  	_ =	shalt  }
0x7a: {  	_ =	shalt  }
0x7b: {  	_ =	shalt  }
0x7c: {  	_ =	shalt  }
0x7d: {  	_ =	shalt  }
0x7e: {  	_ =	shalt  }
0x7f: {  	_ =	shalt  }
0x80: {  	_ =	shalt  }
0x81: {  	_ =	shalt  }
0x82: {  	_ =	shalt  }
0x83: {  	_ =	shalt  }
0x84: {  	_ =	shalt  }
0x85: {  	_ =	shalt  }
0x86: {  	_ =	shalt  }
0x87: {  	_ =	shalt  }
.Lfunc_end0:
.L_simem_size_0:
called_computation_lowered:
.L_overlay_start_0:
0x88: {  	s2 =	sld [smem:$0x3FD9]  }
0x89: {  	s3 =	sld [smem:$0x3FFE];
	_ =	sdelay $0x1  }
0x8a: {  	s1 =	srdreg.scid  }
0x8b: {  	s0 =	sand.u32 $0x1, s1  }
0x8c: {  	s17 =	sshll.u32 s0, $0xA;
	s2 =	sadd.s32 s3, s2  }
0x8d: {  	s2 =	sadd.s32 s2, s17  }
0x8e: {  	[smem:$0x3FC3] =	sst s2  }
0x8f: {  	_ = 	snop  }
0x90: {  	s2 =	sld [smem:$0x3FD0];
	(tm) =	ssettm $0x1  }
0x91: {  	s18 =	sld [smem:$0x3FFB];
	_ =	sdelay $0x3  }
0x92: {  	_ =	strace s18  }
0x93: {  	s3 =	sld [smem:$0x3FFC];
	_ =	sdelay $0x3  }
0x94: {  	_ =	strace s3  }
0x95: {  	s3 =	sld [smem:$0x3FFD];
	_ =	sdelay $0x3  }
0x96: {  	_ =	strace s3  }
0x97: {  	_ =	strace $0x8FFFFFFF  }
0x98: {  	s19 =	sld [smem:$0x3FDB];
	_ =	sdelay $0x1  }
0x99: {  	s4 =	simm.s32 $_scs_section_size  }
0x9a: {  	s5 =	simm.s32 $_size__tile_overlayer_lowered;
	s6 =	simm.s32 $_tile_overlayer_lowered  }
0x9b: {  	s22 =	simm.s32 $0x1BFF;
	s21 =	sshll.u32 s6, $0x1;
	s3 =	sadd.s32 s4, s19  }
0x9c: {  	s7 =	simm.s32 $0x0;
	s20 =	sshll.u32 s5, $0x1;
	s5 =	sadd.s32 s21, s3  }
0x9d: {  	[timem:s7], [sflag:s22] =	dma.local [hbm:s5], s20  }
0x9e: {  	_ =	swait.ge [sflag:s22], s20  }
0x9f: {  	s4 =	ssub.s32 $0x0, s20;
	[sflag:s22] =	ssyncset.done $0x0  }
0xa0: {  	[sflag:s22] =	ssyncadd.s32 s4;
	_ =	sdelay $0x1  }
0xa1: {  	s23 =	simm.s32 $0x1B8B  }
0xa2: {  	_ =	swait.ge [sflag:s23], $0x1  }
0xa3: {  	[sflag:s23] =	ssyncset.done $0x0  }
0xa4: {  	s25 =	simm.s32 $0x1B8E;
	s24 =	sld [smem:$0x3FFE];
	[sflag:s23] =	ssyncadd.s32 $0xFFFFFFFF  }
0xa5: {  	s26 =	simm.s32 $execute0_lowered;
	[smem:$0x3FD2] =	sst s25  }
0xa6: {  	s5 =	sshll.u32 s26, $0x1;
	_ =	strace $0x80000046;
	[dreg:$0x1] =	wrdreg $0xFFFFFFFF  }
0xa7: {  	s28 =	simm.s32 $_size_execute0_lowered;
	s3 =	sadd.s32 s3, s5;
	[dreg:$0x0] =	wrdreg $0x0  }
0xa8: {  	s5 =	sshll.u32 s28, $0x1;
	[dreg:$0x2] =	wrdreg s3  }
0xa9: {  	[dreg:$0x3] =	wrdreg s5  }
0xaa: {  	[dreg:$0x4] =	wrdreg $0xC0  }
0xab: {  	_ =	task [dreg:s7], $0x5FFFF  }
0xac: {  	[dreg:$0x1] =	wrdreg $0xFFFFFFFF  }
0xad: {  	[dreg:$0x0] =	wrdreg $0x60  }
0xae: {  	[dreg:$0x2] =	wrdreg s2  }
0xaf: {  	[dreg:$0x3] =	wrdreg s24  }
0xb0: {  	[dreg:$0x4] =	wrdreg $0x30800  }
0xb1: {  	[dreg:$0x5] =	wrdreg $0x2E000  }
0xb2: {  	[dreg:$0x6] =	wrdreg $0x9  }
0xb3: {  	_ =	task.clear_ibuf [dreg:s7], $0x7FFFF;
	_ =	strace $0x90000046  }
0xb4: {  	s29 =	simm.s32 $0x9;
	_ =	strace $0x80000048  }
0xb5: {  	_ =	swait.ge [sflag:s29], $0x1  }
0xb6: {  	[sflag:s29] =	ssyncadd.s32 $0xFFFFFFFF  }
0xb7: {  	_ =	strace $0x90000048  }
0xb8: {  	_ =	sfence  }
0xb9: {  	s30 =	sld [smem:$0x0];
	_ =	sdelay $0x2  }
0xba: {  	s31 =	sshll.u32 s1, $0xD;
	s1 =	sshrl.u32 s1, $0x2  }
0xbb: {  	s3 =	sand.u32 $0x4000, s31;
	s1 =	sadd.s32 s1, s30  }
0xbc: {  	s0 =	sor.u32 s3, s0;
	s1 =	sshll.u32 s1, $0x11  }
0xbd: {  	s0 =	sor.u32 s1, s0  }
0xbe: {  	s0 =	sadd.s32 $0x8F2B, s0  }
0xbf: {  	[sflag:s0] =	ssyncadd.remote.s32 $0x1  }
0xc0: {  	_ =	sfence.sel $0xFFFF  }
0xc1: {  	[dreg:$0x0] =	wrdreg $0xFFFFFFFF;
	(pc) =	sbr.abs _section_cstart, $3  }
0xc2: {  	[dreg:$0x1] =	wrdreg $0xFFFFFFFF  }
0xc3: {  	_ =	task.clear_ibuf [dreg:s7], $0x2FFFF;
	_ =	strace $0x9FFFFFFF  }
0xc4: {  	(tm) =	ssettm $0x7FFFFFFF  }
0xc5: {  	_ =	shalt  }
tec
execute0_lowered:
.L_overlay_start_1:
0x0: {  	(tag) =	ssettag $0x1  }
0x1: {  	s0 =	rddreg [dreg:$0x1]  }
0x2: {  	s2 =	rddreg [dreg:$0x2]  }
0x3: {  	s3 =	rddreg [dreg:$0x3];
	s5 =	simm.s32 $0x0  }
0x4: {  	s1 =	srdreg.scid;
	s10 =	stileid.u32;
	s29 =	simm.s32 $0x16C80  }
0x5: {  	s30 =	simm.s32 $0x7;
	s31 =	simm.s32 $0x200;
	s4 =	smul.u32 $0x4F000, s10  }
0x6: {  	s28 =	simm.s32 $0x5;
	[smem:$0x7FF] =	sst s5;
	s20 =	smul.u32 $0xA00, s10  }
0x7: {  	s1 =	sand.u32 $0x1, s1;
	s9 =	sshll.u32 s10, $0x1;
	s16 =	smul.u32 $0x2780, s10  }
0x8: {  	s11 =	sadd.s32 $0x13400, s0;
	s19 =	smul.u32 $0x1200, s10;
	s21 =	sor.u32 s1, s9  }
0x9: {  	s12 =	sadd.s32 $0x1400, s0;
	s8 =	sadd.s32 $0x25400, s0;
	s21 =	smul.u32 $0x24, s21  }
0xa: {  	_ =	strace $0x80000047;
	[dreg:$0x5] =	wrdreg s12;
	s4 =	sshrl.u32 s4, $0x2  }
0xb: {  	s10 =	simm.s32 $0x280;
	s15 =	sadd.s32 s4, s2;
	[dreg:$0x12] =	wrdreg s21  }
0xc: {  	s6 =	ssub.s32 $0x2, s1;
	s22 =	sadd.s32 $0x3000, s15;
	[dreg:$0x6] =	wrdreg s15  }
0xd: {  	p0 =	seq.s32 s1, $0x1;
	s23 =	sadd.s32 $0x6000, s15;
	[dreg:$0x7] =	wrdreg s22  }
0xe: {  	s7 =	sshrl.u32 s6, $0x1;
	s24 =	sadd.s32 $0x9000, s15;
	[dreg:$0x8] =	wrdreg s23  }
0xf: {  	s6 =	ssub.s32 s6, s7;
	s25 =	sadd.s32 $0xC000, s15;
	[dreg:$0x9] =	wrdreg s24  }
0x10: {  	s4 =	sshrl.u32 s20, $0x2;
	s26 =	sadd.s32 $0xF000, s15;
	[dreg:$0xa] =	wrdreg s25  }
0x11: {  	s17 =	sadd.s32 s4, s3;
	s9 =	sadd.s32 $0x12000, s15;
	[dreg:$0xb] =	wrdreg s26  }
0x12: {  	s4 =	simm.s32 $0x74400;
	[dreg:$0xd] =	wrdreg s9;
	s13 =	sadd.s32 $0x60, s17  }
0x13: {  	s14 =	sadd.s32 $0xC0, s17;
	s18 =	sadd.s32 $0x120, s17;
	[dreg:$0xc] =	wrdreg s17  }
0x14: {  	s4 =	simm.s32 @!p0 $0x4CC00;
	s20 =	sadd.s32 $0x180, s17;
	[dreg:$0xe] =	wrdreg s13  }
0x15: {  	s22 =	smax.u32 s6, $0x1;
	s24 =	sadd.s32 s19, s12;
	[dreg:$0xf] =	wrdreg s14  }
0x16: {  	s25 =	sadd.s32 s19, s11;
	s23 =	sadd.s32 $0x1E0, s17;
	[dreg:$0x10] =	wrdreg s18  }
0x17: {  	s26 =	sadd.s32 $0x240, s17;
	s12 =	simm.s32 $0x300;
	[dreg:$0x11] =	wrdreg s20  }
0x18: {  	s9 =	simm.s32 $0x6;
	s6 =	simm.s32 $0x0;
	[dreg:$0x13] =	wrdreg s22  }
0x19: {  	s0 =	sadd.s32 s4, s0;
	s20 =	smov.u32 s11;
	[dreg:$0x15] =	wrdreg s23  }
0x1a: {  	[dreg:$0x16] =	wrdreg s26;
	s4 =	simm.s32 $0x60;
	s11 =	simm.s32 $0x480  }
0x1b: {  	s13 =	simm.s32 $0x500;
	s14 =	simm.s32 $0x600;
	s18 =	simm.s32 $0x1  }
0x1c: {  	s22 =	simm.s32 $0x2;
	s23 =	simm.s32 $0x3;
	s0 =	sadd.s32 s0, s16  }
0x1d: {  	v0 =	vimm.f32 $0.0e+00;
	s26 =	simm.s32 $0x4;
	[dreg:$0x14] =	wrdreg s0;
	s0 =	simm.s32 $0x400  }
.LBB2_1:
0x1e: {  	[dreg:$0x17] =	wrdreg s6;
	s1 =	simm.s32 $0x0;
	s6 =	simm.s32 $0x200  }
.LBB2_2:
0x1f: {  	p0 =	sne.s32 s6, $0xBE00;
	[tilespmem:s1+$0x16CF0] =	vst v0  }
0x20: {  	[tilespmem:s1+$0x16C80] =	vst v0  }
0x21: {  	[tilespmem:s1+$0x16C90] =	vst v0  }
.Ltmp0:
0x22: {  	[tilespmem:s1+$0x16CA0] =	vst v0;
	(pc) =	sbr.rel @p0 .LBB2_2-.Ltmp0, $4  }
0x23: {  	[tilespmem:s1+$0x16CB0] =	vst v0  }
0x24: {  	[tilespmem:s1+$0x16CC0] =	vst v0  }
0x25: {  	[tilespmem:s1+$0x16CD0] =	vst v0  }
0x26: {  	[tilespmem:s1+$0x16CE0] =	vst v0;
	s1 =	sshra.s32 s6, $0x2;
	s6 =	sadd.s32 $0x200, s6  }
0x27: {  	[tilespmem:s1+$0x16CF0] =	vst v0  }
0x28: {  	[tilespmem:s1+$0x16C80] =	vst v0  }
0x29: {  	[tilespmem:s1+$0x16C90] =	vst v0  }
0x2a: {  	[tilespmem:s1+$0x16CA0] =	vst v0  }
0x2b: {  	[tilespmem:s1+$0x16CB0] =	vst v0  }
0x2c: {  	[tilespmem:s1+$0x16CC0] =	vst v0  }
0x2d: {  	[tilespmem:s1+$0x16CD0] =	vst v0  }
0x2e: {  	[tilespmem:s1+$0x16CE0] =	vst v0  }
0x2f: {  	[spmem:s15] =	stream.linear.scatter [tilespmem:s29], [sflag:$0x7], $0x3000, $0x38;
	[tilespmem:$0x1FC80] =	vst v63  }
0x30: {  	_ =	swait.ge [sflag:s30], $0x3000  }
0x31: {  	[sflag:s30] =	ssyncset.done $0x0  }
0x32: {  	s19 =	rddreg [dreg:$0x7];
	[sflag:s30] =	ssyncadd.s32 $0xFFFFD000  }
0x33: {  	[spmem:s19] =	stream.linear.scatter [tilespmem:s29], [sflag:$0x7], $0x3000, $0x38;
	[tilespmem:$0x1FC80] =	vst v63  }
0x34: {  	_ =	swait.ge [sflag:s30], $0x3000  }
0x35: {  	[sflag:s30] =	ssyncset.done $0x0  }
0x36: {  	s21 =	rddreg [dreg:$0x8];
	[sflag:s30] =	ssyncadd.s32 $0xFFFFD000  }
0x37: {  	[spmem:s21] =	stream.linear.scatter [tilespmem:s29], [sflag:$0x7], $0x3000, $0x38;
	[tilespmem:$0x1FC80] =	vst v63  }
0x38: {  	_ =	swait.ge [sflag:s30], $0x3000  }
0x39: {  	[sflag:s30] =	ssyncset.done $0x0  }
0x3a: {  	s6 =	rddreg [dreg:$0x9];
	[sflag:s30] =	ssyncadd.s32 $0xFFFFD000  }
0x3b: {  	[spmem:s6] =	stream.linear.scatter [tilespmem:s29], [sflag:$0x7], $0x3000, $0x38;
	[tilespmem:$0x1FC80] =	vst v63  }
0x3c: {  	_ =	swait.ge [sflag:s30], $0x3000  }
0x3d: {  	[sflag:s30] =	ssyncset.done $0x0  }
0x3e: {  	s7 =	rddreg [dreg:$0xa];
	[sflag:s30] =	ssyncadd.s32 $0xFFFFD000  }
0x3f: {  	[spmem:s7] =	stream.linear.scatter [tilespmem:s29], [sflag:$0x7], $0x3000, $0x38;
	[tilespmem:$0x1FC80] =	vst v63  }
0x40: {  	_ =	swait.ge [sflag:s30], $0x3000  }
0x41: {  	[sflag:s30] =	ssyncset.done $0x0  }
0x42: {  	s15 =	rddreg [dreg:$0xb];
	[sflag:s30] =	ssyncadd.s32 $0xFFFFD000  }
0x43: {  	[spmem:s15] =	stream.linear.scatter [tilespmem:s29], [sflag:$0x7], $0x3000, $0x38;
	[tilespmem:$0x1FC80] =	vst v63  }
0x44: {  	_ =	swait.ge [sflag:s30], $0x3000  }
0x45: {  	[sflag:s30] =	ssyncset.done $0x0  }
0x46: {  	s16 =	rddreg [dreg:$0xd];
	[sflag:s30] =	ssyncadd.s32 $0xFFFFD000  }
0x47: {  	[spmem:s16] =	stream.linear.scatter [tilespmem:s29], [sflag:$0x7], $0x1C00, $0x38;
	[tilespmem:$0x1FC80] =	vst v63  }
0x48: {  	_ =	swait.ge [sflag:s30], $0x1C00  }
0x49: {  	[sflag:s30] =	ssyncset.done $0x0  }
0x4a: {  	[sflag:s30] =	ssyncadd.s32 $0xFFFFE400  }
0x4b: {  	[spmem:s17] =	stream.linear.scatter [tilespmem:s29], [sflag:$0x7], $0x60, $0x38;
	[tilespmem:$0x1FC80] =	vst v63  }
0x4c: {  	_ =	swait.ge [sflag:s30], $0x60  }
0x4d: {  	[sflag:s30] =	ssyncset.done $0x0  }
0x4e: {  	s19 =	rddreg [dreg:$0xe];
	[sflag:s30] =	ssyncadd.s32 $0xFFFFFFA0  }
0x4f: {  	[spmem:s19] =	stream.linear.scatter [tilespmem:s29], [sflag:$0x7], $0x60, $0x38;
	[tilespmem:$0x1FC80] =	vst v63  }
0x50: {  	_ =	swait.ge [sflag:s30], $0x60  }
0x51: {  	[sflag:s30] =	ssyncset.done $0x0  }
0x52: {  	s21 =	rddreg [dreg:$0xf];
	[sflag:s30] =	ssyncadd.s32 $0xFFFFFFA0  }
0x53: {  	[spmem:s21] =	stream.linear.scatter [tilespmem:s29], [sflag:$0x7], $0x60, $0x38;
	[tilespmem:$0x1FC80] =	vst v63  }
0x54: {  	_ =	swait.ge [sflag:s30], $0x60  }
0x55: {  	[sflag:s30] =	ssyncset.done $0x0  }
0x56: {  	s6 =	rddreg [dreg:$0x10];
	[sflag:s30] =	ssyncadd.s32 $0xFFFFFFA0  }
0x57: {  	[spmem:s6] =	stream.linear.scatter [tilespmem:s29], [sflag:$0x7], $0x60, $0x38;
	[tilespmem:$0x1FC80] =	vst v63  }
0x58: {  	_ =	swait.ge [sflag:s30], $0x60  }
0x59: {  	[sflag:s30] =	ssyncset.done $0x0  }
0x5a: {  	s7 =	rddreg [dreg:$0x11];
	[sflag:s30] =	ssyncadd.s32 $0xFFFFFFA0  }
0x5b: {  	[spmem:s7] =	stream.linear.scatter [tilespmem:s29], [sflag:$0x7], $0x60, $0x38;
	[tilespmem:$0x1FC80] =	vst v63  }
0x5c: {  	_ =	swait.ge [sflag:s30], $0x60  }
0x5d: {  	[sflag:s30] =	ssyncset.done $0x0  }
0x5e: {  	s15 =	rddreg [dreg:$0x15];
	[sflag:s30] =	ssyncadd.s32 $0xFFFFFFA0  }
0x5f: {  	[spmem:s15] =	stream.linear.scatter [tilespmem:s29], [sflag:$0x7], $0x60, $0x38;
	[tilespmem:$0x1FC80] =	vst v63  }
0x60: {  	_ =	swait.ge [sflag:s30], $0x60  }
0x61: {  	[sflag:s30] =	ssyncset.done $0x0  }
0x62: {  	s16 =	rddreg [dreg:$0x16];
	[sflag:s30] =	ssyncadd.s32 $0xFFFFFFA0  }
0x63: {  	[spmem:s16] =	stream.linear.scatter [tilespmem:s29], [sflag:$0x7], $0x40, $0x38;
	[tilespmem:$0x1FC80] =	vst v63  }
0x64: {  	_ =	swait.ge [sflag:s30], $0x40  }
0x65: {  	[sflag:s30] =	ssyncset.done $0x0  }
0x66: {  	[sflag:s30] =	ssyncadd.s32 $0xFFFFFFC0  }
0x67: {  	s19 =	sadd.s32 $0x0, s25;
	[bflag:$0x0] =	sbarrier.arrive $0xFFFF  }
0x68: {  	[tilespmem:s31], [sflag:$0x7] =	stream.linear.gather [hbm4b:s19+s5], $0x180, $0x38;
	[tilespmem:$0x1FC80] =	vst v63  }
0x69: {  	_ =	swait.ge [sflag:s30], $0x180  }
0x6a: {  	[sflag:s30] =	ssyncset.done $0x0  }
0x6b: {  	s21 =	sadd.s32 $0x0, s24;
	[sflag:s30] =	ssyncadd.s32 $0xFFFFFE80  }
0x6c: {  	[tilespmem:s0], [sflag:$0x7] =	stream.linear.gather [hbm4b:s21+s5], $0x180, $0x38;
	[tilespmem:$0x1FC80] =	vst v63  }
0x6d: {  	_ =	swait.ge [sflag:s30], $0x180  }
0x6e: {  	[sflag:s30] =	ssyncset.done $0x0  }
0x6f: {  	[sflag:s30] =	ssyncadd.s32 $0xFFFFFE80  }
0x70: {  	[spmem:s3] =	stream.indirect.scatter.add.f32 [tilespmem:s0], [sflag:$0x7], $0x1, s31, s4, $0xb8;
	[tilespmem:$0x1FC80] =	vst v63  }
0x71: {  	_ =	swait.ge [sflag:s30], $0x60  }
0x72: {  	[sflag:s30] =	ssyncset.done $0x0  }
0x73: {  	[sflag:s30] =	ssyncadd.s32 $0xFFFFFFA0  }
0x74: {  	[spmem:s3] =	stream.indirect.scatter.add.f32 [tilespmem:s11], [sflag:$0x7], $0x1, s10, s4, $0xb8;
	[tilespmem:$0x1FC80] =	vst v63  }
0x75: {  	_ =	swait.ge [sflag:s30], $0x60  }
0x76: {  	[sflag:s30] =	ssyncset.done $0x0  }
0x77: {  	[sflag:s30] =	ssyncadd.s32 $0xFFFFFFA0  }
0x78: {  	[spmem:s3] =	stream.indirect.scatter.add.f32 [tilespmem:s13], [sflag:$0x7], $0x1, s12, s4, $0xb8;
	[tilespmem:$0x1FC80] =	vst v63  }
0x79: {  	_ =	swait.ge [sflag:s30], $0x60  }
0x7a: {  	s1 =	simm.s32 $0x40;
	s6 =	simm.s32 $0x80;
	[sflag:s30] =	ssyncset.done $0x0  }
.LBB2_4:
0x7b: {  	s7 =	sadd.s32 s1, s25  }
0x7c: {  	[sflag:s30] =	ssyncadd.s32 $0xFFFFFFA0;
	s15 =	smov.u32 s6;
	s16 =	sadd.s32 $0x40, s6  }
0x7d: {  	[tilespmem:s31], [sflag:$0x7] =	stream.linear.gather [hbm4b:s7+s5], $0x180, $0x38;
	[tilespmem:$0x1FC80] =	vst v63  }
0x7e: {  	p0 =	sne.s32 s6, $0x11C0;
	_ =	swait.ge [sflag:s30], $0x180  }
0x7f: {  	[sflag:s30] =	ssyncset.done $0x0  }
0x80: {  	s6 =	sadd.s32 s1, s24;
	s1 =	smov.u32 s15;
	[sflag:s30] =	ssyncadd.s32 $0xFFFFFE80  }
0x81: {  	[tilespmem:s0], [sflag:$0x7] =	stream.linear.gather [hbm4b:s6+s5], $0x180, $0x38;
	[tilespmem:$0x1FC80] =	vst v63  }
0x82: {  	_ =	swait.ge [sflag:s30], $0x180  }
0x83: {  	[sflag:s30] =	ssyncset.done $0x0  }
0x84: {  	[sflag:s30] =	ssyncadd.s32 $0xFFFFFE80  }
0x85: {  	[spmem:s3] =	stream.indirect.scatter.add.f32 [tilespmem:s0], [sflag:$0x7], $0x1, s31, s4, $0xb8;
	[tilespmem:$0x1FC80] =	vst v63  }
0x86: {  	_ =	swait.ge [sflag:s30], $0x60  }
0x87: {  	[sflag:s30] =	ssyncset.done $0x0  }
0x88: {  	[sflag:s30] =	ssyncadd.s32 $0xFFFFFFA0  }
0x89: {  	[spmem:s3] =	stream.indirect.scatter.add.f32 [tilespmem:s11], [sflag:$0x7], $0x1, s10, s4, $0xb8;
	[tilespmem:$0x1FC80] =	vst v63  }
0x8a: {  	_ =	swait.ge [sflag:s30], $0x60  }
.Ltmp1:
0x8b: {  	[sflag:s30] =	ssyncset.done $0x0;
	(pc) =	sbr.rel @p0 .LBB2_4-.Ltmp1, $4  }
0x8c: {  	[sflag:s30] =	ssyncadd.s32 $0xFFFFFFA0  }
0x8d: {  	[spmem:s3] =	stream.indirect.scatter.add.f32 [tilespmem:s13], [sflag:$0x7], $0x1, s12, s4, $0xb8;
	[tilespmem:$0x1FC80] =	vst v63  }
0x8e: {  	_ =	swait.ge [sflag:s30], $0x60  }
0x8f: {  	s6 =	smov.u32 s16;
	[sflag:s30] =	ssyncset.done $0x0  }
0x90: {  	s6 =	sadd.s32 s1, s25;
	[sflag:s30] =	ssyncadd.s32 $0xFFFFFFA0  }
0x91: {  	[tilespmem:s31], [sflag:$0x7] =	stream.linear.gather [hbm4b:s6+s5], $0x180, $0x38;
	[tilespmem:$0x1FC80] =	vst v63  }
0x92: {  	_ =	swait.ge [sflag:s30], $0x180  }
0x93: {  	[sflag:s30] =	ssyncset.done $0x0  }
0x94: {  	s21 =	sadd.s32 s1, s24;
	[sflag:s30] =	ssyncadd.s32 $0xFFFFFE80  }
0x95: {  	[tilespmem:s0], [sflag:$0x7] =	stream.linear.gather [hbm4b:s21+s5], $0x180, $0x38;
	[tilespmem:$0x1FC80] =	vst v63  }
0x96: {  	_ =	swait.ge [sflag:s30], $0x180  }
0x97: {  	[sflag:s30] =	ssyncset.done $0x0  }
0x98: {  	[sflag:s30] =	ssyncadd.s32 $0xFFFFFE80  }
0x99: {  	[spmem:s3] =	stream.indirect.scatter.add.f32 [tilespmem:s0], [sflag:$0x7], $0x1, s31, s4, $0xb8;
	[tilespmem:$0x1FC80] =	vst v63  }
0x9a: {  	_ =	swait.ge [sflag:s30], $0x60  }
0x9b: {  	[sflag:s30] =	ssyncset.done $0x0  }
0x9c: {  	[sflag:s30] =	ssyncadd.s32 $0xFFFFFFA0  }
0x9d: {  	[spmem:s3] =	stream.indirect.scatter.add.f32 [tilespmem:s11], [sflag:$0x7], $0x1, s10, s4, $0xb8;
	[tilespmem:$0x1FC80] =	vst v63  }
0x9e: {  	_ =	swait.ge [sflag:s30], $0x60  }
0x9f: {  	[sflag:s30] =	ssyncset.done $0x0  }
0xa0: {  	[sflag:s30] =	ssyncadd.s32 $0xFFFFFFA0  }
0xa1: {  	[spmem:s3] =	stream.indirect.scatter.add.f32 [tilespmem:s13], [sflag:$0x7], $0x1, s12, s4, $0xb8;
	[tilespmem:$0x1FC80] =	vst v63  }
0xa2: {  	_ =	swait.ge [sflag:s30], $0x60  }
0xa3: {  	[sflag:s30] =	ssyncset.done $0x0  }
0xa4: {  	[sflag:s30] =	ssyncadd.s32 $0xFFFFFFA0  }
0xa5: {  	[bflag:$0x0] =	sbarrier.arrive $0xFFFF  }
0xa6: {  	[tilespmem:s14], [sflag:$0x7] =	stream.linear.gather [spmem:s17], $0x280, $0x38;
	[tilespmem:$0x1FC80] =	vst v63  }
0xa7: {  	_ =	swait.ge [sflag:s30], $0x280  }
0xa8: {  	[sflag:s30] =	ssyncset.done $0x0  }
0xa9: {  	s1 =	simm.s32 $0x0;
	s15 =	simm.s32 $0x40;
	[sflag:s30] =	ssyncadd.s32 $0xFFFFFD80  }
.LBB2_6:
0xaa: {  	p0 =	sne.s32 s15, $0x9C0;
	v1 =	vld [tilespmem:s1+$0x600];
	_ =	sdelay $0x4  }
0xab: {  	v2 =	vmax.f32 v1, $1.000000000e+00  }
0xac: {  	(erf) = vrcp.f32 v2;
	_ =	sdelay $0x8  }
0xad: {  	v1 =	vmax.f32 v1, $9.999999960e-13;
	v3 =	vpop (erf)  }
0xae: {  	v3 =	vmul.f32 v3, v1;
	_ =	sdelay $0x1  }
0xaf: {  	v2 =	vadd.f32 v3, v2;
	_ =	sdelay $0x1  }
0xb0: {  	v2 =	vmul.f32 $5.000000000e-01, v2;
	_ =	sdelay $0x1  }
0xb1: {  	(erf) = vrcp.f32 v2;
	_ =	sdelay $0x8  }
0xb2: {  	v3 =	vpop (erf)  }
0xb3: {  	v3 =	vmul.f32 v3, v1;
	_ =	sdelay $0x1  }
0xb4: {  	v2 =	vadd.f32 v3, v2;
	_ =	sdelay $0x1  }
0xb5: {  	v2 =	vmul.f32 $5.000000000e-01, v2;
	_ =	sdelay $0x1  }
0xb6: {  	(erf) = vrcp.f32 v2;
	_ =	sdelay $0x8  }
0xb7: {  	v3 =	vpop (erf)  }
0xb8: {  	v3 =	vmul.f32 v3, v1;
	_ =	sdelay $0x1  }
0xb9: {  	v2 =	vadd.f32 v3, v2;
	_ =	sdelay $0x1  }
0xba: {  	v2 =	vmul.f32 $5.000000000e-01, v2;
	_ =	sdelay $0x1  }
0xbb: {  	(erf) = vrcp.f32 v2;
	_ =	sdelay $0x8  }
0xbc: {  	v3 =	vpop (erf)  }
0xbd: {  	v3 =	vmul.f32 v3, v1;
	_ =	sdelay $0x1  }
0xbe: {  	v2 =	vadd.f32 v3, v2;
	_ =	sdelay $0x1  }
0xbf: {  	v2 =	vmul.f32 $5.000000000e-01, v2;
	_ =	sdelay $0x1  }
0xc0: {  	(erf) = vrcp.f32 v2;
	_ =	sdelay $0x8  }
0xc1: {  	v3 =	vpop (erf)  }
0xc2: {  	v3 =	vmul.f32 v3, v1;
	_ =	sdelay $0x1  }
0xc3: {  	v2 =	vadd.f32 v3, v2;
	_ =	sdelay $0x1  }
0xc4: {  	v2 =	vmul.f32 $5.000000000e-01, v2;
	_ =	sdelay $0x1  }
0xc5: {  	(erf) = vrcp.f32 v2;
	_ =	sdelay $0x8  }
0xc6: {  	v3 =	vpop (erf)  }
0xc7: {  	v3 =	vmul.f32 v3, v1;
	_ =	sdelay $0x1  }
0xc8: {  	v2 =	vadd.f32 v3, v2;
	_ =	sdelay $0x1  }
0xc9: {  	v2 =	vmul.f32 $5.000000000e-01, v2;
	_ =	sdelay $0x1  }
0xca: {  	(erf) = vrcp.f32 v2;
	_ =	sdelay $0x8  }
0xcb: {  	v3 =	vpop (erf)  }
0xcc: {  	v3 =	vmul.f32 v3, v1;
	_ =	sdelay $0x1  }
0xcd: {  	v2 =	vadd.f32 v3, v2;
	_ =	sdelay $0x1  }
0xce: {  	v2 =	vmul.f32 $5.000000000e-01, v2;
	_ =	sdelay $0x1  }
0xcf: {  	(erf) = vrcp.f32 v2;
	_ =	sdelay $0x8  }
0xd0: {  	v3 =	vpop (erf)  }
0xd1: {  	v3 =	vmul.f32 v3, v1;
	_ =	sdelay $0x1  }
0xd2: {  	v2 =	vadd.f32 v3, v2;
	_ =	sdelay $0x1  }
0xd3: {  	v2 =	vmul.f32 $5.000000000e-01, v2;
	_ =	sdelay $0x1  }
0xd4: {  	(erf) = vrcp.f32 v2;
	_ =	sdelay $0x8  }
0xd5: {  	v3 =	vpop (erf)  }
0xd6: {  	v3 =	vmul.f32 v3, v1;
	_ =	sdelay $0x1  }
0xd7: {  	v2 =	vadd.f32 v3, v2;
	_ =	sdelay $0x1  }
0xd8: {  	v2 =	vmul.f32 $5.000000000e-01, v2;
	_ =	sdelay $0x1  }
0xd9: {  	(erf) = vrcp.f32 v2;
	_ =	sdelay $0x8  }
0xda: {  	v3 =	vpop (erf)  }
0xdb: {  	v3 =	vmul.f32 v3, v1;
	_ =	sdelay $0x1  }
0xdc: {  	v2 =	vadd.f32 v3, v2;
	_ =	sdelay $0x1  }
0xdd: {  	v2 =	vmul.f32 $5.000000000e-01, v2;
	_ =	sdelay $0x1  }
0xde: {  	(erf) = vrcp.f32 v2;
	_ =	sdelay $0x8  }
0xdf: {  	v3 =	vpop (erf)  }
0xe0: {  	v3 =	vmul.f32 v3, v1;
	_ =	sdelay $0x1  }
0xe1: {  	v2 =	vadd.f32 v3, v2;
	_ =	sdelay $0x1  }
0xe2: {  	v2 =	vmul.f32 $5.000000000e-01, v2;
	_ =	sdelay $0x1  }
0xe3: {  	(erf) = vrcp.f32 v2;
	_ =	sdelay $0x8  }
0xe4: {  	v3 =	vpop (erf)  }
0xe5: {  	v3 =	vmul.f32 v3, v1;
	_ =	sdelay $0x1  }
0xe6: {  	v2 =	vadd.f32 v3, v2;
	_ =	sdelay $0x1  }
0xe7: {  	v2 =	vmul.f32 $5.000000000e-01, v2;
	_ =	sdelay $0x1  }
0xe8: {  	(erf) = vrcp.f32 v2;
	_ =	sdelay $0x8  }
0xe9: {  	v3 =	vpop (erf)  }
0xea: {  	v3 =	vmul.f32 v3, v1;
	_ =	sdelay $0x1  }
0xeb: {  	v2 =	vadd.f32 v3, v2;
	_ =	sdelay $0x1  }
0xec: {  	v2 =	vmul.f32 $5.000000000e-01, v2;
	_ =	sdelay $0x1  }
0xed: {  	(erf) = vrcp.f32 v2;
	_ =	sdelay $0x8  }
0xee: {  	v3 =	vpop (erf)  }
0xef: {  	v3 =	vmul.f32 v3, v1;
	_ =	sdelay $0x1  }
0xf0: {  	v2 =	vadd.f32 v3, v2;
	_ =	sdelay $0x1  }
0xf1: {  	v2 =	vmul.f32 $5.000000000e-01, v2;
	_ =	sdelay $0x1  }
0xf2: {  	(erf) = vrcp.f32 v2;
	_ =	sdelay $0x5  }
0xf3: {  	(erf) = vrcp.f32 v1;
	_ =	sdelay $0x2  }
0xf4: {  	v3 =	vpop (erf)  }
0xf5: {  	v1 =	vmul.f32 v3, v1;
	_ =	sdelay $0x1  }
0xf6: {  	v1 =	vadd.f32 v1, v2;
	_ =	sdelay $0x1  }
.Ltmp2:
0xf7: {  	v1 =	vmul.f32 $5.000000000e-01, v1;
	(pc) =	sbr.rel @p0 .LBB2_6-.Ltmp2, $3  }
0xf8: {  	v2 =	vpop (erf)  }
0xf9: {  	v1 =	vmul.f32 v1, v2;
	_ =	sdelay $0x1  }
0xfa: {  	[tilespmem:s1+$0x600] =	vst v1;
	s1 =	sshra.s32 s15, $0x2;
	s15 =	sadd.s32 $0x40, s15  }
0xfb: {  	v1 =	vld [tilespmem:s1+$0x600];
	_ =	sdelay $0x4  }
0xfc: {  	v2 =	vmax.f32 v1, $1.000000000e+00  }
0xfd: {  	(erf) = vrcp.f32 v2;
	_ =	sdelay $0x8  }
0xfe: {  	v1 =	vmax.f32 v1, $9.999999960e-13;
	v3 =	vpop (erf)  }
0xff: {  	v3 =	vmul.f32 v3, v1;
	_ =	sdelay $0x1  }
0x100: {  	v2 =	vadd.f32 v3, v2;
	_ =	sdelay $0x1  }
0x101: {  	v2 =	vmul.f32 $5.000000000e-01, v2;
	_ =	sdelay $0x1  }
0x102: {  	(erf) = vrcp.f32 v2;
	_ =	sdelay $0x8  }
0x103: {  	v3 =	vpop (erf)  }
0x104: {  	v3 =	vmul.f32 v3, v1;
	_ =	sdelay $0x1  }
0x105: {  	v2 =	vadd.f32 v3, v2;
	_ =	sdelay $0x1  }
0x106: {  	v2 =	vmul.f32 $5.000000000e-01, v2;
	_ =	sdelay $0x1  }
0x107: {  	(erf) = vrcp.f32 v2;
	_ =	sdelay $0x8  }
0x108: {  	v3 =	vpop (erf)  }
0x109: {  	v3 =	vmul.f32 v3, v1;
	_ =	sdelay $0x1  }
0x10a: {  	v2 =	vadd.f32 v3, v2;
	_ =	sdelay $0x1  }
0x10b: {  	v2 =	vmul.f32 $5.000000000e-01, v2;
	_ =	sdelay $0x1  }
0x10c: {  	(erf) = vrcp.f32 v2;
	_ =	sdelay $0x8  }
0x10d: {  	v3 =	vpop (erf)  }
0x10e: {  	v3 =	vmul.f32 v3, v1;
	_ =	sdelay $0x1  }
0x10f: {  	v2 =	vadd.f32 v3, v2;
	_ =	sdelay $0x1  }
0x110: {  	v2 =	vmul.f32 $5.000000000e-01, v2;
	_ =	sdelay $0x1  }
0x111: {  	(erf) = vrcp.f32 v2;
	_ =	sdelay $0x8  }
0x112: {  	v3 =	vpop (erf)  }
0x113: {  	v3 =	vmul.f32 v3, v1;
	_ =	sdelay $0x1  }
0x114: {  	v2 =	vadd.f32 v3, v2;
	_ =	sdelay $0x1  }
0x115: {  	v2 =	vmul.f32 $5.000000000e-01, v2;
	_ =	sdelay $0x1  }
0x116: {  	(erf) = vrcp.f32 v2;
	_ =	sdelay $0x8  }
0x117: {  	v3 =	vpop (erf)  }
0x118: {  	v3 =	vmul.f32 v3, v1;
	_ =	sdelay $0x1  }
0x119: {  	v2 =	vadd.f32 v3, v2;
	_ =	sdelay $0x1  }
0x11a: {  	v2 =	vmul.f32 $5.000000000e-01, v2;
	_ =	sdelay $0x1  }
0x11b: {  	(erf) = vrcp.f32 v2;
	_ =	sdelay $0x8  }
0x11c: {  	v3 =	vpop (erf)  }
0x11d: {  	v3 =	vmul.f32 v3, v1;
	_ =	sdelay $0x1  }
0x11e: {  	v2 =	vadd.f32 v3, v2;
	_ =	sdelay $0x1  }
0x11f: {  	v2 =	vmul.f32 $5.000000000e-01, v2;
	_ =	sdelay $0x1  }
0x120: {  	(erf) = vrcp.f32 v2;
	_ =	sdelay $0x8  }
0x121: {  	v3 =	vpop (erf)  }
0x122: {  	v3 =	vmul.f32 v3, v1;
	_ =	sdelay $0x1  }
0x123: {  	v2 =	vadd.f32 v3, v2;
	_ =	sdelay $0x1  }
0x124: {  	v2 =	vmul.f32 $5.000000000e-01, v2;
	_ =	sdelay $0x1  }
0x125: {  	(erf) = vrcp.f32 v2;
	_ =	sdelay $0x8  }
0x126: {  	v3 =	vpop (erf)  }
0x127: {  	v3 =	vmul.f32 v3, v1;
	_ =	sdelay $0x1  }
0x128: {  	v2 =	vadd.f32 v3, v2;
	_ =	sdelay $0x1  }
0x129: {  	v2 =	vmul.f32 $5.000000000e-01, v2;
	_ =	sdelay $0x1  }
0x12a: {  	(erf) = vrcp.f32 v2;
	_ =	sdelay $0x8  }
0x12b: {  	v3 =	vpop (erf)  }
0x12c: {  	v3 =	vmul.f32 v3, v1;
	_ =	sdelay $0x1  }
0x12d: {  	v2 =	vadd.f32 v3, v2;
	_ =	sdelay $0x1  }
0x12e: {  	v2 =	vmul.f32 $5.000000000e-01, v2;
	_ =	sdelay $0x1  }
0x12f: {  	(erf) = vrcp.f32 v2;
	_ =	sdelay $0x8  }
0x130: {  	v3 =	vpop (erf)  }
0x131: {  	v3 =	vmul.f32 v3, v1;
	_ =	sdelay $0x1  }
0x132: {  	v2 =	vadd.f32 v3, v2;
	_ =	sdelay $0x1  }
0x133: {  	v2 =	vmul.f32 $5.000000000e-01, v2;
	_ =	sdelay $0x1  }
0x134: {  	(erf) = vrcp.f32 v2;
	_ =	sdelay $0x8  }
0x135: {  	v3 =	vpop (erf)  }
0x136: {  	v3 =	vmul.f32 v3, v1;
	_ =	sdelay $0x1  }
0x137: {  	v2 =	vadd.f32 v3, v2;
	_ =	sdelay $0x1  }
0x138: {  	v2 =	vmul.f32 $5.000000000e-01, v2;
	_ =	sdelay $0x1  }
0x139: {  	(erf) = vrcp.f32 v2;
	_ =	sdelay $0x8  }
0x13a: {  	v3 =	vpop (erf)  }
0x13b: {  	v3 =	vmul.f32 v3, v1;
	_ =	sdelay $0x1  }
0x13c: {  	v2 =	vadd.f32 v3, v2;
	_ =	sdelay $0x1  }
0x13d: {  	v2 =	vmul.f32 $5.000000000e-01, v2;
	_ =	sdelay $0x1  }
0x13e: {  	(erf) = vrcp.f32 v2;
	_ =	sdelay $0x8  }
0x13f: {  	v3 =	vpop (erf)  }
0x140: {  	v3 =	vmul.f32 v3, v1;
	_ =	sdelay $0x1  }
0x141: {  	v2 =	vadd.f32 v3, v2;
	_ =	sdelay $0x1  }
0x142: {  	v2 =	vmul.f32 $5.000000000e-01, v2;
	_ =	sdelay $0x1  }
0x143: {  	(erf) = vrcp.f32 v2;
	_ =	sdelay $0x5  }
0x144: {  	(erf) = vrcp.f32 v1;
	_ =	sdelay $0x2  }
0x145: {  	v3 =	vpop (erf)  }
0x146: {  	v1 =	vmul.f32 v3, v1;
	_ =	sdelay $0x1  }
0x147: {  	v1 =	vadd.f32 v1, v2;
	_ =	sdelay $0x1  }
0x148: {  	v1 =	vmul.f32 $5.000000000e-01, v1  }
0x149: {  	v2 =	vpop (erf)  }
0x14a: {  	v1 =	vmul.f32 v1, v2;
	_ =	sdelay $0x1  }
0x14b: {  	[tilespmem:s1+$0x600] =	vst v1  }
0x14c: {  	[spmem:s17] =	stream.linear.scatter [tilespmem:s14], [sflag:$0x7], $0x280, $0x38;
	[tilespmem:$0x1FC80] =	vst v63  }
0x14d: {  	_ =	swait.ge [sflag:s30], $0x280  }
0x14e: {  	[sflag:s30] =	ssyncset.done $0x0  }
0x14f: {  	[sflag:s30] =	ssyncadd.s32 $0xFFFFFD80  }
0x150: {  	[bflag:$0x0] =	sbarrier.arrive $0xFFFF  }
0x151: {  	[tilespmem:s14], [sflag:$0x7] =	stream.linear.gather [spmem:s3], $0x2800, $0x38;
	[tilespmem:$0x1FC80] =	vst v63  }
0x152: {  	_ =	swait.ge [sflag:s30], $0x2800  }
0x153: {  	[sflag:s30] =	ssyncset.done $0x0  }
0x154: {  	s15 =	simm.s32 $0x0;
	s1 =	simm.s32 $0x0;
	[sflag:s30] =	ssyncadd.s32 $0xFFFFD800  }
.LBB2_8:
0x155: {  	s6 =	rddreg [dreg:$0x12]  }
0x156: {  	s6 =	sadd.s32 s6, s1  }
0x157: {  	s7 =	rddreg [dreg:$0x0];
	s6 =	sshll.u32 s6, $0x6  }
0x158: {  	s7 =	sadd.s32 s7, s6  }
0x159: {  	[tilespmem:s15], [sflag:$0x7] =	stream.linear.gather [hbm4b:s7+s15], $0x180, $0x38;
	[tilespmem:$0x1FC80] =	vst v63  }
0x15a: {  	_ =	swait.ge [sflag:s30], $0x180  }
0x15b: {  	[sflag:s30] =	ssyncset.done $0x0  }
0x15c: {  	s19 =	sadd.s32 s20, s6;
	[sflag:s30] =	ssyncadd.s32 $0xFFFFFE80  }
0x15d: {  	[tilespmem:s31], [sflag:$0x7] =	stream.linear.gather [hbm4b:s19+s15], $0x180, $0x38;
	[tilespmem:$0x1FC80] =	vst v63  }
0x15e: {  	_ =	swait.ge [sflag:s30], $0x180  }
0x15f: {  	[sflag:s30] =	ssyncset.done $0x0;
	s21 =	rddreg [dreg:$0x5]  }
0x160: {  	[sflag:s30] =	ssyncadd.s32 $0xFFFFFE80;
	s6 =	sadd.s32 s21, s6  }
0x161: {  	[tilespmem:s0], [sflag:$0x7] =	stream.linear.gather [hbm4b:s6+s15], $0x180, $0x38;
	[tilespmem:$0x1FC80] =	vst v63  }
0x162: {  	_ =	swait.ge [sflag:s30], $0x180  }
0x163: {  	[sflag:s30] =	ssyncset.done $0x0  }
0x164: {  	[sflag:s30] =	ssyncadd.s32 $0xFFFFFE80  }
0x165: {  	v1 =	vld [tilespmem:$0x0];
	_ =	sdelay $0x1  }
0x166: {  	v2 =	vld [tilespmem:$0x200];
	_ =	sdelay $0x4  }
0x167: {  	v3 =	vld [tilespmem:$0x400]  }
0x168: {  	v1 =	vld.idx.msk [tilespmem:v1+s14+$0x0], $0xffff  }
0x169: {  	v4 =	vld [tilespmem:$0x10]  }
0x16a: {  	v2 =	vld.idx.msk [tilespmem:v2+s14+$0x0], $0xffff  }
0x16b: {  	v5 =	vld [tilespmem:$0x210];
	_ =	sdelay $0x1  }
0x16c: {  	v1 =	vmul.f32 v3, v1;
	_ =	sdelay $0x1  }
0x16d: {  	v1 =	vmul.f32 v1, v2;
	_ =	sdelay $0x1  }
0x16e: {  	v2 =	vld [tilespmem:$0x410];
	[tilespmem:$0x400] =	vst v1  }
0x16f: {  	v1 =	vld.idx.msk [tilespmem:v4+s14+$0x0], $0xffff  }
0x170: {  	v3 =	vld.idx.msk [tilespmem:v5+s14+$0x0], $0xffff  }
0x171: {  	v4 =	vld [tilespmem:$0x20]  }
0x172: {  	v5 =	vld [tilespmem:$0x220];
	_ =	sdelay $0x1  }
0x173: {  	v1 =	vmul.f32 v2, v1;
	_ =	sdelay $0x1  }
0x174: {  	v1 =	vmul.f32 v1, v3;
	_ =	sdelay $0x1  }
0x175: {  	v2 =	vld [tilespmem:$0x420];
	[tilespmem:$0x410] =	vst v1  }
0x176: {  	v1 =	vld.idx.msk [tilespmem:v4+s14+$0x0], $0xffff  }
0x177: {  	v3 =	vld.idx.msk [tilespmem:v5+s14+$0x0], $0xffff  }
0x178: {  	v4 =	vld [tilespmem:$0x30]  }
0x179: {  	v5 =	vld [tilespmem:$0x230];
	_ =	sdelay $0x1  }
0x17a: {  	v1 =	vmul.f32 v2, v1;
	_ =	sdelay $0x1  }
0x17b: {  	v1 =	vmul.f32 v1, v3;
	_ =	sdelay $0x1  }
0x17c: {  	v2 =	vld [tilespmem:$0x430];
	[tilespmem:$0x420] =	vst v1  }
0x17d: {  	v1 =	vld.idx.msk [tilespmem:v4+s14+$0x0], $0xffff  }
0x17e: {  	v3 =	vld.idx.msk [tilespmem:v5+s14+$0x0], $0xffff  }
0x17f: {  	v4 =	vld [tilespmem:$0x40]  }
0x180: {  	v5 =	vld [tilespmem:$0x240];
	_ =	sdelay $0x1  }
0x181: {  	v1 =	vmul.f32 v2, v1;
	_ =	sdelay $0x1  }
0x182: {  	v1 =	vmul.f32 v1, v3;
	_ =	sdelay $0x1  }
0x183: {  	v2 =	vld [tilespmem:$0x440];
	[tilespmem:$0x430] =	vst v1  }
0x184: {  	v1 =	vld.idx.msk [tilespmem:v4+s14+$0x0], $0xffff  }
0x185: {  	v3 =	vld.idx.msk [tilespmem:v5+s14+$0x0], $0xffff  }
0x186: {  	v4 =	vld [tilespmem:$0x50]  }
0x187: {  	v5 =	vld [tilespmem:$0x250];
	_ =	sdelay $0x1  }
0x188: {  	v1 =	vmul.f32 v2, v1;
	_ =	sdelay $0x1  }
0x189: {  	v1 =	vmul.f32 v1, v3;
	_ =	sdelay $0x1  }
0x18a: {  	v2 =	vld [tilespmem:$0x450];
	[tilespmem:$0x440] =	vst v1  }
0x18b: {  	v1 =	vld.idx.msk [tilespmem:v4+s14+$0x0], $0xffff  }
0x18c: {  	v3 =	vld.idx.msk [tilespmem:v5+s14+$0x0], $0xffff  }
0x18d: {  	v4 =	vld [tilespmem:$0x80]  }
0x18e: {  	v5 =	vld [tilespmem:$0x280];
	_ =	sdelay $0x1  }
0x18f: {  	v1 =	vmul.f32 v2, v1;
	_ =	sdelay $0x1  }
0x190: {  	v1 =	vmul.f32 v1, v3;
	_ =	sdelay $0x1  }
0x191: {  	v2 =	vld [tilespmem:$0x480];
	[tilespmem:$0x450] =	vst v1  }
0x192: {  	v1 =	vld.idx.msk [tilespmem:v4+s14+$0x0], $0xffff  }
0x193: {  	v3 =	vld.idx.msk [tilespmem:v5+s14+$0x0], $0xffff  }
0x194: {  	v4 =	vld [tilespmem:$0x90]  }
0x195: {  	v5 =	vld [tilespmem:$0x290];
	_ =	sdelay $0x1  }
0x196: {  	v1 =	vmul.f32 v2, v1;
	_ =	sdelay $0x1  }
0x197: {  	v1 =	vmul.f32 v1, v3;
	_ =	sdelay $0x1  }
0x198: {  	v2 =	vld [tilespmem:$0x490];
	[tilespmem:$0x480] =	vst v1  }
0x199: {  	v1 =	vld.idx.msk [tilespmem:v4+s14+$0x0], $0xffff  }
0x19a: {  	v3 =	vld.idx.msk [tilespmem:v5+s14+$0x0], $0xffff  }
0x19b: {  	v4 =	vld [tilespmem:$0xA0]  }
0x19c: {  	v5 =	vld [tilespmem:$0x2A0];
	_ =	sdelay $0x1  }
0x19d: {  	v1 =	vmul.f32 v2, v1;
	_ =	sdelay $0x1  }
0x19e: {  	v1 =	vmul.f32 v1, v3;
	_ =	sdelay $0x1  }
0x19f: {  	v2 =	vld [tilespmem:$0x4A0];
	[tilespmem:$0x490] =	vst v1  }
0x1a0: {  	v1 =	vld.idx.msk [tilespmem:v4+s14+$0x0], $0xffff  }
0x1a1: {  	v3 =	vld.idx.msk [tilespmem:v5+s14+$0x0], $0xffff  }
0x1a2: {  	v4 =	vld [tilespmem:$0xB0]  }
0x1a3: {  	v5 =	vld [tilespmem:$0x2B0];
	_ =	sdelay $0x1  }
0x1a4: {  	v1 =	vmul.f32 v2, v1;
	_ =	sdelay $0x1  }
0x1a5: {  	v1 =	vmul.f32 v1, v3;
	_ =	sdelay $0x1  }
0x1a6: {  	v2 =	vld [tilespmem:$0x4B0];
	[tilespmem:$0x4A0] =	vst v1  }
0x1a7: {  	v1 =	vld.idx.msk [tilespmem:v4+s14+$0x0], $0xffff  }
0x1a8: {  	v3 =	vld.idx.msk [tilespmem:v5+s14+$0x0], $0xffff  }
0x1a9: {  	v4 =	vld [tilespmem:$0xC0]  }
0x1aa: {  	v5 =	vld [tilespmem:$0x2C0];
	_ =	sdelay $0x1  }
0x1ab: {  	v1 =	vmul.f32 v2, v1;
	_ =	sdelay $0x1  }
0x1ac: {  	v1 =	vmul.f32 v1, v3;
	_ =	sdelay $0x1  }
0x1ad: {  	v2 =	vld [tilespmem:$0x4C0];
	[tilespmem:$0x4B0] =	vst v1  }
0x1ae: {  	v1 =	vld.idx.msk [tilespmem:v4+s14+$0x0], $0xffff  }
0x1af: {  	v3 =	vld.idx.msk [tilespmem:v5+s14+$0x0], $0xffff  }
0x1b0: {  	v4 =	vld [tilespmem:$0xD0]  }
0x1b1: {  	v5 =	vld [tilespmem:$0x2D0];
	_ =	sdelay $0x1  }
0x1b2: {  	v1 =	vmul.f32 v2, v1;
	_ =	sdelay $0x1  }
0x1b3: {  	v1 =	vmul.f32 v1, v3;
	_ =	sdelay $0x1  }
0x1b4: {  	v2 =	vld [tilespmem:$0x4D0];
	[tilespmem:$0x4C0] =	vst v1  }
0x1b5: {  	v1 =	vld.idx.msk [tilespmem:v4+s14+$0x0], $0xffff  }
0x1b6: {  	v3 =	vld.idx.msk [tilespmem:v5+s14+$0x0], $0xffff  }
0x1b7: {  	v4 =	vld [tilespmem:$0x100]  }
0x1b8: {  	v5 =	vld [tilespmem:$0x300];
	_ =	sdelay $0x1  }
0x1b9: {  	v1 =	vmul.f32 v2, v1;
	_ =	sdelay $0x1  }
0x1ba: {  	v1 =	vmul.f32 v1, v3;
	_ =	sdelay $0x1  }
0x1bb: {  	v2 =	vld [tilespmem:$0x500];
	[tilespmem:$0x4D0] =	vst v1  }
0x1bc: {  	v1 =	vld.idx.msk [tilespmem:v4+s14+$0x0], $0xffff  }
0x1bd: {  	v3 =	vld.idx.msk [tilespmem:v5+s14+$0x0], $0xffff  }
0x1be: {  	v4 =	vld [tilespmem:$0x110]  }
0x1bf: {  	v5 =	vld [tilespmem:$0x310];
	_ =	sdelay $0x1  }
0x1c0: {  	v1 =	vmul.f32 v2, v1;
	_ =	sdelay $0x1  }
0x1c1: {  	v1 =	vmul.f32 v1, v3;
	_ =	sdelay $0x1  }
0x1c2: {  	v2 =	vld [tilespmem:$0x510];
	[tilespmem:$0x500] =	vst v1  }
0x1c3: {  	v1 =	vld.idx.msk [tilespmem:v4+s14+$0x0], $0xffff  }
0x1c4: {  	v3 =	vld.idx.msk [tilespmem:v5+s14+$0x0], $0xffff  }
0x1c5: {  	v4 =	vld [tilespmem:$0x120]  }
0x1c6: {  	v5 =	vld [tilespmem:$0x320];
	_ =	sdelay $0x1  }
0x1c7: {  	v1 =	vmul.f32 v2, v1;
	_ =	sdelay $0x1  }
0x1c8: {  	v1 =	vmul.f32 v1, v3;
	_ =	sdelay $0x1  }
0x1c9: {  	v2 =	vld [tilespmem:$0x520];
	[tilespmem:$0x510] =	vst v1  }
0x1ca: {  	v1 =	vld.idx.msk [tilespmem:v4+s14+$0x0], $0xffff  }
0x1cb: {  	v3 =	vld.idx.msk [tilespmem:v5+s14+$0x0], $0xffff  }
0x1cc: {  	v4 =	vld [tilespmem:$0x130]  }
0x1cd: {  	v5 =	vld [tilespmem:$0x330];
	_ =	sdelay $0x1  }
0x1ce: {  	v1 =	vmul.f32 v2, v1;
	_ =	sdelay $0x1  }
0x1cf: {  	v1 =	vmul.f32 v1, v3;
	_ =	sdelay $0x1  }
0x1d0: {  	v2 =	vld [tilespmem:$0x530];
	[tilespmem:$0x520] =	vst v1  }
0x1d1: {  	v1 =	vld.idx.msk [tilespmem:v4+s14+$0x0], $0xffff  }
0x1d2: {  	v3 =	vld.idx.msk [tilespmem:v5+s14+$0x0], $0xffff  }
0x1d3: {  	v4 =	vld [tilespmem:$0x140];
	_ =	sdelay $0x1  }
0x1d4: {  	v5 =	vld [tilespmem:$0x340]  }
0x1d5: {  	v1 =	vmul.f32 v2, v1;
	_ =	sdelay $0x1  }
0x1d6: {  	v1 =	vmul.f32 v1, v3;
	_ =	sdelay $0x1  }
0x1d7: {  	v2 =	vld [tilespmem:$0x540];
	[tilespmem:$0x530] =	vst v1  }
0x1d8: {  	v1 =	vld.idx.msk [tilespmem:v4+s14+$0x0], $0xffff;
	_ =	sdelay $0x1  }
0x1d9: {  	v3 =	vld.idx.msk [tilespmem:v5+s14+$0x0], $0xffff  }
0x1da: {  	v4 =	vld [tilespmem:$0x150];
	_ =	sdelay $0x1  }
0x1db: {  	v1 =	vmul.f32 v2, v1;
	v2 =	vld [tilespmem:$0x350];
	_ =	sdelay $0x2  }
0x1dc: {  	v1 =	vmul.f32 v1, v3;
	_ =	sdelay $0x1  }
0x1dd: {  	v3 =	vld [tilespmem:$0x550];
	[tilespmem:$0x540] =	vst v1  }
0x1de: {  	v1 =	vld.idx.msk [tilespmem:v4+s14+$0x0], $0xffff;
	_ =	sdelay $0x1  }
0x1df: {  	v2 =	vld.idx.msk [tilespmem:v2+s14+$0x0], $0xffff;
	_ =	sdelay $0x2  }
0x1e0: {  	v1 =	vmul.f32 v3, v1;
	_ =	sdelay $0x1  }
0x1e1: {  	v1 =	vmul.f32 v1, v2;
	_ =	sdelay $0x1  }
0x1e2: {  	[tilespmem:$0x550] =	vst v1;
	v1 =	vmov s15  }
0x1e3: {  	[tilespmem:s29], [sflag:$0x1] =	stream.indirect.gather [hbm4b:s8+s4], $0x80, s15, s4, $0xb8;
	v1 =	vand.u32 $0xFFFFFFFC, v1;
	[tilespmem:$0x1FC80] =	vst v63  }
0x1e4: {  	s16 =	simm.s32 $0x80;
	s17 =	simm.s32 $0x19C80;
	v1 =	vbroadcast v1, $0x0  }
0x1e5: {  	[tilespmem:s17], [sflag:$0x2] =	stream.indirect.gather [hbm4b:s8+s4], $0x80, s16, s4, $0xb8;
	[tilespmem:$0x1FC80] =	vst v63  }
0x1e6: {  	_ =	swait.ge [sflag:s18], $0x3000  }
0x1e7: {  	[sflag:s18] =	ssyncset.done $0x0  }
0x1e8: {  	s16 =	simm.s32 $0x16D80;
	[sflag:s18] =	ssyncadd.s32 $0xFFFFD000  }
0x1e9: {  	v2 =	vld [tilespmem:s16+$0xFFFFFF70]  }
0x1ea: {  	v1 =	vld.idx.msk [tilespmem:v1+s0+$0x0], $0xffff  }
0x1eb: {  	v3 =	vld [tilespmem:s16+$0xFFFFFF00]  }
0x1ec: {  	v4 =	vld [tilespmem:s16+$0xFFFFFF20]  }
0x1ed: {  	v5 =	vld [tilespmem:s16+$0xFFFFFF50]  }
0x1ee: {  	v6 =	vld [tilespmem:s16+$0xFFFFFF40]  }
0x1ef: {  	v7 =	vld [tilespmem:s16+$0xFFFFFF60];
	v2 =	vmul.f32 v2, v1  }
0x1f0: {  	s19 =	simm.s32 $0x1;
	v8 =	vld [tilespmem:s16+$0xFFFFFF30];
	v3 =	vmul.f32 v3, v1  }
0x1f1: {  	v9 =	vld [tilespmem:s16+$0xFFFFFF10];
	v4 =	vmul.f32 v4, v1;
	[tilespmem:s16+$0xFFFFFF70] =	vst v2;
	v2 =	vmov s19  }
0x1f2: {  	v5 =	vmul.f32 v5, v1;
	[tilespmem:s16+$0xFFFFFF00] =	vst v3;
	v2 =	vand.u32 $0xFFFFFFFD, v2  }
0x1f3: {  	v3 =	vmul.f32 v6, v1;
	[tilespmem:s16+$0xFFFFFF20] =	vst v4;
	v2 =	vbroadcast v2, $0x0  }
0x1f4: {  	v4 =	vmul.f32 v7, v1;
	[tilespmem:s16+$0xFFFFFF50] =	vst v5  }
0x1f5: {  	v5 =	vmul.f32 v8, v1;
	[tilespmem:s16+$0xFFFFFF40] =	vst v3  }
0x1f6: {  	v1 =	vmul.f32 v9, v1;
	[tilespmem:s16+$0xFFFFFF60] =	vst v4  }
0x1f7: {  	[tilespmem:s16+$0xFFFFFF30] =	vst v5  }
0x1f8: {  	[tilespmem:s16+$0xFFFFFF10] =	vst v1;
	v1 =	vld [tilespmem:s16+$0xFFFFFF90]  }
0x1f9: {  	v3 =	vld.idx.msk [tilespmem:v2+s0+$0x0], $0xffff  }
0x1fa: {  	v2 =	vld [tilespmem:s16+$0xFFFFFFA0]  }
0x1fb: {  	v4 =	vld [tilespmem:s16+$0xFFFFFF80]  }
0x1fc: {  	v5 =	vld [tilespmem:s16+$0xFFFFFFB0]  }
0x1fd: {  	v6 =	vld [tilespmem:s16+$0xFFFFFFC0]  }
0x1fe: {  	v7 =	vld [tilespmem:s16+$0xFFFFFFD0];
	v1 =	vmul.f32 v1, v3  }
0x1ff: {  	s21 =	simm.s32 $0x2;
	v8 =	vld [tilespmem:s16+$0xFFFFFFF0];
	v2 =	vmul.f32 v2, v3  }
0x200: {  	v63 =	vld [tilespmem:s16+$0xFFFFFFE0];
	v4 =	vmul.f32 v4, v3;
	[tilespmem:s16+$0xFFFFFF90] =	vst v1;
	v1 =	vmov s21  }
0x201: {  	v5 =	vmul.f32 v5, v3;
	[tilespmem:s16+$0xFFFFFFA0] =	vst v2;
	v1 =	vand.u32 $0xFFFFFFFE, v1  }
0x202: {  	v2 =	vmul.f32 v6, v3;
	[tilespmem:s16+$0xFFFFFF80] =	vst v4;
	v6 =	vld [tilespmem:s16+$0x60];
	v10 =	vbroadcast v1, $0x0  }
0x203: {  	v4 =	vmul.f32 v7, v3;
	[tilespmem:s16+$0xFFFFFFB0] =	vst v5;
	v7 =	vld [tilespmem:s16+$0x0]  }
0x204: {  	v5 =	vmul.f32 v8, v3;
	v1 =	vld [tilespmem:s16+$0x20];
	[tilespmem:s16+$0xFFFFFFC0] =	vst v2  }
0x205: {  	v3 =	vmul.f32 v63, v3;
	v2 =	vld [tilespmem:s16+$0x30];
	[tilespmem:s16+$0xFFFFFFD0] =	vst v4  }
0x206: {  	[tilespmem:s16+$0xFFFFFFF0] =	vst v5;
	v4 =	vld [tilespmem:s16+$0x40]  }
0x207: {  	[tilespmem:s16+$0xFFFFFFE0] =	vst v3;
	v5 =	vld [tilespmem:s16+$0x10]  }
0x208: {  	s7 =	simm.s32 $0x16D80;
	s6 =	simm.s32 $0x4;
	s19 =	simm.s32 $0x0;
	v3 =	vld.idx.msk [tilespmem:v10+s0+$0x0], $0xffff  }
.LBB2_9:
0x209: {  	p0 =	slt.u32 s6, $0x5C  }
0x20a: {  	v8 =	vld [tilespmem:s16+$0x50];
	s7 =	sadd.s32 $0x200, s7;
	s21 =	smov.u32 s6;
	s6 =	sadd.s32 $0x4, s6  }
0x20b: {  	v9 =	vld [tilespmem:s16+$0x70];
	_ =	sdelay $0x1  }
0x20c: {  	v6 =	vmul.f32 v6, v3;
	v7 =	vmul.f32 v7, v3  }
0x20d: {  	v4 =	vmul.f32 v4, v3;
	v5 =	vmul.f32 v5, v3  }
0x20e: {  	v1 =	vmul.f32 v1, v3;
	v2 =	vmul.f32 v2, v3;
	[tilespmem:s16+$0x60] =	vst v6  }
0x20f: {  	[tilespmem:s16+$0x40] =	vst v4;
	v4 =	vmul.f32 v8, v3;
	v3 =	vmul.f32 v9, v3  }
0x210: {  	s17 =	sadd.s32 $0x3, s19;
	s19 =	smov.u32 s21;
	[tilespmem:s16+$0x20] =	vst v1;
	v6 =	vld [tilespmem:s16+$0x80]  }
0x211: {  	v1 =	vld [tilespmem:s7+$0x20];
	[tilespmem:s16+$0x0] =	vst v7;
	v7 =	vmov s17  }
0x212: {  	[tilespmem:s16+$0x50] =	vst v4;
	v4 =	vld [tilespmem:s16+$0xE0]  }
0x213: {  	[tilespmem:s16+$0x30] =	vst v2;
	v8 =	vld [tilespmem:s16+$0xC0]  }
0x214: {  	v2 =	vld [tilespmem:s7+$0x30];
	[tilespmem:s16+$0x10] =	vst v5  }
0x215: {  	[tilespmem:s16+$0x70] =	vst v3;
	v3 =	vld [tilespmem:s16+$0xA0]  }
0x216: {  	v5 =	vld.idx.msk [tilespmem:v7+s0+$0x0], $0xffff  }
0x217: {  	v7 =	vld [tilespmem:s16+$0x90]  }
0x218: {  	v9 =	vld [tilespmem:s16+$0xB0]  }
0x219: {  	v10 =	vld [tilespmem:s16+$0xD0]  }
0x21a: {  	v11 =	vld [tilespmem:s16+$0xF0];
	_ =	sdelay $0x1  }
0x21b: {  	v6 =	vmul.f32 v6, v5;
	v7 =	vmul.f32 v7, v5  }
0x21c: {  	v3 =	vmul.f32 v3, v5;
	v9 =	vmul.f32 v9, v5  }
0x21d: {  	v12 =	vmov s19;
	[tilespmem:s16+$0x80] =	vst v6;
	v6 =	vmul.f32 v8, v5;
	v8 =	vmul.f32 v10, v5  }
0x21e: {  	v10 =	vand.u32 $0xFFFFFFFC, v12;
	[tilespmem:s16+$0xA0] =	vst v3;
	v3 =	vmul.f32 v4, v5;
	v4 =	vmul.f32 v11, v5  }
0x21f: {  	v5 =	vbroadcast v10, $0x0;
	[tilespmem:s16+$0xC0] =	vst v6  }
0x220: {  	[tilespmem:s16+$0xF0] =	vst v4  }
0x221: {  	v4 =	vld [tilespmem:s7+$0xFFFFFF40];
	[tilespmem:s16+$0xE0] =	vst v3  }
0x222: {  	v3 =	vld [tilespmem:s7+$0xFFFFFF50];
	[tilespmem:s16+$0x90] =	vst v7  }
0x223: {  	v6 =	vld [tilespmem:s7+$0xFFFFFF60];
	[tilespmem:s16+$0xB0] =	vst v9  }
0x224: {  	v7 =	vld [tilespmem:s7+$0xFFFFFF70];
	[tilespmem:s16+$0xD0] =	vst v8;
	s16 =	smov.u32 s7  }
0x225: {  	v5 =	vld.idx.msk [tilespmem:v5+s0+$0x0], $0xffff  }
0x226: {  	v8 =	vld [tilespmem:s7+$0xFFFFFF00]  }
0x227: {  	v9 =	vld [tilespmem:s7+$0xFFFFFF20]  }
0x228: {  	v10 =	vld [tilespmem:s7+$0xFFFFFF10]  }
0x229: {  	v11 =	vld [tilespmem:s7+$0xFFFFFF30];
	_ =	sdelay $0x1  }
0x22a: {  	v7 =	vmul.f32 v7, v5;
	v8 =	vmul.f32 v8, v5  }
0x22b: {  	s17 =	sadd.s32 $0x1, s19;
	v6 =	vmul.f32 v6, v5;
	v9 =	vmul.f32 v9, v5  }
0x22c: {  	v3 =	vmul.f32 v3, v5;
	v10 =	vmul.f32 v10, v5;
	[tilespmem:s7+$0xFFFFFF70] =	vst v7;
	v7 =	vmov s17  }
0x22d: {  	v4 =	vmul.f32 v4, v5;
	[tilespmem:s7+$0xFFFFFF00] =	vst v8;
	v8 =	vmul.f32 v11, v5;
	v5 =	vand.u32 $0xFFFFFFFD, v7  }
0x22e: {  	[tilespmem:s7+$0xFFFFFF20] =	vst v9;
	v5 =	vbroadcast v5, $0x0  }
0x22f: {  	[tilespmem:s7+$0xFFFFFF50] =	vst v3  }
0x230: {  	[tilespmem:s7+$0xFFFFFF40] =	vst v4;
	v3 =	vld [tilespmem:s7+$0xFFFFFFF0]  }
0x231: {  	[tilespmem:s7+$0xFFFFFF60] =	vst v6;
	v4 =	vld [tilespmem:s7+$0xFFFFFFC0]  }
0x232: {  	[tilespmem:s7+$0xFFFFFF30] =	vst v8;
	v6 =	vld [tilespmem:s7+$0xFFFFFFD0]  }
0x233: {  	[tilespmem:s7+$0xFFFFFF10] =	vst v10;
	v7 =	vld [tilespmem:s7+$0xFFFFFF90]  }
0x234: {  	v5 =	vld.idx.msk [tilespmem:v5+s0+$0x0], $0xffff  }
0x235: {  	v8 =	vld [tilespmem:s7+$0xFFFFFF80]  }
0x236: {  	v9 =	vld [tilespmem:s7+$0xFFFFFFA0]  }
0x237: {  	v10 =	vld [tilespmem:s7+$0xFFFFFFB0]  }
0x238: {  	v11 =	vld [tilespmem:s7+$0xFFFFFFE0];
	_ =	sdelay $0x1  }
0x239: {  	v7 =	vmul.f32 v7, v5;
	v8 =	vmul.f32 v8, v5  }
0x23a: {  	s17 =	sadd.s32 $0x2, s19;
	v6 =	vmul.f32 v6, v5;
	v9 =	vmul.f32 v9, v5  }
0x23b: {  	v4 =	vmul.f32 v4, v5;
	[tilespmem:s7+$0xFFFFFF90] =	vst v7;
	v7 =	vmul.f32 v10, v5;
	v10 =	vmov s17  }
0x23c: {  	v3 =	vmul.f32 v3, v5;
	[tilespmem:s7+$0xFFFFFFA0] =	vst v9;
	v9 =	vmul.f32 v11, v5;
	v5 =	vand.u32 $0xFFFFFFFE, v10  }
0x23d: {  	[tilespmem:s7+$0xFFFFFF80] =	vst v8;
	v5 =	vbroadcast v5, $0x0  }
0x23e: {  	[tilespmem:s7+$0xFFFFFFB0] =	vst v7  }
0x23f: {  	[tilespmem:s7+$0xFFFFFFC0] =	vst v4  }
0x240: {  	[tilespmem:s7+$0xFFFFFFD0] =	vst v6  }
.Ltmp3:
0x241: {  	[tilespmem:s7+$0xFFFFFFF0] =	vst v3;
	v4 =	vld [tilespmem:s7+$0x40];
	(pc) =	sbr.rel @p0 .LBB2_9-.Ltmp3, $4  }
0x242: {  	[tilespmem:s7+$0xFFFFFFE0] =	vst v9;
	v6 =	vld [tilespmem:s7+$0x60]  }
0x243: {  	v3 =	vld.idx.msk [tilespmem:v5+s0+$0x0], $0xffff  }
0x244: {  	v7 =	vld [tilespmem:s7+$0x0]  }
0x245: {  	v5 =	vld [tilespmem:s7+$0x10]  }
0x246: {  	_ =	sdelay $0x1  }
0x247: {  	v6 =	vmul.f32 v6, v3  }
0x248: {  	v8 =	vld [tilespmem:s16+$0x50];
	v4 =	vmul.f32 v4, v3  }
0x249: {  	v9 =	vld [tilespmem:s16+$0x70];
	v1 =	vmul.f32 v1, v3;
	[tilespmem:s16+$0x60] =	vst v6  }
0x24a: {  	v6 =	vmul.f32 v7, v3;
	[tilespmem:s16+$0x40] =	vst v4  }
0x24b: {  	s6 =	sadd.s32 $0x3, s19;
	[tilespmem:s16+$0x20] =	vst v1;
	v1 =	vmul.f32 v2, v3  }
0x24c: {  	v5 =	vmul.f32 v5, v3;
	[tilespmem:s16+$0x0] =	vst v6;
	v6 =	vmov s6  }
0x24d: {  	v4 =	vmul.f32 v8, v3;
	[tilespmem:s16+$0x30] =	vst v1  }
0x24e: {  	v3 =	vmul.f32 v9, v3;
	[tilespmem:s16+$0x10] =	vst v5  }
0x24f: {  	v60 =	vld [tilespmem:s16+$0xD0];
	[tilespmem:s16+$0x50] =	vst v4  }
0x250: {  	v2 =	vld [tilespmem:s16+$0x80];
	[tilespmem:s16+$0x70] =	vst v3  }
0x251: {  	v1 =	vld.idx.msk [tilespmem:v6+s0+$0x0], $0xffff  }
0x252: {  	v3 =	vld [tilespmem:s16+$0xA0]  }
0x253: {  	v4 =	vld [tilespmem:s16+$0xC0]  }
0x254: {  	v5 =	vld [tilespmem:s16+$0xF0]  }
0x255: {  	v6 =	vld [tilespmem:s16+$0xE0]  }
0x256: {  	v7 =	vld [tilespmem:s16+$0x90];
	v2 =	vmul.f32 v2, v1  }
0x257: {  	v8 =	vld [tilespmem:s16+$0xB0];
	v3 =	vmul.f32 v3, v1  }
0x258: {  	[tilespmem:s16+$0x80] =	vst v2;
	v2 =	vmul.f32 v4, v1  }
0x259: {  	[tilespmem:s16+$0xA0] =	vst v3;
	v3 =	vmul.f32 v5, v1  }
0x25a: {  	v4 =	vmul.f32 v6, v1;
	[tilespmem:s16+$0xC0] =	vst v2  }
0x25b: {  	v2 =	vmul.f32 v7, v1;
	[tilespmem:s16+$0xF0] =	vst v3  }
0x25c: {  	v3 =	vmul.f32 v8, v1;
	[tilespmem:s16+$0xE0] =	vst v4;
	v1 =	vmul.f32 v60, v1  }
0x25d: {  	s19 =	simm.s32 $0x0;
	[tilespmem:s16+$0x90] =	vst v2  }
0x25e: {  	[tilespmem:s16+$0xD0] =	vst v1;
	v1 =	vmov s19  }
0x25f: {  	[tilespmem:s16+$0xB0] =	vst v3;
	v1 =	vand.u32 $0x7C, v1  }
0x260: {  	[spmem:s2] =	stream.indirect.scatter.add.f32 [tilespmem:s29], [sflag:$0x4], $0x80, s31, s4, $0xb8;
	v1 =	vor.u32 $0x80, v1;
	[tilespmem:$0x1FC80] =	vst v63  }
0x261: {  	s7 =	simm.s32 $0x1CC80;
	s16 =	simm.s32 $0x100;
	v1 =	vbroadcast v1, $0x0  }
0x262: {  	[tilespmem:s7], [sflag:$0x3] =	stream.indirect.gather [hbm4b:s8+s4], $0x80, s16, s4, $0xb8;
	[tilespmem:$0x1FC80] =	vst v63  }
0x263: {  	_ =	swait.ge [sflag:s22], $0x3000  }
0x264: {  	[sflag:s22] =	ssyncset.done $0x0  }
0x265: {  	s16 =	simm.s32 $0x19D80;
	[sflag:s22] =	ssyncadd.s32 $0xFFFFD000  }
0x266: {  	v3 =	vld [tilespmem:s16+$0xFFFFFF70]  }
0x267: {  	v1 =	vld.idx.msk [tilespmem:v1+s0+$0x0], $0xffff  }
0x268: {  	v4 =	vld [tilespmem:s16+$0xFFFFFF00]  }
0x269: {  	v5 =	vld [tilespmem:s16+$0xFFFFFF20]  }
0x26a: {  	v6 =	vld [tilespmem:s16+$0xFFFFFF30]  }
0x26b: {  	v2 =	vld [tilespmem:s16+$0xFFFFFF50]  }
0x26c: {  	s17 =	simm.s32 $0x1;
	v8 =	vld [tilespmem:s16+$0xFFFFFF10];
	v3 =	vmul.f32 v3, v1  }
0x26d: {  	v10 =	vmov s17;
	v7 =	vld [tilespmem:s16+$0xFFFFFF60];
	v4 =	vmul.f32 v4, v1  }
0x26e: {  	v61 =	vld [tilespmem:s16+$0xFFFFFF40];
	v5 =	vmul.f32 v5, v1;
	[tilespmem:s16+$0xFFFFFF70] =	vst v3;
	v3 =	vand.u32 $0x7D, v10  }
0x26f: {  	v6 =	vmul.f32 v6, v1;
	[tilespmem:s16+$0xFFFFFF00] =	vst v4;
	v3 =	vor.u32 $0x80, v3  }
0x270: {  	v2 =	vmul.f32 v2, v1;
	[tilespmem:s16+$0xFFFFFF20] =	vst v5;
	v3 =	vbroadcast v3, $0x0  }
0x271: {  	v4 =	vmul.f32 v8, v1;
	[tilespmem:s16+$0xFFFFFF30] =	vst v6  }
0x272: {  	v5 =	vmul.f32 v7, v1;
	[tilespmem:s16+$0xFFFFFF50] =	vst v2  }
0x273: {  	v1 =	vmul.f32 v61, v1;
	[tilespmem:s16+$0xFFFFFF10] =	vst v4  }
0x274: {  	[tilespmem:s16+$0xFFFFFF60] =	vst v5  }
0x275: {  	[tilespmem:s16+$0xFFFFFF40] =	vst v1;
	v1 =	vld [tilespmem:s16+$0xFFFFFF80]  }
0x276: {  	v3 =	vld.idx.msk [tilespmem:v3+s0+$0x0], $0xffff  }
0x277: {  	v2 =	vld [tilespmem:s16+$0xFFFFFFA0]  }
0x278: {  	v4 =	vld [tilespmem:s16+$0xFFFFFFF0]  }
0x279: {  	v5 =	vld [tilespmem:s16+$0xFFFFFFC0]  }
0x27a: {  	v6 =	vld [tilespmem:s16+$0xFFFFFF90]  }
0x27b: {  	s21 =	simm.s32 $0x2;
	v7 =	vld [tilespmem:s16+$0xFFFFFFD0];
	v1 =	vmul.f32 v1, v3  }
0x27c: {  	v62 =	vmov s21;
	v8 =	vld [tilespmem:s16+$0xFFFFFFB0];
	v2 =	vmul.f32 v2, v3  }
0x27d: {  	v63 =	vld [tilespmem:s16+$0xFFFFFFE0];
	v4 =	vmul.f32 v4, v3;
	[tilespmem:s16+$0xFFFFFF80] =	vst v1;
	v1 =	vand.u32 $0x7E, v62  }
0x27e: {  	v5 =	vmul.f32 v5, v3;
	[tilespmem:s16+$0xFFFFFFA0] =	vst v2;
	v1 =	vor.u32 $0x80, v1  }
0x27f: {  	v2 =	vmul.f32 v6, v3;
	[tilespmem:s16+$0xFFFFFFF0] =	vst v4;
	v4 =	vbroadcast v1, $0x0  }
0x280: {  	v6 =	vmul.f32 v7, v3;
	[tilespmem:s16+$0xFFFFFFC0] =	vst v5;
	v7 =	vld [tilespmem:s16+$0x30]  }
0x281: {  	v5 =	vmul.f32 v8, v3;
	v1 =	vld [tilespmem:s16+$0x60];
	[tilespmem:s16+$0xFFFFFF90] =	vst v2  }
0x282: {  	v3 =	vmul.f32 v63, v3;
	v2 =	vld [tilespmem:s16+$0x70];
	[tilespmem:s16+$0xFFFFFFD0] =	vst v6  }
0x283: {  	[tilespmem:s16+$0xFFFFFFB0] =	vst v5;
	v6 =	vld [tilespmem:s16+$0x20]  }
0x284: {  	[tilespmem:s16+$0xFFFFFFE0] =	vst v3;
	v5 =	vld [tilespmem:s16+$0x0]  }
0x285: {  	v3 =	vld.idx.msk [tilespmem:v4+s0+$0x0], $0xffff  }
0x286: {  	s6 =	simm.s32 $0x4;
	s7 =	simm.s32 $0x19D80;
	v4 =	vld [tilespmem:s16+$0x10]  }
.LBB2_11:
0x287: {  	p0 =	slt.u32 s6, $0x5C  }
0x288: {  	v8 =	vld [tilespmem:s16+$0x50];
	s7 =	sadd.s32 $0x200, s7;
	s17 =	smov.u32 s6;
	s6 =	sadd.s32 $0x4, s6  }
0x289: {  	v9 =	vld [tilespmem:s16+$0x40];
	_ =	sdelay $0x1  }
0x28a: {  	s21 =	sadd.s32 $0x3, s19;
	s19 =	smov.u32 s17;
	v7 =	vmul.f32 v7, v3;
	v5 =	vmul.f32 v5, v3  }
0x28b: {  	v10 =	vmov s21;
	v6 =	vmul.f32 v6, v3;
	v4 =	vmul.f32 v4, v3  }
0x28c: {  	v1 =	vmul.f32 v1, v3;
	v2 =	vmul.f32 v2, v3;
	[tilespmem:s16+$0x30] =	vst v7;
	v7 =	vand.u32 $0x7F, v10  }
0x28d: {  	[tilespmem:s16+$0x20] =	vst v6;
	v6 =	vmul.f32 v9, v3;
	v3 =	vmul.f32 v8, v3;
	v7 =	vor.u32 $0x80, v7  }
0x28e: {  	[tilespmem:s16+$0x70] =	vst v2;
	v7 =	vbroadcast v7, $0x0;
	v8 =	vld [tilespmem:s16+$0x80]  }
0x28f: {  	[tilespmem:s16+$0x60] =	vst v1;
	v9 =	vld [tilespmem:s16+$0xF0]  }
0x290: {  	v1 =	vld [tilespmem:s7+$0x60];
	[tilespmem:s16+$0x50] =	vst v3  }
0x291: {  	v2 =	vld [tilespmem:s7+$0x70];
	[tilespmem:s16+$0x40] =	vst v6  }
0x292: {  	[tilespmem:s16+$0x0] =	vst v5;
	v3 =	vld [tilespmem:s16+$0xD0]  }
0x293: {  	[tilespmem:s16+$0x10] =	vst v4;
	v4 =	vld [tilespmem:s16+$0xB0]  }
0x294: {  	v5 =	vld.idx.msk [tilespmem:v7+s0+$0x0], $0xffff  }
0x295: {  	v6 =	vld [tilespmem:s16+$0x90]  }
0x296: {  	v7 =	vld [tilespmem:s16+$0xA0]  }
0x297: {  	v10 =	vld [tilespmem:s16+$0xC0]  }
0x298: {  	v11 =	vld [tilespmem:s16+$0xE0];
	_ =	sdelay $0x1  }
0x299: {  	v8 =	vmul.f32 v8, v5;
	v6 =	vmul.f32 v6, v5  }
0x29a: {  	v12 =	vmov s19;
	v4 =	vmul.f32 v4, v5;
	v7 =	vmul.f32 v7, v5  }
0x29b: {  	v12 =	vand.u32 $0x7C, v12;
	v3 =	vmul.f32 v3, v5;
	[tilespmem:s16+$0x80] =	vst v8;
	v8 =	vmul.f32 v10, v5  }
0x29c: {  	v10 =	vor.u32 $0x80, v12;
	[tilespmem:s16+$0xB0] =	vst v4;
	v4 =	vmul.f32 v11, v5;
	v5 =	vmul.f32 v9, v5  }
0x29d: {  	v9 =	vbroadcast v10, $0x0;
	[tilespmem:s16+$0xA0] =	vst v7  }
0x29e: {  	[tilespmem:s16+$0xD0] =	vst v3  }
0x29f: {  	v3 =	vld [tilespmem:s7+$0xFFFFFF50];
	[tilespmem:s16+$0xF0] =	vst v5  }
0x2a0: {  	v5 =	vld [tilespmem:s7+$0xFFFFFF30];
	[tilespmem:s16+$0x90] =	vst v6  }
0x2a1: {  	v6 =	vld [tilespmem:s7+$0xFFFFFF60];
	[tilespmem:s16+$0xC0] =	vst v8  }
0x2a2: {  	v7 =	vld [tilespmem:s7+$0xFFFFFF70];
	[tilespmem:s16+$0xE0] =	vst v4;
	s16 =	smov.u32 s7  }
0x2a3: {  	v4 =	vld.idx.msk [tilespmem:v9+s0+$0x0], $0xffff  }
0x2a4: {  	v8 =	vld [tilespmem:s7+$0xFFFFFF00]  }
0x2a5: {  	v9 =	vld [tilespmem:s7+$0xFFFFFF20]  }
0x2a6: {  	v10 =	vld [tilespmem:s7+$0xFFFFFF10]  }
0x2a7: {  	v11 =	vld [tilespmem:s7+$0xFFFFFF40];
	_ =	sdelay $0x1  }
0x2a8: {  	s17 =	sadd.s32 $0x1, s19;
	v7 =	vmul.f32 v7, v4;
	v8 =	vmul.f32 v8, v4  }
0x2a9: {  	v12 =	vmov s17;
	v6 =	vmul.f32 v6, v4;
	v9 =	vmul.f32 v9, v4  }
0x2aa: {  	v5 =	vmul.f32 v5, v4;
	v10 =	vmul.f32 v10, v4;
	[tilespmem:s7+$0xFFFFFF70] =	vst v7;
	v7 =	vand.u32 $0x7D, v12  }
0x2ab: {  	v3 =	vmul.f32 v3, v4;
	[tilespmem:s7+$0xFFFFFF00] =	vst v8;
	v8 =	vmul.f32 v11, v4;
	v4 =	vor.u32 $0x80, v7  }
0x2ac: {  	[tilespmem:s7+$0xFFFFFF20] =	vst v9;
	v4 =	vbroadcast v4, $0x0  }
0x2ad: {  	[tilespmem:s7+$0xFFFFFF30] =	vst v5  }
0x2ae: {  	[tilespmem:s7+$0xFFFFFF50] =	vst v3;
	v3 =	vld [tilespmem:s7+$0xFFFFFFD0]  }
0x2af: {  	[tilespmem:s7+$0xFFFFFF10] =	vst v10;
	v5 =	vld [tilespmem:s7+$0xFFFFFFE0]  }
0x2b0: {  	[tilespmem:s7+$0xFFFFFF60] =	vst v6;
	v6 =	vld [tilespmem:s7+$0xFFFFFFB0]  }
0x2b1: {  	[tilespmem:s7+$0xFFFFFF40] =	vst v8;
	v7 =	vld [tilespmem:s7+$0xFFFFFFF0]  }
0x2b2: {  	v4 =	vld.idx.msk [tilespmem:v4+s0+$0x0], $0xffff  }
0x2b3: {  	v8 =	vld [tilespmem:s7+$0xFFFFFF80]  }
0x2b4: {  	v9 =	vld [tilespmem:s7+$0xFFFFFFA0]  }
0x2b5: {  	v10 =	vld [tilespmem:s7+$0xFFFFFFC0]  }
0x2b6: {  	v11 =	vld [tilespmem:s7+$0xFFFFFF90];
	_ =	sdelay $0x1  }
0x2b7: {  	s17 =	sadd.s32 $0x2, s19;
	v7 =	vmul.f32 v7, v4;
	v8 =	vmul.f32 v8, v4  }
0x2b8: {  	v12 =	vmov s17;
	v6 =	vmul.f32 v6, v4;
	v9 =	vmul.f32 v9, v4  }
0x2b9: {  	v5 =	vmul.f32 v5, v4;
	[tilespmem:s7+$0xFFFFFF80] =	vst v8;
	v8 =	vmul.f32 v10, v4;
	v10 =	vand.u32 $0x7E, v12  }
0x2ba: {  	v3 =	vmul.f32 v3, v4;
	v11 =	vmul.f32 v11, v4;
	[tilespmem:s7+$0xFFFFFFA0] =	vst v9;
	v4 =	vor.u32 $0x80, v10  }
0x2bb: {  	[tilespmem:s7+$0xFFFFFFF0] =	vst v7;
	v4 =	vbroadcast v4, $0x0  }
0x2bc: {  	[tilespmem:s7+$0xFFFFFFC0] =	vst v8  }
0x2bd: {  	[tilespmem:s7+$0xFFFFFF90] =	vst v11  }
0x2be: {  	[tilespmem:s7+$0xFFFFFFD0] =	vst v3  }
.Ltmp4:
0x2bf: {  	[tilespmem:s7+$0xFFFFFFB0] =	vst v6;
	v7 =	vld [tilespmem:s7+$0x30];
	(pc) =	sbr.rel @p0 .LBB2_11-.Ltmp4, $4  }
0x2c0: {  	[tilespmem:s7+$0xFFFFFFE0] =	vst v5;
	v6 =	vld [tilespmem:s7+$0x20]  }
0x2c1: {  	v3 =	vld.idx.msk [tilespmem:v4+s0+$0x0], $0xffff  }
0x2c2: {  	v5 =	vld [tilespmem:s7+$0x0]  }
0x2c3: {  	v4 =	vld [tilespmem:s7+$0x10]  }
0x2c4: {  	_ =	sdelay $0x1  }
0x2c5: {  	v8 =	vld [tilespmem:s16+$0x50];
	s6 =	sadd.s32 $0x3, s19;
	v7 =	vmul.f32 v7, v3  }
0x2c6: {  	v9 =	vld [tilespmem:s16+$0x40];
	v10 =	vmov s6;
	v6 =	vmul.f32 v6, v3  }
0x2c7: {  	v1 =	vmul.f32 v1, v3;
	[tilespmem:s16+$0x30] =	vst v7;
	v7 =	vand.u32 $0x7F, v10  }
0x2c8: {  	v2 =	vmul.f32 v2, v3;
	[tilespmem:s16+$0x20] =	vst v6;
	v7 =	vor.u32 $0x80, v7  }
0x2c9: {  	[tilespmem:s16+$0x60] =	vst v1;
	v1 =	vmul.f32 v5, v3;
	v6 =	vbroadcast v7, $0x0  }
0x2ca: {  	[tilespmem:s16+$0x70] =	vst v2;
	v2 =	vmul.f32 v8, v3  }
0x2cb: {  	v8 =	vmul.f32 v9, v3;
	[tilespmem:s16+$0x0] =	vst v1  }
0x2cc: {  	[tilespmem:s16+$0x50] =	vst v2;
	v2 =	vmul.f32 v4, v3  }
0x2cd: {  	v59 =	vld [tilespmem:s16+$0xE0];
	[tilespmem:s16+$0x40] =	vst v8  }
0x2ce: {  	v7 =	vld [tilespmem:s16+$0x80];
	[tilespmem:s16+$0x10] =	vst v2  }
0x2cf: {  	v1 =	vld.idx.msk [tilespmem:v6+s0+$0x0], $0xffff  }
0x2d0: {  	v2 =	vld [tilespmem:s16+$0xB0]  }
0x2d1: {  	v3 =	vld [tilespmem:s16+$0xA0]  }
0x2d2: {  	v4 =	vld [tilespmem:s16+$0xD0]  }
0x2d3: {  	v5 =	vld [tilespmem:s16+$0xF0]  }
0x2d4: {  	v6 =	vld [tilespmem:s16+$0x90];
	v7 =	vmul.f32 v7, v1  }
0x2d5: {  	v8 =	vld [tilespmem:s16+$0xC0];
	v2 =	vmul.f32 v2, v1  }
0x2d6: {  	v3 =	vmul.f32 v3, v1;
	[tilespmem:s16+$0x80] =	vst v7  }
0x2d7: {  	v4 =	vmul.f32 v4, v1;
	[tilespmem:s16+$0xB0] =	vst v2  }
0x2d8: {  	v2 =	vmul.f32 v5, v1;
	[tilespmem:s16+$0xA0] =	vst v3  }
0x2d9: {  	s19 =	simm.s32 $0x0;
	v3 =	vmul.f32 v6, v1;
	[tilespmem:s16+$0xD0] =	vst v4  }
0x2da: {  	v4 =	vmul.f32 v8, v1;
	v1 =	vmul.f32 v59, v1;
	[tilespmem:s16+$0xF0] =	vst v2;
	v2 =	vmov s19  }
0x2db: {  	[tilespmem:s16+$0x90] =	vst v3;
	v2 =	vand.u32 $0x7C, v2  }
0x2dc: {  	[tilespmem:s16+$0xE0] =	vst v1;
	v1 =	vor.u32 $0x100, v2  }
0x2dd: {  	[tilespmem:s16+$0xC0] =	vst v4;
	s16 =	simm.s32 $0x19C80;
	v1 =	vbroadcast v1, $0x0  }
0x2de: {  	[spmem:s2] =	stream.indirect.scatter.add.f32 [tilespmem:s16], [sflag:$0x5], $0x80, s10, s4, $0xb8;
	[tilespmem:$0x1FC80] =	vst v63  }
0x2df: {  	_ =	swait.ge [sflag:s23], $0x3000  }
0x2e0: {  	[sflag:s23] =	ssyncset.done $0x0  }
0x2e1: {  	s16 =	simm.s32 $0x1CD80;
	[sflag:s23] =	ssyncadd.s32 $0xFFFFD000  }
0x2e2: {  	v3 =	vld [tilespmem:s16+$0xFFFFFF70]  }
0x2e3: {  	v1 =	vld.idx.msk [tilespmem:v1+s0+$0x0], $0xffff  }
0x2e4: {  	v4 =	vld [tilespmem:s16+$0xFFFFFF00]  }
0x2e5: {  	v5 =	vld [tilespmem:s16+$0xFFFFFF20]  }
0x2e6: {  	v6 =	vld [tilespmem:s16+$0xFFFFFF30]  }
0x2e7: {  	v2 =	vld [tilespmem:s16+$0xFFFFFF50]  }
0x2e8: {  	s17 =	simm.s32 $0x1;
	v8 =	vld [tilespmem:s16+$0xFFFFFF10];
	v3 =	vmul.f32 v3, v1  }
0x2e9: {  	v61 =	vmov s17;
	v7 =	vld [tilespmem:s16+$0xFFFFFF60];
	v4 =	vmul.f32 v4, v1  }
0x2ea: {  	v60 =	vld [tilespmem:s16+$0xFFFFFF40];
	v5 =	vmul.f32 v5, v1;
	[tilespmem:s16+$0xFFFFFF70] =	vst v3;
	v3 =	vand.u32 $0x7D, v61  }
0x2eb: {  	v6 =	vmul.f32 v6, v1;
	[tilespmem:s16+$0xFFFFFF00] =	vst v4;
	v3 =	vor.u32 $0x100, v3  }
0x2ec: {  	v2 =	vmul.f32 v2, v1;
	[tilespmem:s16+$0xFFFFFF20] =	vst v5;
	v3 =	vbroadcast v3, $0x0  }
0x2ed: {  	v4 =	vmul.f32 v8, v1;
	[tilespmem:s16+$0xFFFFFF30] =	vst v6  }
0x2ee: {  	v5 =	vmul.f32 v7, v1;
	[tilespmem:s16+$0xFFFFFF50] =	vst v2  }
0x2ef: {  	v1 =	vmul.f32 v60, v1;
	[tilespmem:s16+$0xFFFFFF10] =	vst v4  }
0x2f0: {  	[tilespmem:s16+$0xFFFFFF60] =	vst v5  }
0x2f1: {  	[tilespmem:s16+$0xFFFFFF40] =	vst v1;
	v1 =	vld [tilespmem:s16+$0xFFFFFF80]  }
0x2f2: {  	v3 =	vld.idx.msk [tilespmem:v3+s0+$0x0], $0xffff  }
0x2f3: {  	v2 =	vld [tilespmem:s16+$0xFFFFFFA0]  }
0x2f4: {  	v4 =	vld [tilespmem:s16+$0xFFFFFFF0]  }
0x2f5: {  	v5 =	vld [tilespmem:s16+$0xFFFFFFC0]  }
0x2f6: {  	v6 =	vld [tilespmem:s16+$0xFFFFFF90]  }
0x2f7: {  	s21 =	simm.s32 $0x2;
	v7 =	vld [tilespmem:s16+$0xFFFFFFD0];
	v1 =	vmul.f32 v1, v3  }
0x2f8: {  	v62 =	vmov s21;
	v8 =	vld [tilespmem:s16+$0xFFFFFFB0];
	v2 =	vmul.f32 v2, v3  }
0x2f9: {  	v63 =	vld [tilespmem:s16+$0xFFFFFFE0];
	v4 =	vmul.f32 v4, v3;
	[tilespmem:s16+$0xFFFFFF80] =	vst v1;
	v1 =	vand.u32 $0x7E, v62  }
0x2fa: {  	v5 =	vmul.f32 v5, v3;
	[tilespmem:s16+$0xFFFFFFA0] =	vst v2;
	v1 =	vor.u32 $0x100, v1  }
0x2fb: {  	v2 =	vmul.f32 v6, v3;
	[tilespmem:s16+$0xFFFFFFF0] =	vst v4;
	v4 =	vbroadcast v1, $0x0  }
0x2fc: {  	v6 =	vmul.f32 v7, v3;
	[tilespmem:s16+$0xFFFFFFC0] =	vst v5;
	v7 =	vld [tilespmem:s16+$0x30]  }
0x2fd: {  	v5 =	vmul.f32 v8, v3;
	v1 =	vld [tilespmem:s16+$0x60];
	[tilespmem:s16+$0xFFFFFF90] =	vst v2  }
0x2fe: {  	v3 =	vmul.f32 v63, v3;
	v2 =	vld [tilespmem:s16+$0x70];
	[tilespmem:s16+$0xFFFFFFD0] =	vst v6  }
0x2ff: {  	[tilespmem:s16+$0xFFFFFFB0] =	vst v5;
	v6 =	vld [tilespmem:s16+$0x20]  }
0x300: {  	[tilespmem:s16+$0xFFFFFFE0] =	vst v3;
	v5 =	vld [tilespmem:s16+$0x0]  }
0x301: {  	v3 =	vld.idx.msk [tilespmem:v4+s0+$0x0], $0xffff  }
0x302: {  	s7 =	simm.s32 $0x1CD80;
	s6 =	simm.s32 $0x4;
	v4 =	vld [tilespmem:s16+$0x10]  }
.LBB2_13:
0x303: {  	p0 =	slt.u32 s6, $0x5C  }
0x304: {  	v8 =	vld [tilespmem:s16+$0x50];
	s7 =	sadd.s32 $0x200, s7;
	s17 =	smov.u32 s6;
	s6 =	sadd.s32 $0x4, s6  }
0x305: {  	v9 =	vld [tilespmem:s16+$0x40];
	_ =	sdelay $0x1  }
0x306: {  	s21 =	sadd.s32 $0x3, s19;
	s19 =	smov.u32 s17;
	v7 =	vmul.f32 v7, v3;
	v5 =	vmul.f32 v5, v3  }
0x307: {  	v10 =	vmov s21;
	v6 =	vmul.f32 v6, v3;
	v4 =	vmul.f32 v4, v3  }
0x308: {  	v1 =	vmul.f32 v1, v3;
	v2 =	vmul.f32 v2, v3;
	[tilespmem:s16+$0x30] =	vst v7;
	v7 =	vand.u32 $0x7F, v10  }
0x309: {  	[tilespmem:s16+$0x20] =	vst v6;
	v6 =	vmul.f32 v9, v3;
	v3 =	vmul.f32 v8, v3;
	v7 =	vor.u32 $0x100, v7  }
0x30a: {  	[tilespmem:s16+$0x70] =	vst v2;
	v7 =	vbroadcast v7, $0x0;
	v8 =	vld [tilespmem:s16+$0x80]  }
0x30b: {  	[tilespmem:s16+$0x60] =	vst v1;
	v9 =	vld [tilespmem:s16+$0xF0]  }
0x30c: {  	v1 =	vld [tilespmem:s7+$0x60];
	[tilespmem:s16+$0x50] =	vst v3  }
0x30d: {  	v2 =	vld [tilespmem:s7+$0x70];
	[tilespmem:s16+$0x40] =	vst v6  }
0x30e: {  	[tilespmem:s16+$0x0] =	vst v5;
	v3 =	vld [tilespmem:s16+$0xD0]  }
0x30f: {  	[tilespmem:s16+$0x10] =	vst v4;
	v4 =	vld [tilespmem:s16+$0xB0]  }
0x310: {  	v5 =	vld.idx.msk [tilespmem:v7+s0+$0x0], $0xffff  }
0x311: {  	v6 =	vld [tilespmem:s16+$0x90]  }
0x312: {  	v7 =	vld [tilespmem:s16+$0xA0]  }
0x313: {  	v10 =	vld [tilespmem:s16+$0xC0]  }
0x314: {  	v11 =	vld [tilespmem:s16+$0xE0];
	_ =	sdelay $0x1  }
0x315: {  	v8 =	vmul.f32 v8, v5;
	v6 =	vmul.f32 v6, v5  }
0x316: {  	v12 =	vmov s19;
	v4 =	vmul.f32 v4, v5;
	v7 =	vmul.f32 v7, v5  }
0x317: {  	v12 =	vand.u32 $0x7C, v12;
	v3 =	vmul.f32 v3, v5;
	[tilespmem:s16+$0x80] =	vst v8;
	v8 =	vmul.f32 v10, v5  }
0x318: {  	v10 =	vor.u32 $0x100, v12;
	[tilespmem:s16+$0xB0] =	vst v4;
	v4 =	vmul.f32 v11, v5;
	v5 =	vmul.f32 v9, v5  }
0x319: {  	v9 =	vbroadcast v10, $0x0;
	[tilespmem:s16+$0xA0] =	vst v7  }
0x31a: {  	[tilespmem:s16+$0xD0] =	vst v3  }
0x31b: {  	v3 =	vld [tilespmem:s7+$0xFFFFFF50];
	[tilespmem:s16+$0xF0] =	vst v5  }
0x31c: {  	v5 =	vld [tilespmem:s7+$0xFFFFFF30];
	[tilespmem:s16+$0x90] =	vst v6  }
0x31d: {  	v6 =	vld [tilespmem:s7+$0xFFFFFF60];
	[tilespmem:s16+$0xC0] =	vst v8  }
0x31e: {  	v7 =	vld [tilespmem:s7+$0xFFFFFF70];
	[tilespmem:s16+$0xE0] =	vst v4;
	s16 =	smov.u32 s7  }
0x31f: {  	v4 =	vld.idx.msk [tilespmem:v9+s0+$0x0], $0xffff  }
0x320: {  	v8 =	vld [tilespmem:s7+$0xFFFFFF00]  }
0x321: {  	v9 =	vld [tilespmem:s7+$0xFFFFFF20]  }
0x322: {  	v10 =	vld [tilespmem:s7+$0xFFFFFF10]  }
0x323: {  	v11 =	vld [tilespmem:s7+$0xFFFFFF40];
	_ =	sdelay $0x1  }
0x324: {  	s17 =	sadd.s32 $0x1, s19;
	v7 =	vmul.f32 v7, v4;
	v8 =	vmul.f32 v8, v4  }
0x325: {  	v12 =	vmov s17;
	v6 =	vmul.f32 v6, v4;
	v9 =	vmul.f32 v9, v4  }
0x326: {  	v5 =	vmul.f32 v5, v4;
	v10 =	vmul.f32 v10, v4;
	[tilespmem:s7+$0xFFFFFF70] =	vst v7;
	v7 =	vand.u32 $0x7D, v12  }
0x327: {  	v3 =	vmul.f32 v3, v4;
	[tilespmem:s7+$0xFFFFFF00] =	vst v8;
	v8 =	vmul.f32 v11, v4;
	v4 =	vor.u32 $0x100, v7  }
0x328: {  	[tilespmem:s7+$0xFFFFFF20] =	vst v9;
	v4 =	vbroadcast v4, $0x0  }
0x329: {  	[tilespmem:s7+$0xFFFFFF30] =	vst v5  }
0x32a: {  	[tilespmem:s7+$0xFFFFFF50] =	vst v3;
	v3 =	vld [tilespmem:s7+$0xFFFFFFD0]  }
0x32b: {  	[tilespmem:s7+$0xFFFFFF10] =	vst v10;
	v5 =	vld [tilespmem:s7+$0xFFFFFFE0]  }
0x32c: {  	[tilespmem:s7+$0xFFFFFF60] =	vst v6;
	v6 =	vld [tilespmem:s7+$0xFFFFFFB0]  }
0x32d: {  	[tilespmem:s7+$0xFFFFFF40] =	vst v8;
	v7 =	vld [tilespmem:s7+$0xFFFFFFF0]  }
0x32e: {  	v4 =	vld.idx.msk [tilespmem:v4+s0+$0x0], $0xffff  }
0x32f: {  	v8 =	vld [tilespmem:s7+$0xFFFFFF80]  }
0x330: {  	v9 =	vld [tilespmem:s7+$0xFFFFFFA0]  }
0x331: {  	v10 =	vld [tilespmem:s7+$0xFFFFFFC0]  }
0x332: {  	v11 =	vld [tilespmem:s7+$0xFFFFFF90];
	_ =	sdelay $0x1  }
0x333: {  	s17 =	sadd.s32 $0x2, s19;
	v7 =	vmul.f32 v7, v4;
	v8 =	vmul.f32 v8, v4  }
0x334: {  	v12 =	vmov s17;
	v6 =	vmul.f32 v6, v4;
	v9 =	vmul.f32 v9, v4  }
0x335: {  	v5 =	vmul.f32 v5, v4;
	[tilespmem:s7+$0xFFFFFF80] =	vst v8;
	v8 =	vmul.f32 v10, v4;
	v10 =	vand.u32 $0x7E, v12  }
0x336: {  	v3 =	vmul.f32 v3, v4;
	v11 =	vmul.f32 v11, v4;
	[tilespmem:s7+$0xFFFFFFA0] =	vst v9;
	v4 =	vor.u32 $0x100, v10  }
0x337: {  	[tilespmem:s7+$0xFFFFFFF0] =	vst v7;
	v4 =	vbroadcast v4, $0x0  }
0x338: {  	[tilespmem:s7+$0xFFFFFFC0] =	vst v8  }
0x339: {  	[tilespmem:s7+$0xFFFFFF90] =	vst v11  }
0x33a: {  	[tilespmem:s7+$0xFFFFFFD0] =	vst v3  }
.Ltmp5:
0x33b: {  	[tilespmem:s7+$0xFFFFFFB0] =	vst v6;
	v7 =	vld [tilespmem:s7+$0x30];
	(pc) =	sbr.rel @p0 .LBB2_13-.Ltmp5, $4  }
0x33c: {  	[tilespmem:s7+$0xFFFFFFE0] =	vst v5;
	v6 =	vld [tilespmem:s7+$0x20]  }
0x33d: {  	v3 =	vld.idx.msk [tilespmem:v4+s0+$0x0], $0xffff  }
0x33e: {  	v5 =	vld [tilespmem:s7+$0x0]  }
0x33f: {  	v4 =	vld [tilespmem:s7+$0x10]  }
0x340: {  	_ =	sdelay $0x1  }
0x341: {  	v8 =	vld [tilespmem:s16+$0x50];
	s6 =	sadd.s32 $0x3, s19;
	v7 =	vmul.f32 v7, v3  }
0x342: {  	v9 =	vld [tilespmem:s16+$0x40];
	v10 =	vmov s6;
	v2 =	vmul.f32 v2, v3  }
0x343: {  	v54 =	vand.u32 $0x7F, v10;
	v1 =	vmul.f32 v1, v3;
	[tilespmem:s16+$0x30] =	vst v7  }
0x344: {  	v6 =	vmul.f32 v6, v3;
	v7 =	vor.u32 $0x100, v54;
	[tilespmem:s16+$0x70] =	vst v2  }
0x345: {  	[tilespmem:s16+$0x60] =	vst v1;
	v1 =	vmul.f32 v5, v3;
	v55 =	vbroadcast v7, $0x0  }
0x346: {  	[tilespmem:s16+$0x20] =	vst v6;
	v2 =	vmul.f32 v8, v3  }
0x347: {  	v57 =	vmul.f32 v9, v3;
	[tilespmem:s16+$0x0] =	vst v1  }
0x348: {  	[tilespmem:s16+$0x50] =	vst v2;
	v2 =	vmul.f32 v4, v3  }
0x349: {  	[tilespmem:s16+$0x40] =	vst v57  }
0x34a: {  	v56 =	vld [tilespmem:s16+$0x80];
	[tilespmem:s16+$0x10] =	vst v2  }
0x34b: {  	v1 =	vld.idx.msk [tilespmem:v55+s0+$0x0], $0xffff  }
0x34c: {  	v2 =	vld [tilespmem:s16+$0xB0]  }
0x34d: {  	v3 =	vld [tilespmem:s16+$0xA0]  }
0x34e: {  	v58 =	vld [tilespmem:s16+$0xD0]  }
0x34f: {  	v61 =	vld [tilespmem:s16+$0xC0]  }
0x350: {  	v59 =	vld [tilespmem:s16+$0xF0];
	v7 =	vmul.f32 v56, v1  }
0x351: {  	v60 =	vld [tilespmem:s16+$0x90];
	v2 =	vmul.f32 v2, v1  }
0x352: {  	v62 =	vld [tilespmem:s16+$0xE0];
	v3 =	vmul.f32 v3, v1;
	[tilespmem:s16+$0x80] =	vst v7  }
0x353: {  	v4 =	vmul.f32 v58, v1;
	[tilespmem:s16+$0xB0] =	vst v2  }
0x354: {  	v63 =	vmul.f32 v61, v1;
	[tilespmem:s16+$0xA0] =	vst v3  }
0x355: {  	v2 =	vmul.f32 v59, v1;
	[tilespmem:s16+$0xD0] =	vst v4  }
0x356: {  	v3 =	vmul.f32 v60, v1;
	[tilespmem:s16+$0xC0] =	vst v63  }
0x357: {  	v1 =	vmul.f32 v62, v1;
	[tilespmem:s16+$0xF0] =	vst v2  }
0x358: {  	[tilespmem:s16+$0x90] =	vst v3  }
0x359: {  	s21 =	simm.s32 $0x1CC80;
	[tilespmem:s16+$0xE0] =	vst v1  }
0x35a: {  	[spmem:s2] =	stream.indirect.scatter.add.f32 [tilespmem:s21], [sflag:$0x6], $0x80, s12, s4, $0xb8;
	[tilespmem:$0x1FC80] =	vst v63  }
0x35b: {  	_ =	swait.ge [sflag:s26], $0x3000  }
0x35c: {  	[sflag:s26] =	ssyncset.done $0x0  }
0x35d: {  	s1 =	sadd.s32 $0x1, s1;
	[sflag:s26] =	ssyncadd.s32 $0xFFFFD000  }
0x35e: {  	p0 =	sne.s32 s1, $0x24;
	_ =	swait.ge [sflag:s28], $0x3000  }
.Ltmp6:
0x35f: {  	[sflag:s28] =	ssyncset.done $0x0;
	(pc) =	sbr.rel @p0 .LBB2_8-.Ltmp6, $4  }
0x360: {  	[sflag:s28] =	ssyncadd.s32 $0xFFFFD000  }
0x361: {  	_ =	swait.ge [sflag:s9], $0x3000  }
0x362: {  	[sflag:s9] =	ssyncset.done $0x0  }
0x363: {  	[sflag:s9] =	ssyncadd.s32 $0xFFFFD000  }
0x364: {  	s1 =	stileid.u32;
	[bflag:$0x0] =	sbarrier.arrive $0xFFFF  }
0x365: {  	s1 =	sshll.u32 s1, $0x6;
	s15 =	rddreg [dreg:$0x6]  }
0x366: {  	s7 =	rddreg [dreg:$0x14];
	s1 =	sor.u32 $0x1C07, s1;
	s6 =	sshrl.u32 s15, $0x3  }
0x367: {  	[hbm:s7], [sflag:s1] =	dma.local [spmem:s6], $0x2780  }
0x368: {  	_ =	swait.ge [sflag:s30], $0x2780  }
0x369: {  	s19 =	rddreg [dreg:$0x17]  }
0x36a: {  	s21 =	rddreg [dreg:$0x13];
	s6 =	sadd.s32 $0x1, s19  }
0x36b: {  	p0 =	sne.s32 s6, s21  }
.Ltmp7:
0x36c: {  	_ = 	snop;
	(pc) =	sbr.rel @p0 .LBB2_1-.Ltmp7, $3  }
0x36d: {  	_ =	sdelay $0x1  }
0x36e: {  	[sflag:s30] =	ssyncset.done $0x0  }
0x36f: {  	s17 =	rddreg [dreg:$0xc];
	[sflag:s30] =	ssyncadd.s32 $0xFFFFD880  }
0x370: {  	_ =	sfence.sel $0x180000  }
0x371: {  	[bflag:$0x0] =	sbarrier.arrive $0xFFFF  }
0x372: {  	_ =	strace $0x90000047  }
0x373: {  	s0 =	stileid.u32;
	[bflag:$0x2] =	sbarrier.arrive $0xFFFF  }
0x374: {  	p0 =	sne.s32 s0, $0x0;
	s0 =	rddreg [dreg:$0x4]  }
0x375: {  	s0 =	sadd.s32 @!p0 $0x100000, s0  }
0x376: {  	[sflag:s0] =	ssyncadd.tile.s32 @!p0 $0x1;
	_ =	shalt  }
.Lfunc_end2:
_tile_overlayer_lowered:
.L_overlay_start_2:
0x377: {  	(tag) =	ssettag $0x2  }
0x378: {  	s0 =	rddreg [dreg:$0x0];
	s2 =	stileid.u32  }
0x379: {  	s1 =	rddreg [dreg:$0x1];
	p0 =	sne.s32 s2, $0x0  }
0x37a: {  	s3 =	rddreg [dreg:$0x2];
	[bflag:$0x3] =	sbarrier.arrive $0xFFFF;
	s2 =	simm.s32 @!p0 $0x1C07  }
0x37b: {  	[timem:s3], [sflag:s2] =	dma.local @!p0 [hbm:s0], s1  }
0x37c: {  	s0 =	simm.s32 @!p0 $0x7  }
0x37d: {  	_ =	swait.ge @!p0 [sflag:s0], s1  }
0x37e: {  	s1 =	ssub.s32 @!p0 $0x0, s1;
	[sflag:s0] =	ssyncset.done @!p0 $0x0  }
0x37f: {  	[sflag:s0] =	ssyncadd.s32 @!p0 s1  }
0x380: {  	[bflag:$0x3] =	sbarrier.arrive $0xFFFF  }
0x381: {  	_ =	shalt  }

</sc_bundles>
